<compile_context>
chip_gen: v7x
topology: tpu7x:2x2x1
jax: 0.10.2.dev20260603
libtpu: 0.0.44.dev20260713+nightly
codegen_flags: <defaults>
</compile_context>

<pallas_src>
import jax
import jax.numpy as jnp
from jax import lax
from jax.experimental import pallas as pl
from jax.experimental.pallas import tpu as pltpu
from jax.experimental.pallas import tpu_sc as plsc

B = 4096
S = 200
F = 32
E_VAR = 32
E_TIME = 16
E_SECT = 32
E_OUT = F + E_VAR + E_TIME + E_SECT
NC, NS = 2, 16
BB = B // NS
NTASK = S // NC
TSTR = F + 1


def _t2v_body(t_ref, wt_ref, bt_ref, out_ref):
    xa = t_ref[...] * wt_ref[...] + bt_ref[...]
    row = lax.broadcasted_iota(jnp.int32, (E_TIME, 2), 0)
    val = jnp.where(row == 0, xa, jnp.sin(xa))
    lane = lax.broadcasted_iota(jnp.int32, (E_TIME, 2 * BB), 1)
    out_ref[...] = jnp.where(
        lane < BB,
        jnp.broadcast_to(val[:, 0:1], (E_TIME, 2 * BB)),
        jnp.broadcast_to(val[:, 1:2], (E_TIME, 2 * BB)),
    )


def _time_pattern(t2, t2v_w, t2v_b):
    return pl.pallas_call(
        _t2v_body,
        out_shape=jax.ShapeDtypeStruct((E_TIME, 2 * BB), jnp.float32),
    )(t2.reshape(1, 2), t2v_w.T, t2v_b.T)


def _sc_body(seq_hbm, vidx_hbm, sidx_hbm, var_hbm, sect_hbm, pat_hbm, out_hbm,
             vidx_v, sidx_v, var_v, sect_v, out_v,
             sem_i, sem_q, sem_w):
    par = lax.axis_index("c")
    bb0 = pl.multiple_of(lax.axis_index("s") * BB, BB)
    pltpu.sync_copy(var_hbm, var_v)
    pltpu.sync_copy(sect_hbm, sect_v)
    poff = pl.multiple_of(par * BB, BB)
    for b in range(2):
        pltpu.sync_copy(pat_hbm.at[:, pl.ds(poff, BB)],
                        out_v.at[b, pl.ds(F + E_VAR, E_TIME), :])

    def row_of(j):
        return par + 2 * j

    def start_loads(j, b):
        pltpu.async_copy(vidx_hbm.at[row_of(j), pl.ds(bb0, BB)],
                         vidx_v.at[b], sem_i)
        pltpu.async_copy(sidx_hbm.at[row_of(j), pl.ds(bb0, BB)],
                         sidx_v.at[b], sem_i)
        pltpu.async_copy(seq_hbm.at[row_of(j), :, pl.ds(bb0, BB)],
                         out_v.at[b, pl.ds(0, F), :], sem_q)

    def wait_loads(j, b):
        pltpu.make_async_copy(vidx_hbm.at[row_of(j), pl.ds(bb0, BB)],
                              vidx_v.at[b], sem_i).wait()
        pltpu.make_async_copy(sidx_hbm.at[row_of(j), pl.ds(bb0, BB)],
                              sidx_v.at[b], sem_i).wait()
        pltpu.make_async_copy(seq_hbm.at[row_of(j), :, pl.ds(bb0, BB)],
                              out_v.at[b, pl.ds(0, F), :], sem_q).wait()

    def wait_write(j, b):
        pltpu.make_async_copy(out_v.at[b],
                              out_hbm.at[row_of(j), :, pl.ds(bb0, BB)],
                              sem_w).wait()

    start_loads(0, 0)

    def task(j, carry):
        pb = lax.rem(j, 2)

        @pl.when(j + 1 < NTASK)
        def _():
            @pl.when(j >= 1)
            def _():
                wait_write(j - 1, 1 - pb)
            start_loads(j + 1, 1 - pb)

        wait_loads(j, pb)

        @plsc.parallel_loop(0, BB, step=16, unroll=2)
        def _group(lo):
            bi = vidx_v[pb, pl.ds(lo, 16)] * TSTR
            si = sidx_v[pb, pl.ds(lo, 16)] * TSTR
            for e in range(F):
                out_v[pb, F + e, pl.ds(lo, 16)] = (
                    plsc.load_gather(var_v, [bi + e]))
                out_v[pb, F + E_VAR + E_TIME + e, pl.ds(lo, 16)] = (
                    plsc.load_gather(sect_v, [si + e]))

        pltpu.async_copy(out_v.at[pb],
                         out_hbm.at[row_of(j), :, pl.ds(bb0, BB)], sem_w)
        return carry

    lax.fori_loop(0, NTASK, task, 0)
    wait_write(NTASK - 1, (NTASK - 1) % 2)


_sc_call = pl.kernel(
    _sc_body,
    out_type=jax.ShapeDtypeStruct((S, E_OUT, B), jnp.float32),
    mesh=plsc.VectorSubcoreMesh(
        core_axis_name="c", subcore_axis_name="s",
        num_cores=NC, num_subcores=NS),
    scratch_types=[
        pltpu.VMEM((2, BB), jnp.int32),
        pltpu.VMEM((2, BB), jnp.int32),
        pltpu.VMEM((100 * TSTR,), jnp.float32),
        pltpu.VMEM((100 * TSTR,), jnp.float32),
        pltpu.VMEM((2, E_OUT, BB), jnp.float32),
        pltpu.SemaphoreType.DMA,
        pltpu.SemaphoreType.DMA,
        pltpu.SemaphoreType.DMA,
    ],
    compiler_params=pltpu.CompilerParams(use_tc_tiling_on_sc=True,
                                         needs_layout_passes=False),
)


def kernel(sequence, time_index_sequence, variable_index_sequence,
           sector_index_sequence, var_table, sect_table, t2v_w, t2v_b):
    t2 = time_index_sequence[0, :2].astype(jnp.float32)
    pattern = _time_pattern(t2, t2v_w, t2v_b)
    seqT = jnp.transpose(sequence, (1, 2, 0))
    vidxT = variable_index_sequence.T
    sidxT = sector_index_sequence.T
    varp = jnp.pad(var_table, ((0, 0), (0, TSTR - F))).reshape(100 * TSTR)
    sectp = jnp.pad(sect_table, ((0, 0), (0, TSTR - F))).reshape(100 * TSTR)
    outT = _sc_call(seqT, vidxT, sidxT, varp, sectp, pattern)
    return jnp.transpose(outT, (2, 0, 1))

# --- scband reference (transcript-rebuilt; emitter-appended) ---
"""Pipeline reference for scband-embedding-generator-8426725835117 (READ-ONLY COPY).

The authoritative reference and input builder live on the scoring server;
editing this copy changes nothing except your own understanding.
"""

import jax, jax.numpy as jnp
import numpy as np
import math

B = 4096
S = 200
F = 32
INPUT_SIZE = 100
INPUT_DIM = S // INPUT_SIZE  # 2
E_TIME = 16
E_VAR = 32
E_SECT = 32


def setup_inputs(seed: int = 0) -> dict:
    key = jax.random.key(seed)
    k1, k2, k3, k4, k5, k6, k7, k8 = jax.random.split(key, 8)
    sequence = jax.random.normal(k1, (B, S, F), dtype=jnp.float32)
    time_index_sequence = jax.random.randint(k2, (B, S), 0, 1000, dtype=jnp.int32)
    variable_index_sequence = jax.random.randint(k3, (B, S), 0, INPUT_SIZE, dtype=jnp.int32)
    sector_index_sequence = jax.random.randint(k4, (B, S), 0, INPUT_SIZE, dtype=jnp.int32)
    # xavier_uniform bound = sqrt(6/(fan_in+fan_out))
    bv = math.sqrt(6.0 / (INPUT_SIZE + E_VAR))
    bs = math.sqrt(6.0 / (INPUT_SIZE + E_SECT))
    var_table = jax.random.uniform(k5, (INPUT_SIZE, E_VAR), minval=-bv, maxval=bv, dtype=jnp.float32)
    sect_table = jax.random.uniform(k6, (INPUT_SIZE, E_SECT), minval=-bs, maxval=bs, dtype=jnp.float32)
    t2v_w = jax.random.normal(k7, (INPUT_DIM, E_TIME), dtype=jnp.float32)
    t2v_b = jax.random.normal(k8, (INPUT_DIM, E_TIME), dtype=jnp.float32)
    return {
        "sequence": sequence,
        "time_index_sequence": time_index_sequence,
        "variable_index_sequence": variable_index_sequence,
        "sector_index_sequence": sector_index_sequence,
        "var_table": var_table,
        "sect_table": sect_table,
        "t2v_w": t2v_w,
        "t2v_b": t2v_b,
    }


def reference(sequence, time_index_sequence, variable_index_sequence, sector_index_sequence, var_table, sect_table, t2v_w, t2v_b):
    b, s, _ = sequence.shape
    # sector / variable embeddings: gather rows then reshape to (B, S, E)
    sect_emb = jnp.take(sect_table, sector_index_sequence.reshape(-1), axis=0).reshape(b, s, -1)
    var_emb = jnp.take(var_table, variable_index_sequence.reshape(-1), axis=0).reshape(b, s, -1)
    # Time2Vec on the first INPUT_DIM time indices of row 0
    t = time_index_sequence[0, :INPUT_DIM].astype(jnp.float32)
    # torch.matmul(diag_embed(t), W) == t[:, None] * W
    x_affine = t[:, None] * t2v_w + t2v_b  # [INPUT_DIM, E_TIME]
    x0 = x_affine[:, :1]
    xr = jnp.sin(x_affine[:, 1:])
    t2v = jnp.concatenate([x0, xr], axis=-1)  # [INPUT_DIM, E_TIME]
    time_emb = jnp.tile(t2v[None, :, :], (b, INPUT_SIZE, 1))  # [B, S, E_TIME]
    return jnp.concatenate([sequence, var_emb, time_emb, sect_emb], axis=2)

if __name__ == "__main__":
    import jax
    _d = setup_inputs()
    print(jax.jit(kernel)(*tuple(_d.values())))

</pallas_src>

<mosaic_0001>
#map = affine_map<(d0, d1) -> (0, 0, 0)>
#map1 = affine_map<(d0, d1) -> (0, 0)>
#map2 = affine_map<(d0, d1) -> (0)>
module attributes {stable_mosaic.version = 14 : i64} {
  func.func @_sc_body(%arg0: i32, %arg1: i32, %arg2: memref<200x32x4096xf32, #tpu.memory_space<hbm>>, %arg3: memref<200x4096xi32, #tpu.memory_space<hbm>>, %arg4: memref<200x4096xi32, #tpu.memory_space<hbm>>, %arg5: memref<3300xf32, #tpu.memory_space<hbm>>, %arg6: memref<3300xf32, #tpu.memory_space<hbm>>, %arg7: memref<16x512xf32, #tpu.memory_space<hbm>>, %arg8: memref<200x112x4096xf32, #tpu.memory_space<hbm>>, %arg9: memref<2x256xi32, #tpu.memory_space<vmem>>, %arg10: memref<2x256xi32, #tpu.memory_space<vmem>>, %arg11: memref<3300xf32, #tpu.memory_space<vmem>>, %arg12: memref<3300xf32, #tpu.memory_space<vmem>>, %arg13: memref<2x112x256xf32, #tpu.memory_space<vmem>>, %arg14: memref<!tpu.dma_semaphore, #tpu.memory_space<semaphore_mem>>, %arg15: memref<!tpu.dma_semaphore, #tpu.memory_space<semaphore_mem>>, %arg16: memref<!tpu.dma_semaphore, #tpu.memory_space<semaphore_mem>>) attributes {dimension_semantics = [#tpu.dimension_semantics<core_parallel>, #tpu.dimension_semantics<subcore_parallel>], iteration_bounds = array<i64: 2, 16>, scalar_prefetch = 0 : i64, scratch_operands = 8 : i64, tpu.core_type = #tpu.core_type<sc_vector_subcore>, window_params = [{transform_indices = #map}, {transform_indices = #map1}, {transform_indices = #map1}, {transform_indices = #map2}, {transform_indices = #map2}, {transform_indices = #map1}, {transform_indices = #map}]} {
    %mul3A = arith.constant 256 : i32
    %mul3A_0 = arith.muli %arg1, %mul3A : i32
    %multiple_of3A = tpu.assume_multiple %mul3A_0, 256 : i32
    "tpu.region"() ({
      %run_scoped3A_67 = tpu.sem_alloc : memref<!tpu.dma_semaphore, #tpu.memory_space<semaphore_mem>>
      tpu.enqueue_dma source(%arg5 : memref<3300xf32, #tpu.memory_space<hbm>>) target(%arg11 : memref<3300xf32, #tpu.memory_space<vmem>>) target_semaphore(%run_scoped3A_67 : memref<!tpu.dma_semaphore, #tpu.memory_space<semaphore_mem>>)
      tpu.wait_dma2 semaphore(%run_scoped3A_67 : memref<!tpu.dma_semaphore, #tpu.memory_space<semaphore_mem>>) src(%arg5 : memref<3300xf32, #tpu.memory_space<hbm>>) dst(%arg11 : memref<3300xf32, #tpu.memory_space<vmem>>)
      tpu.yield
    }) : () -> ()
    "tpu.region"() ({
      %run_scoped3A_67 = tpu.sem_alloc : memref<!tpu.dma_semaphore, #tpu.memory_space<semaphore_mem>>
      tpu.enqueue_dma source(%arg6 : memref<3300xf32, #tpu.memory_space<hbm>>) target(%arg12 : memref<3300xf32, #tpu.memory_space<vmem>>) target_semaphore(%run_scoped3A_67 : memref<!tpu.dma_semaphore, #tpu.memory_space<semaphore_mem>>)
      tpu.wait_dma2 semaphore(%run_scoped3A_67 : memref<!tpu.dma_semaphore, #tpu.memory_space<semaphore_mem>>) src(%arg6 : memref<3300xf32, #tpu.memory_space<hbm>>) dst(%arg12 : memref<3300xf32, #tpu.memory_space<vmem>>)
      tpu.yield
    }) : () -> ()
    %mul3A_1 = arith.constant 256 : i32
    %mul3A_2 = arith.muli %arg0, %mul3A_1 : i32
    %multiple_of3A_3 = tpu.assume_multiple %mul3A_2, 256 : i32
    %run_scoped3A = arith.constant 0 : i32
    "tpu.region"() ({
      %run_scoped3A_67 = tpu.sem_alloc : memref<!tpu.dma_semaphore, #tpu.memory_space<semaphore_mem>>
      %dma_start3A_68 = arith.constant 64 : i32
      %dma_start3A_69 = arith.constant 0 : i32
      %dma_start3A_70 = tpu.memref_slice %arg13[%run_scoped3A, %dma_start3A_68, %dma_start3A_69] : memref<2x112x256xf32, #tpu.memory_space<vmem>> -> memref<1x16x256xf32, #tpu.memory_space<vmem>>
      %dma_start3A_71 = tpu.memref_squeeze %dma_start3A_70 : memref<1x16x256xf32, #tpu.memory_space<vmem>> -> memref<16x256xf32, #tpu.memory_space<vmem>>
      %dma_start3A_72 = arith.constant 0 : i32
      %dma_start3A_73 = tpu.memref_slice %arg7[%dma_start3A_72, %multiple_of3A_3] : memref<16x512xf32, #tpu.memory_space<hbm>> -> memref<16x256xf32, #tpu.memory_space<hbm>>
      %dma_start3A_74 = arith.constant 64 : i32
      %dma_start3A_75 = arith.constant 0 : i32
      %dma_start3A_76 = tpu.memref_slice %arg13[%run_scoped3A, %dma_start3A_74, %dma_start3A_75] : memref<2x112x256xf32, #tpu.memory_space<vmem>> -> memref<1x16x256xf32, #tpu.memory_space<vmem>>
      %dma_start3A_77 = tpu.memref_squeeze %dma_start3A_76 : memref<1x16x256xf32, #tpu.memory_space<vmem>> -> memref<16x256xf32, #tpu.memory_space<vmem>>
      %dma_start3A_78 = arith.constant 0 : i32
      %dma_start3A_79 = tpu.memref_slice %arg7[%dma_start3A_78, %multiple_of3A_3] : memref<16x512xf32, #tpu.memory_space<hbm>> -> memref<16x256xf32, #tpu.memory_space<hbm>>
      tpu.enqueue_dma source(%dma_start3A_79 : memref<16x256xf32, #tpu.memory_space<hbm>>) target(%dma_start3A_77 : memref<16x256xf32, #tpu.memory_space<vmem>>) target_semaphore(%run_scoped3A_67 : memref<!tpu.dma_semaphore, #tpu.memory_space<semaphore_mem>>)
      %dma_wait3A_80 = arith.constant 64 : i32
      %dma_wait3A_81 = arith.constant 0 : i32
      %dma_wait3A_82 = tpu.memref_slice %arg13[%run_scoped3A, %dma_wait3A_80, %dma_wait3A_81] : memref<2x112x256xf32, #tpu.memory_space<vmem>> -> memref<1x16x256xf32, #tpu.memory_space<vmem>>
      %dma_wait3A_83 = tpu.memref_squeeze %dma_wait3A_82 : memref<1x16x256xf32, #tpu.memory_space<vmem>> -> memref<16x256xf32, #tpu.memory_space<vmem>>
      %dma_wait3A_84 = arith.constant 0 : i32
      %dma_wait3A_85 = tpu.memref_slice %arg7[%dma_wait3A_84, %multiple_of3A_3] : memref<16x512xf32, #tpu.memory_space<hbm>> -> memref<16x256xf32, #tpu.memory_space<hbm>>
      %dma_wait3A_86 = arith.constant 64 : i32
      %dma_wait3A_87 = arith.constant 0 : i32
      %dma_wait3A_88 = tpu.memref_slice %arg13[%run_scoped3A, %dma_wait3A_86, %dma_wait3A_87] : memref<2x112x256xf32, #tpu.memory_space<vmem>> -> memref<1x16x256xf32, #tpu.memory_space<vmem>>
      %dma_wait3A_89 = tpu.memref_squeeze %dma_wait3A_88 : memref<1x16x256xf32, #tpu.memory_space<vmem>> -> memref<16x256xf32, #tpu.memory_space<vmem>>
      %dma_wait3A_90 = arith.constant 0 : i32
      %dma_wait3A_91 = tpu.memref_slice %arg7[%dma_wait3A_90, %multiple_of3A_3] : memref<16x512xf32, #tpu.memory_space<hbm>> -> memref<16x256xf32, #tpu.memory_space<hbm>>
      tpu.wait_dma2 semaphore(%run_scoped3A_67 : memref<!tpu.dma_semaphore, #tpu.memory_space<semaphore_mem>>) src(%dma_wait3A_91 : memref<16x256xf32, #tpu.memory_space<hbm>>) dst(%dma_wait3A_89 : memref<16x256xf32, #tpu.memory_space<vmem>>)
      tpu.yield
    }) : () -> ()
    %run_scoped3A_4 = arith.constant 1 : i32
    "tpu.region"() ({
      %run_scoped3A_67 = tpu.sem_alloc : memref<!tpu.dma_semaphore, #tpu.memory_space<semaphore_mem>>
      %dma_start3A_68 = arith.constant 64 : i32
      %dma_start3A_69 = arith.constant 0 : i32
      %dma_start3A_70 = tpu.memref_slice %arg13[%run_scoped3A_4, %dma_start3A_68, %dma_start3A_69] : memref<2x112x256xf32, #tpu.memory_space<vmem>> -> memref<1x16x256xf32, #tpu.memory_space<vmem>>
      %dma_start3A_71 = tpu.memref_squeeze %dma_start3A_70 : memref<1x16x256xf32, #tpu.memory_space<vmem>> -> memref<16x256xf32, #tpu.memory_space<vmem>>
      %dma_start3A_72 = arith.constant 0 : i32
      %dma_start3A_73 = tpu.memref_slice %arg7[%dma_start3A_72, %multiple_of3A_3] : memref<16x512xf32, #tpu.memory_space<hbm>> -> memref<16x256xf32, #tpu.memory_space<hbm>>
      %dma_start3A_74 = arith.constant 64 : i32
      %dma_start3A_75 = arith.constant 0 : i32
      %dma_start3A_76 = tpu.memref_slice %arg13[%run_scoped3A_4, %dma_start3A_74, %dma_start3A_75] : memref<2x112x256xf32, #tpu.memory_space<vmem>> -> memref<1x16x256xf32, #tpu.memory_space<vmem>>
      %dma_start3A_77 = tpu.memref_squeeze %dma_start3A_76 : memref<1x16x256xf32, #tpu.memory_space<vmem>> -> memref<16x256xf32, #tpu.memory_space<vmem>>
      %dma_start3A_78 = arith.constant 0 : i32
      %dma_start3A_79 = tpu.memref_slice %arg7[%dma_start3A_78, %multiple_of3A_3] : memref<16x512xf32, #tpu.memory_space<hbm>> -> memref<16x256xf32, #tpu.memory_space<hbm>>
      tpu.enqueue_dma source(%dma_start3A_79 : memref<16x256xf32, #tpu.memory_space<hbm>>) target(%dma_start3A_77 : memref<16x256xf32, #tpu.memory_space<vmem>>) target_semaphore(%run_scoped3A_67 : memref<!tpu.dma_semaphore, #tpu.memory_space<semaphore_mem>>)
      %dma_wait3A_80 = arith.constant 64 : i32
      %dma_wait3A_81 = arith.constant 0 : i32
      %dma_wait3A_82 = tpu.memref_slice %arg13[%run_scoped3A_4, %dma_wait3A_80, %dma_wait3A_81] : memref<2x112x256xf32, #tpu.memory_space<vmem>> -> memref<1x16x256xf32, #tpu.memory_space<vmem>>
      %dma_wait3A_83 = tpu.memref_squeeze %dma_wait3A_82 : memref<1x16x256xf32, #tpu.memory_space<vmem>> -> memref<16x256xf32, #tpu.memory_space<vmem>>
      %dma_wait3A_84 = arith.constant 0 : i32
      %dma_wait3A_85 = tpu.memref_slice %arg7[%dma_wait3A_84, %multiple_of3A_3] : memref<16x512xf32, #tpu.memory_space<hbm>> -> memref<16x256xf32, #tpu.memory_space<hbm>>
      %dma_wait3A_86 = arith.constant 64 : i32
      %dma_wait3A_87 = arith.constant 0 : i32
      %dma_wait3A_88 = tpu.memref_slice %arg13[%run_scoped3A_4, %dma_wait3A_86, %dma_wait3A_87] : memref<2x112x256xf32, #tpu.memory_space<vmem>> -> memref<1x16x256xf32, #tpu.memory_space<vmem>>
      %dma_wait3A_89 = tpu.memref_squeeze %dma_wait3A_88 : memref<1x16x256xf32, #tpu.memory_space<vmem>> -> memref<16x256xf32, #tpu.memory_space<vmem>>
      %dma_wait3A_90 = arith.constant 0 : i32
      %dma_wait3A_91 = tpu.memref_slice %arg7[%dma_wait3A_90, %multiple_of3A_3] : memref<16x512xf32, #tpu.memory_space<hbm>> -> memref<16x256xf32, #tpu.memory_space<hbm>>
      tpu.wait_dma2 semaphore(%run_scoped3A_67 : memref<!tpu.dma_semaphore, #tpu.memory_space<semaphore_mem>>) src(%dma_wait3A_91 : memref<16x256xf32, #tpu.memory_space<hbm>>) dst(%dma_wait3A_89 : memref<16x256xf32, #tpu.memory_space<vmem>>)
      tpu.yield
    }) : () -> ()
    %add3A = arith.constant 0 : i32
    %add3A_5 = arith.addi %arg0, %add3A : i32
    %dma_start3A = arith.constant 0 : i32
    %dma_start3A_6 = arith.constant 0 : i32
    %dma_start3A_7 = tpu.memref_slice %arg9[%dma_start3A, %dma_start3A_6] : memref<2x256xi32, #tpu.memory_space<vmem>> -> memref<1x256xi32, #tpu.memory_space<vmem>>
    %dma_start3A_8 = tpu.memref_squeeze %dma_start3A_7 : memref<1x256xi32, #tpu.memory_space<vmem>> -> memref<256xi32, #tpu.memory_space<vmem>>
    %dma_start3A_9 = tpu.memref_slice %arg3[%add3A_5, %multiple_of3A] : memref<200x4096xi32, #tpu.memory_space<hbm>> -> memref<1x256xi32, #tpu.memory_space<hbm>>
    %dma_start3A_10 = tpu.memref_squeeze %dma_start3A_9 : memref<1x256xi32, #tpu.memory_space<hbm>> -> memref<256xi32, #tpu.memory_space<hbm>>
    %dma_start3A_11 = arith.constant 0 : i32
    %dma_start3A_12 = tpu.memref_slice %arg9[%dma_start3A, %dma_start3A_11] : memref<2x256xi32, #tpu.memory_space<vmem>> -> memref<1x256xi32, #tpu.memory_space<vmem>>
    %dma_start3A_13 = tpu.memref_squeeze %dma_start3A_12 : memref<1x256xi32, #tpu.memory_space<vmem>> -> memref<256xi32, #tpu.memory_space<vmem>>
    %dma_start3A_14 = tpu.memref_slice %arg3[%add3A_5, %multiple_of3A] : memref<200x4096xi32, #tpu.memory_space<hbm>> -> memref<1x256xi32, #tpu.memory_space<hbm>>
    %dma_start3A_15 = tpu.memref_squeeze %dma_start3A_14 : memref<1x256xi32, #tpu.memory_space<hbm>> -> memref<256xi32, #tpu.memory_space<hbm>>
    tpu.enqueue_dma source(%dma_start3A_15 : memref<256xi32, #tpu.memory_space<hbm>>) target(%dma_start3A_13 : memref<256xi32, #tpu.memory_space<vmem>>) target_semaphore(%arg14 : memref<!tpu.dma_semaphore, #tpu.memory_space<semaphore_mem>>)
    %add3A_16 = arith.constant 0 : i32
    %add3A_17 = arith.addi %arg0, %add3A_16 : i32
    %dma_start3A_18 = arith.constant 0 : i32
    %dma_start3A_19 = arith.constant 0 : i32
    %dma_start3A_20 = tpu.memref_slice %arg10[%dma_start3A_18, %dma_start3A_19] : memref<2x256xi32, #tpu.memory_space<vmem>> -> memref<1x256xi32, #tpu.memory_space<vmem>>
    %dma_start3A_21 = tpu.memref_squeeze %dma_start3A_20 : memref<1x256xi32, #tpu.memory_space<vmem>> -> memref<256xi32, #tpu.memory_space<vmem>>
    %dma_start3A_22 = tpu.memref_slice %arg4[%add3A_17, %multiple_of3A] : memref<200x4096xi32, #tpu.memory_space<hbm>> -> memref<1x256xi32, #tpu.memory_space<hbm>>
    %dma_start3A_23 = tpu.memref_squeeze %dma_start3A_22 : memref<1x256xi32, #tpu.memory_space<hbm>> -> memref<256xi32, #tpu.memory_space<hbm>>
    %dma_start3A_24 = arith.constant 0 : i32
    %dma_start3A_25 = tpu.memref_slice %arg10[%dma_start3A_18, %dma_start3A_24] : memref<2x256xi32, #tpu.memory_space<vmem>> -> memref<1x256xi32, #tpu.memory_space<vmem>>
    %dma_start3A_26 = tpu.memref_squeeze %dma_start3A_25 : memref<1x256xi32, #tpu.memory_space<vmem>> -> memref<256xi32, #tpu.memory_space<vmem>>
    %dma_start3A_27 = tpu.memref_slice %arg4[%add3A_17, %multiple_of3A] : memref<200x4096xi32, #tpu.memory_space<hbm>> -> memref<1x256xi32, #tpu.memory_space<hbm>>
    %dma_start3A_28 = tpu.memref_squeeze %dma_start3A_27 : memref<1x256xi32, #tpu.memory_space<hbm>> -> memref<256xi32, #tpu.memory_space<hbm>>
    tpu.enqueue_dma source(%dma_start3A_28 : memref<256xi32, #tpu.memory_space<hbm>>) target(%dma_start3A_26 : memref<256xi32, #tpu.memory_space<vmem>>) target_semaphore(%arg14 : memref<!tpu.dma_semaphore, #tpu.memory_space<semaphore_mem>>)
    %add3A_29 = arith.constant 0 : i32
    %add3A_30 = arith.addi %arg0, %add3A_29 : i32
    %dma_start3A_31 = arith.constant 0 : i32
    %dma_start3A_32 = arith.constant 0 : i32
    %dma_start3A_33 = arith.constant 0 : i32
    %dma_start3A_34 = tpu.memref_slice %arg13[%dma_start3A_31, %dma_start3A_32, %dma_start3A_33] : memref<2x112x256xf32, #tpu.memory_space<vmem>> -> memref<1x32x256xf32, #tpu.memory_space<vmem>>
    %dma_start3A_35 = tpu.memref_squeeze %dma_start3A_34 : memref<1x32x256xf32, #tpu.memory_space<vmem>> -> memref<32x256xf32, #tpu.memory_space<vmem>>
    %dma_start3A_36 = arith.constant 0 : i32
    %dma_start3A_37 = tpu.memref_slice %arg2[%add3A_30, %dma_start3A_36, %multiple_of3A] : memref<200x32x4096xf32, #tpu.memory_space<hbm>> -> memref<1x32x256xf32, #tpu.memory_space<hbm>>
    %dma_start3A_38 = tpu.memref_squeeze %dma_start3A_37 : memref<1x32x256xf32, #tpu.memory_space<hbm>> -> memref<32x256xf32, #tpu.memory_space<hbm>>
    %dma_start3A_39 = arith.constant 0 : i32
    %dma_start3A_40 = arith.constant 0 : i32
    %dma_start3A_41 = tpu.memref_slice %arg13[%dma_start3A_31, %dma_start3A_39, %dma_start3A_40] : memref<2x112x256xf32, #tpu.memory_space<vmem>> -> memref<1x32x256xf32, #tpu.memory_space<vmem>>
    %dma_start3A_42 = tpu.memref_squeeze %dma_start3A_41 : memref<1x32x256xf32, #tpu.memory_space<vmem>> -> memref<32x256xf32, #tpu.memory_space<vmem>>
    %dma_start3A_43 = arith.constant 0 : i32
    %dma_start3A_44 = tpu.memref_slice %arg2[%add3A_30, %dma_start3A_43, %multiple_of3A] : memref<200x32x4096xf32, #tpu.memory_space<hbm>> -> memref<1x32x256xf32, #tpu.memory_space<hbm>>
    %dma_start3A_45 = tpu.memref_squeeze %dma_start3A_44 : memref<1x32x256xf32, #tpu.memory_space<hbm>> -> memref<32x256xf32, #tpu.memory_space<hbm>>
    tpu.enqueue_dma source(%dma_start3A_45 : memref<32x256xf32, #tpu.memory_space<hbm>>) target(%dma_start3A_42 : memref<32x256xf32, #tpu.memory_space<vmem>>) target_semaphore(%arg15 : memref<!tpu.dma_semaphore, #tpu.memory_space<semaphore_mem>>)
    %scan3A = arith.constant 0 : i32
    %scan3A_46 = arith.constant 0 : i32
    %scan3A_47 = arith.constant 100 : i32
    %scan3A_48 = arith.addi %scan3A_46, %scan3A_47 : i32
    %scan3A_49 = arith.constant 1 : i32
    scf.for %scan3A_67 = %scan3A_46 to %scan3A_48 step %scan3A_49  : i32 {
      %rem3A = arith.constant 2 : i32
      %rem3A_68 = arith.remsi %scan3A_67, %rem3A : i32
      %add3A_69 = arith.constant 1 : i32
      %add3A_70 = arith.addi %scan3A_67, %add3A_69 : i32
      %lt3A = arith.constant 100 : i32
      %lt3A_71 = arith.cmpi slt, %add3A_70, %lt3A : i32
      %convert_element_type3A = arith.extui %lt3A_71 : i1 to i32
      %cond3A = arith.constant 0 : i32
      %cond3A_72 = arith.cmpi ne, %convert_element_type3A, %cond3A : i32
      scf.if %cond3A_72 {
        %ge3A = arith.constant 1 : i32
        %ge3A_135 = arith.cmpi sge, %scan3A_67, %ge3A : i32
        %convert_element_type3A_136 = arith.extui %ge3A_135 : i1 to i32
        %cond3A_137 = arith.constant 0 : i32
        %cond3A_138 = arith.cmpi ne, %convert_element_type3A_136, %cond3A_137 : i32
        scf.if %cond3A_138 {
          %sub3A_185 = arith.constant 1 : i32
          %sub3A_186 = arith.subi %scan3A_67, %sub3A_185 : i32
          %sub3A_187 = arith.constant 1 : i32
          %sub3A_188 = arith.subi %sub3A_187, %rem3A_68 : i32
          %mul3A_189 = arith.constant 2 : i32
          %mul3A_190 = arith.muli %mul3A_189, %sub3A_186 : i32
          %add3A_191 = arith.addi %arg0, %mul3A_190 : i32
          %dma_wait3A_192 = arith.constant 0 : i32
          %dma_wait3A_193 = arith.constant 0 : i32
          %dma_wait3A_194 = tpu.memref_slice %arg13[%sub3A_188, %dma_wait3A_192, %dma_wait3A_193] : memref<2x112x256xf32, #tpu.memory_space<vmem>> -> memref<1x112x256xf32, #tpu.memory_space<vmem>>
          %dma_wait3A_195 = tpu.memref_squeeze %dma_wait3A_194 : memref<1x112x256xf32, #tpu.memory_space<vmem>> -> memref<112x256xf32, #tpu.memory_space<vmem>>
          %dma_wait3A_196 = arith.constant 0 : i32
          %dma_wait3A_197 = tpu.memref_slice %arg8[%add3A_191, %dma_wait3A_196, %multiple_of3A] : memref<200x112x4096xf32, #tpu.memory_space<hbm>> -> memref<1x112x256xf32, #tpu.memory_space<hbm>>
          %dma_wait3A_198 = tpu.memref_squeeze %dma_wait3A_197 : memref<1x112x256xf32, #tpu.memory_space<hbm>> -> memref<112x256xf32, #tpu.memory_space<hbm>>
          %dma_wait3A_199 = arith.constant 0 : i32
          %dma_wait3A_200 = tpu.memref_slice %arg8[%add3A_191, %dma_wait3A_199, %multiple_of3A] : memref<200x112x4096xf32, #tpu.memory_space<hbm>> -> memref<1x112x256xf32, #tpu.memory_space<hbm>>
          %dma_wait3A_201 = tpu.memref_squeeze %dma_wait3A_200 : memref<1x112x256xf32, #tpu.memory_space<hbm>> -> memref<112x256xf32, #tpu.memory_space<hbm>>
          %dma_wait3A_202 = arith.constant 0 : i32
          %dma_wait3A_203 = arith.constant 0 : i32
          %dma_wait3A_204 = tpu.memref_slice %arg13[%sub3A_188, %dma_wait3A_202, %dma_wait3A_203] : memref<2x112x256xf32, #tpu.memory_space<vmem>> -> memref<1x112x256xf32, #tpu.memory_space<vmem>>
          %dma_wait3A_205 = tpu.memref_squeeze %dma_wait3A_204 : memref<1x112x256xf32, #tpu.memory_space<vmem>> -> memref<112x256xf32, #tpu.memory_space<vmem>>
          tpu.wait_dma2 semaphore(%arg16 : memref<!tpu.dma_semaphore, #tpu.memory_space<semaphore_mem>>) src(%dma_wait3A_205 : memref<112x256xf32, #tpu.memory_space<vmem>>) dst(%dma_wait3A_201 : memref<112x256xf32, #tpu.memory_space<hbm>>)
        } else {
        }
        %add3A_139 = arith.constant 1 : i32
        %add3A_140 = arith.addi %scan3A_67, %add3A_139 : i32
        %sub3A = arith.constant 1 : i32
        %sub3A_141 = arith.subi %sub3A, %rem3A_68 : i32
        %mul3A_142 = arith.constant 2 : i32
        %mul3A_143 = arith.muli %mul3A_142, %add3A_140 : i32
        %add3A_144 = arith.addi %arg0, %mul3A_143 : i32
        %dma_start3A_145 = arith.constant 0 : i32
        %dma_start3A_146 = tpu.memref_slice %arg9[%sub3A_141, %dma_start3A_145] : memref<2x256xi32, #tpu.memory_space<vmem>> -> memref<1x256xi32, #tpu.memory_space<vmem>>
        %dma_start3A_147 = tpu.memref_squeeze %dma_start3A_146 : memref<1x256xi32, #tpu.memory_space<vmem>> -> memref<256xi32, #tpu.memory_space<vmem>>
        %dma_start3A_148 = tpu.memref_slice %arg3[%add3A_144, %multiple_of3A] : memref<200x4096xi32, #tpu.memory_space<hbm>> -> memref<1x256xi32, #tpu.memory_space<hbm>>
        %dma_start3A_149 = tpu.memref_squeeze %dma_start3A_148 : memref<1x256xi32, #tpu.memory_space<hbm>> -> memref<256xi32, #tpu.memory_space<hbm>>
        %dma_start3A_150 = arith.constant 0 : i32
        %dma_start3A_151 = tpu.memref_slice %arg9[%sub3A_141, %dma_start3A_150] : memref<2x256xi32, #tpu.memory_space<vmem>> -> memref<1x256xi32, #tpu.memory_space<vmem>>
        %dma_start3A_152 = tpu.memref_squeeze %dma_start3A_151 : memref<1x256xi32, #tpu.memory_space<vmem>> -> memref<256xi32, #tpu.memory_space<vmem>>
        %dma_start3A_153 = tpu.memref_slice %arg3[%add3A_144, %multiple_of3A] : memref<200x4096xi32, #tpu.memory_space<hbm>> -> memref<1x256xi32, #tpu.memory_space<hbm>>
        %dma_start3A_154 = tpu.memref_squeeze %dma_start3A_153 : memref<1x256xi32, #tpu.memory_space<hbm>> -> memref<256xi32, #tpu.memory_space<hbm>>
        tpu.enqueue_dma source(%dma_start3A_154 : memref<256xi32, #tpu.memory_space<hbm>>) target(%dma_start3A_152 : memref<256xi32, #tpu.memory_space<vmem>>) target_semaphore(%arg14 : memref<!tpu.dma_semaphore, #tpu.memory_space<semaphore_mem>>)
        %mul3A_155 = arith.constant 2 : i32
        %mul3A_156 = arith.muli %mul3A_155, %add3A_140 : i32
        %add3A_157 = arith.addi %arg0, %mul3A_156 : i32
        %dma_start3A_158 = arith.constant 0 : i32
        %dma_start3A_159 = tpu.memref_slice %arg10[%sub3A_141, %dma_start3A_158] : memref<2x256xi32, #tpu.memory_space<vmem>> -> memref<1x256xi32, #tpu.memory_space<vmem>>
        %dma_start3A_160 = tpu.memref_squeeze %dma_start3A_159 : memref<1x256xi32, #tpu.memory_space<vmem>> -> memref<256xi32, #tpu.memory_space<vmem>>
        %dma_start3A_161 = tpu.memref_slice %arg4[%add3A_157, %multiple_of3A] : memref<200x4096xi32, #tpu.memory_space<hbm>> -> memref<1x256xi32, #tpu.memory_space<hbm>>
        %dma_start3A_162 = tpu.memref_squeeze %dma_start3A_161 : memref<1x256xi32, #tpu.memory_space<hbm>> -> memref<256xi32, #tpu.memory_space<hbm>>
        %dma_start3A_163 = arith.constant 0 : i32
        %dma_start3A_164 = tpu.memref_slice %arg10[%sub3A_141, %dma_start3A_163] : memref<2x256xi32, #tpu.memory_space<vmem>> -> memref<1x256xi32, #tpu.memory_space<vmem>>
        %dma_start3A_165 = tpu.memref_squeeze %dma_start3A_164 : memref<1x256xi32, #tpu.memory_space<vmem>> -> memref<256xi32, #tpu.memory_space<vmem>>
        %dma_start3A_166 = tpu.memref_slice %arg4[%add3A_157, %multiple_of3A] : memref<200x4096xi32, #tpu.memory_space<hbm>> -> memref<1x256xi32, #tpu.memory_space<hbm>>
        %dma_start3A_167 = tpu.memref_squeeze %dma_start3A_166 : memref<1x256xi32, #tpu.memory_space<hbm>> -> memref<256xi32, #tpu.memory_space<hbm>>
        tpu.enqueue_dma source(%dma_start3A_167 : memref<256xi32, #tpu.memory_space<hbm>>) target(%dma_start3A_165 : memref<256xi32, #tpu.memory_space<vmem>>) target_semaphore(%arg14 : memref<!tpu.dma_semaphore, #tpu.memory_space<semaphore_mem>>)
        %mul3A_168 = arith.constant 2 : i32
        %mul3A_169 = arith.muli %mul3A_168, %add3A_140 : i32
        %add3A_170 = arith.addi %arg0, %mul3A_169 : i32
        %dma_start3A_171 = arith.constant 0 : i32
        %dma_start3A_172 = arith.constant 0 : i32
        %dma_start3A_173 = tpu.memref_slice %arg13[%sub3A_141, %dma_start3A_171, %dma_start3A_172] : memref<2x112x256xf32, #tpu.memory_space<vmem>> -> memref<1x32x256xf32, #tpu.memory_space<vmem>>
        %dma_start3A_174 = tpu.memref_squeeze %dma_start3A_173 : memref<1x32x256xf32, #tpu.memory_space<vmem>> -> memref<32x256xf32, #tpu.memory_space<vmem>>
        %dma_start3A_175 = arith.constant 0 : i32
        %dma_start3A_176 = tpu.memref_slice %arg2[%add3A_170, %dma_start3A_175, %multiple_of3A] : memref<200x32x4096xf32, #tpu.memory_space<hbm>> -> memref<1x32x256xf32, #tpu.memory_space<hbm>>
        %dma_start3A_177 = tpu.memref_squeeze %dma_start3A_176 : memref<1x32x256xf32, #tpu.memory_space<hbm>> -> memref<32x256xf32, #tpu.memory_space<hbm>>
        %dma_start3A_178 = arith.constant 0 : i32
        %dma_start3A_179 = arith.constant 0 : i32
        %dma_start3A_180 = tpu.memref_slice %arg13[%sub3A_141, %dma_start3A_178, %dma_start3A_179] : memref<2x112x256xf32, #tpu.memory_space<vmem>> -> memref<1x32x256xf32, #tpu.memory_space<vmem>>
        %dma_start3A_181 = tpu.memref_squeeze %dma_start3A_180 : memref<1x32x256xf32, #tpu.memory_space<vmem>> -> memref<32x256xf32, #tpu.memory_space<vmem>>
        %dma_start3A_182 = arith.constant 0 : i32
        %dma_start3A_183 = tpu.memref_slice %arg2[%add3A_170, %dma_start3A_182, %multiple_of3A] : memref<200x32x4096xf32, #tpu.memory_space<hbm>> -> memref<1x32x256xf32, #tpu.memory_space<hbm>>
        %dma_start3A_184 = tpu.memref_squeeze %dma_start3A_183 : memref<1x32x256xf32, #tpu.memory_space<hbm>> -> memref<32x256xf32, #tpu.memory_space<hbm>>
        tpu.enqueue_dma source(%dma_start3A_184 : memref<32x256xf32, #tpu.memory_space<hbm>>) target(%dma_start3A_181 : memref<32x256xf32, #tpu.memory_space<vmem>>) target_semaphore(%arg15 : memref<!tpu.dma_semaphore, #tpu.memory_space<semaphore_mem>>)
      } else {
      }
      %mul3A_73 = arith.constant 2 : i32
      %mul3A_74 = arith.muli %mul3A_73, %scan3A_67 : i32
      %add3A_75 = arith.addi %arg0, %mul3A_74 : i32
      %dma_wait3A_76 = arith.constant 0 : i32
      %dma_wait3A_77 = tpu.memref_slice %arg9[%rem3A_68, %dma_wait3A_76] : memref<2x256xi32, #tpu.memory_space<vmem>> -> memref<1x256xi32, #tpu.memory_space<vmem>>
      %dma_wait3A_78 = tpu.memref_squeeze %dma_wait3A_77 : memref<1x256xi32, #tpu.memory_space<vmem>> -> memref<256xi32, #tpu.memory_space<vmem>>
      %dma_wait3A_79 = tpu.memref_slice %arg3[%add3A_75, %multiple_of3A] : memref<200x4096xi32, #tpu.memory_space<hbm>> -> memref<1x256xi32, #tpu.memory_space<hbm>>
      %dma_wait3A_80 = tpu.memref_squeeze %dma_wait3A_79 : memref<1x256xi32, #tpu.memory_space<hbm>> -> memref<256xi32, #tpu.memory_space<hbm>>
      %dma_wait3A_81 = arith.constant 0 : i32
      %dma_wait3A_82 = tpu.memref_slice %arg9[%rem3A_68, %dma_wait3A_81] : memref<2x256xi32, #tpu.memory_space<vmem>> -> memref<1x256xi32, #tpu.memory_space<vmem>>
      %dma_wait3A_83 = tpu.memref_squeeze %dma_wait3A_82 : memref<1x256xi32, #tpu.memory_space<vmem>> -> memref<256xi32, #tpu.memory_space<vmem>>
      %dma_wait3A_84 = tpu.memref_slice %arg3[%add3A_75, %multiple_of3A] : memref<200x4096xi32, #tpu.memory_space<hbm>> -> memref<1x256xi32, #tpu.memory_space<hbm>>
      %dma_wait3A_85 = tpu.memref_squeeze %dma_wait3A_84 : memref<1x256xi32, #tpu.memory_space<hbm>> -> memref<256xi32, #tpu.memory_space<hbm>>
      tpu.wait_dma2 semaphore(%arg14 : memref<!tpu.dma_semaphore, #tpu.memory_space<semaphore_mem>>) src(%dma_wait3A_85 : memref<256xi32, #tpu.memory_space<hbm>>) dst(%dma_wait3A_83 : memref<256xi32, #tpu.memory_space<vmem>>)
      %mul3A_86 = arith.constant 2 : i32
      %mul3A_87 = arith.muli %mul3A_86, %scan3A_67 : i32
      %add3A_88 = arith.addi %arg0, %mul3A_87 : i32
      %dma_wait3A_89 = arith.constant 0 : i32
      %dma_wait3A_90 = tpu.memref_slice %arg10[%rem3A_68, %dma_wait3A_89] : memref<2x256xi32, #tpu.memory_space<vmem>> -> memref<1x256xi32, #tpu.memory_space<vmem>>
      %dma_wait3A_91 = tpu.memref_squeeze %dma_wait3A_90 : memref<1x256xi32, #tpu.memory_space<vmem>> -> memref<256xi32, #tpu.memory_space<vmem>>
      %dma_wait3A_92 = tpu.memref_slice %arg4[%add3A_88, %multiple_of3A] : memref<200x4096xi32, #tpu.memory_space<hbm>> -> memref<1x256xi32, #tpu.memory_space<hbm>>
      %dma_wait3A_93 = tpu.memref_squeeze %dma_wait3A_92 : memref<1x256xi32, #tpu.memory_space<hbm>> -> memref<256xi32, #tpu.memory_space<hbm>>
      %dma_wait3A_94 = arith.constant 0 : i32
      %dma_wait3A_95 = tpu.memref_slice %arg10[%rem3A_68, %dma_wait3A_94] : memref<2x256xi32, #tpu.memory_space<vmem>> -> memref<1x256xi32, #tpu.memory_space<vmem>>
      %dma_wait3A_96 = tpu.memref_squeeze %dma_wait3A_95 : memref<1x256xi32, #tpu.memory_space<vmem>> -> memref<256xi32, #tpu.memory_space<vmem>>
      %dma_wait3A_97 = tpu.memref_slice %arg4[%add3A_88, %multiple_of3A] : memref<200x4096xi32, #tpu.memory_space<hbm>> -> memref<1x256xi32, #tpu.memory_space<hbm>>
      %dma_wait3A_98 = tpu.memref_squeeze %dma_wait3A_97 : memref<1x256xi32, #tpu.memory_space<hbm>> -> memref<256xi32, #tpu.memory_space<hbm>>
      tpu.wait_dma2 semaphore(%arg14 : memref<!tpu.dma_semaphore, #tpu.memory_space<semaphore_mem>>) src(%dma_wait3A_98 : memref<256xi32, #tpu.memory_space<hbm>>) dst(%dma_wait3A_96 : memref<256xi32, #tpu.memory_space<vmem>>)
      %mul3A_99 = arith.constant 2 : i32
      %mul3A_100 = arith.muli %mul3A_99, %scan3A_67 : i32
      %add3A_101 = arith.addi %arg0, %mul3A_100 : i32
      %dma_wait3A_102 = arith.constant 0 : i32
      %dma_wait3A_103 = arith.constant 0 : i32
      %dma_wait3A_104 = tpu.memref_slice %arg13[%rem3A_68, %dma_wait3A_102, %dma_wait3A_103] : memref<2x112x256xf32, #tpu.memory_space<vmem>> -> memref<1x32x256xf32, #tpu.memory_space<vmem>>
      %dma_wait3A_105 = tpu.memref_squeeze %dma_wait3A_104 : memref<1x32x256xf32, #tpu.memory_space<vmem>> -> memref<32x256xf32, #tpu.memory_space<vmem>>
      %dma_wait3A_106 = arith.constant 0 : i32
      %dma_wait3A_107 = tpu.memref_slice %arg2[%add3A_101, %dma_wait3A_106, %multiple_of3A] : memref<200x32x4096xf32, #tpu.memory_space<hbm>> -> memref<1x32x256xf32, #tpu.memory_space<hbm>>
      %dma_wait3A_108 = tpu.memref_squeeze %dma_wait3A_107 : memref<1x32x256xf32, #tpu.memory_space<hbm>> -> memref<32x256xf32, #tpu.memory_space<hbm>>
      %dma_wait3A_109 = arith.constant 0 : i32
      %dma_wait3A_110 = arith.constant 0 : i32
      %dma_wait3A_111 = tpu.memref_slice %arg13[%rem3A_68, %dma_wait3A_109, %dma_wait3A_110] : memref<2x112x256xf32, #tpu.memory_space<vmem>> -> memref<1x32x256xf32, #tpu.memory_space<vmem>>
      %dma_wait3A_112 = tpu.memref_squeeze %dma_wait3A_111 : memref<1x32x256xf32, #tpu.memory_space<vmem>> -> memref<32x256xf32, #tpu.memory_space<vmem>>
      %dma_wait3A_113 = arith.constant 0 : i32
      %dma_wait3A_114 = tpu.memref_slice %arg2[%add3A_101, %dma_wait3A_113, %multiple_of3A] : memref<200x32x4096xf32, #tpu.memory_space<hbm>> -> memref<1x32x256xf32, #tpu.memory_space<hbm>>
      %dma_wait3A_115 = tpu.memref_squeeze %dma_wait3A_114 : memref<1x32x256xf32, #tpu.memory_space<hbm>> -> memref<32x256xf32, #tpu.memory_space<hbm>>
      tpu.wait_dma2 semaphore(%arg15 : memref<!tpu.dma_semaphore, #tpu.memory_space<semaphore_mem>>) src(%dma_wait3A_115 : memref<32x256xf32, #tpu.memory_space<hbm>>) dst(%dma_wait3A_112 : memref<32x256xf32, #tpu.memory_space<vmem>>)
      %parallel_loop3A = arith.constant 0 : i32
      %parallel_loop3A_116 = arith.constant 256 : i32
      %parallel_loop3A_117 = arith.constant 16 : i32
      scf.for %parallel_loop3A_135 = %parallel_loop3A to %parallel_loop3A_116 step %parallel_loop3A_117  : i32 {
        %parallel_loop3A_136 = arith.index_cast %rem3A_68 : i32 to index
        %parallel_loop3A_137 = arith.index_cast %parallel_loop3A_135 : i32 to index
        %parallel_loop3A_138 = tpu.vector_load %arg9[%parallel_loop3A_136, %parallel_loop3A_137] {strides = array<i32>} : memref<2x256xi32, #tpu.memory_space<vmem>>, vector<16xi32>,
        %parallel_loop3A_139 = arith.constant 33 : i32
        %parallel_loop3A_140 = vector.broadcast %parallel_loop3A_139 : i32 to vector<16xi32>
        %parallel_loop3A_141 = arith.muli %parallel_loop3A_138, %parallel_loop3A_140 : vector<16xi32>
        %parallel_loop3A_142 = arith.index_cast %rem3A_68 : i32 to index
        %parallel_loop3A_143 = arith.index_cast %parallel_loop3A_135 : i32 to index
        %parallel_loop3A_144 = tpu.vector_load %arg10[%parallel_loop3A_142, %parallel_loop3A_143] {strides = array<i32>} : memref<2x256xi32, #tpu.memory_space<vmem>>, vector<16xi32>,
        %parallel_loop3A_145 = arith.constant 33 : i32
        %parallel_loop3A_146 = vector.broadcast %parallel_loop3A_145 : i32 to vector<16xi32>
        %parallel_loop3A_147 = arith.muli %parallel_loop3A_144, %parallel_loop3A_146 : vector<16xi32>
        %parallel_loop3A_148 = arith.constant 0 : i32
        %parallel_loop3A_149 = vector.broadcast %parallel_loop3A_148 : i32 to vector<16xi32>
        %parallel_loop3A_150 = arith.addi %parallel_loop3A_141, %parallel_loop3A_149 : vector<16xi32>
        %parallel_loop3A_151 = tpu.vector_load_idx %arg11[%parallel_loop3A_150] : memref<3300xf32, #tpu.memory_space<vmem>>[vector<16xi32>], vector<16xf32>,
        %parallel_loop3A_152 = arith.constant 32 : i32
        %parallel_loop3A_153 = arith.index_cast %rem3A_68 : i32 to index
        %parallel_loop3A_154 = arith.index_cast %parallel_loop3A_152 : i32 to index
        %parallel_loop3A_155 = arith.index_cast %parallel_loop3A_135 : i32 to index
        %parallel_loop3A_156 = tpu.vector_load %arg13[%parallel_loop3A_153, %parallel_loop3A_154, %parallel_loop3A_155] {strides = array<i32>} : memref<2x112x256xf32, #tpu.memory_space<vmem>>, vector<16xf32>,
        tpu.vector_store %arg13[%parallel_loop3A_153, %parallel_loop3A_154, %parallel_loop3A_155], %parallel_loop3A_151 {strides = array<i32>} : memref<2x112x256xf32, #tpu.memory_space<vmem>>, vector<16xf32>,
        %parallel_loop3A_157 = arith.constant 0 : i32
        %parallel_loop3A_158 = vector.broadcast %parallel_loop3A_157 : i32 to vector<16xi32>
        %parallel_loop3A_159 = arith.addi %parallel_loop3A_147, %parallel_loop3A_158 : vector<16xi32>
        %parallel_loop3A_160 = tpu.vector_load_idx %arg12[%parallel_loop3A_159] : memref<3300xf32, #tpu.memory_space<vmem>>[vector<16xi32>], vector<16xf32>,
        %parallel_loop3A_161 = arith.constant 80 : i32
        %parallel_loop3A_162 = arith.index_cast %rem3A_68 : i32 to index
        %parallel_loop3A_163 = arith.index_cast %parallel_loop3A_161 : i32 to index
        %parallel_loop3A_164 = arith.index_cast %parallel_loop3A_135 : i32 to index
        %parallel_loop3A_165 = tpu.vector_load %arg13[%parallel_loop3A_162, %parallel_loop3A_163, %parallel_loop3A_164] {strides = array<i32>} : memref<2x112x256xf32, #tpu.memory_space<vmem>>, vector<16xf32>,
        tpu.vector_store %arg13[%parallel_loop3A_162, %parallel_loop3A_163, %parallel_loop3A_164], %parallel_loop3A_160 {strides = array<i32>} : memref<2x112x256xf32, #tpu.memory_space<vmem>>, vector<16xf32>,
        %parallel_loop3A_166 = arith.constant 1 : i32
        %parallel_loop3A_167 = vector.broadcast %parallel_loop3A_166 : i32 to vector<16xi32>
        %parallel_loop3A_168 = arith.addi %parallel_loop3A_141, %parallel_loop3A_167 : vector<16xi32>
        %parallel_loop3A_169 = tpu.vector_load_idx %arg11[%parallel_loop3A_168] : memref<3300xf32, #tpu.memory_space<vmem>>[vector<16xi32>], vector<16xf32>,
        %parallel_loop3A_170 = arith.constant 33 : i32
        %parallel_loop3A_171 = arith.index_cast %rem3A_68 : i32 to index
        %parallel_loop3A_172 = arith.index_cast %parallel_loop3A_170 : i32 to index
        %parallel_loop3A_173 = arith.index_cast %parallel_loop3A_135 : i32 to index
        %parallel_loop3A_174 = tpu.vector_load %arg13[%parallel_loop3A_171, %parallel_loop3A_172, %parallel_loop3A_173] {strides = array<i32>} : memref<2x112x256xf32, #tpu.memory_space<vmem>>, vector<16xf32>,
        tpu.vector_store %arg13[%parallel_loop3A_171, %parallel_loop3A_172, %parallel_loop3A_173], %parallel_loop3A_169 {strides = array<i32>} : memref<2x112x256xf32, #tpu.memory_space<vmem>>, vector<16xf32>,
        %parallel_loop3A_175 = arith.constant 1 : i32
        %parallel_loop3A_176 = vector.broadcast %parallel_loop3A_175 : i32 to vector<16xi32>
        %parallel_loop3A_177 = arith.addi %parallel_loop3A_147, %parallel_loop3A_176 : vector<16xi32>
        %parallel_loop3A_178 = tpu.vector_load_idx %arg12[%parallel_loop3A_177] : memref<3300xf32, #tpu.memory_space<vmem>>[vector<16xi32>], vector<16xf32>,
        %parallel_loop3A_179 = arith.constant 81 : i32
        %parallel_loop3A_180 = arith.index_cast %rem3A_68 : i32 to index
        %parallel_loop3A_181 = arith.index_cast %parallel_loop3A_179 : i32 to index
        %parallel_loop3A_182 = arith.index_cast %parallel_loop3A_135 : i32 to index
        %parallel_loop3A_183 = tpu.vector_load %arg13[%parallel_loop3A_180, %parallel_loop3A_181, %parallel_loop3A_182] {strides = array<i32>} : memref<2x112x256xf32, #tpu.memory_space<vmem>>, vector<16xf32>,
        tpu.vector_store %arg13[%parallel_loop3A_180, %parallel_loop3A_181, %parallel_loop3A_182], %parallel_loop3A_178 {strides = array<i32>} : memref<2x112x256xf32, #tpu.memory_space<vmem>>, vector<16xf32>,
        %parallel_loop3A_184 = arith.constant 2 : i32
        %parallel_loop3A_185 = vector.broadcast %parallel_loop3A_184 : i32 to vector<16xi32>
        %parallel_loop3A_186 = arith.addi %parallel_loop3A_141, %parallel_loop3A_185 : vector<16xi32>
        %parallel_loop3A_187 = tpu.vector_load_idx %arg11[%parallel_loop3A_186] : memref<3300xf32, #tpu.memory_space<vmem>>[vector<16xi32>], vector<16xf32>,
        %parallel_loop3A_188 = arith.constant 34 : i32
        %parallel_loop3A_189 = arith.index_cast %rem3A_68 : i32 to index
        %parallel_loop3A_190 = arith.index_cast %parallel_loop3A_188 : i32 to index
        %parallel_loop3A_191 = arith.index_cast %parallel_loop3A_135 : i32 to index
        %parallel_loop3A_192 = tpu.vector_load %arg13[%parallel_loop3A_189, %parallel_loop3A_190, %parallel_loop3A_191] {strides = array<i32>} : memref<2x112x256xf32, #tpu.memory_space<vmem>>, vector<16xf32>,
        tpu.vector_store %arg13[%parallel_loop3A_189, %parallel_loop3A_190, %parallel_loop3A_191], %parallel_loop3A_187 {strides = array<i32>} : memref<2x112x256xf32, #tpu.memory_space<vmem>>, vector<16xf32>,
        %parallel_loop3A_193 = arith.constant 2 : i32
        %parallel_loop3A_194 = vector.broadcast %parallel_loop3A_193 : i32 to vector<16xi32>
        %parallel_loop3A_195 = arith.addi %parallel_loop3A_147, %parallel_loop3A_194 : vector<16xi32>
        %parallel_loop3A_196 = tpu.vector_load_idx %arg12[%parallel_loop3A_195] : memref<3300xf32, #tpu.memory_space<vmem>>[vector<16xi32>], vector<16xf32>,
        %parallel_loop3A_197 = arith.constant 82 : i32
        %parallel_loop3A_198 = arith.index_cast %rem3A_68 : i32 to index
        %parallel_loop3A_199 = arith.index_cast %parallel_loop3A_197 : i32 to index
        %parallel_loop3A_200 = arith.index_cast %parallel_loop3A_135 : i32 to index
        %parallel_loop3A_201 = tpu.vector_load %arg13[%parallel_loop3A_198, %parallel_loop3A_199, %parallel_loop3A_200] {strides = array<i32>} : memref<2x112x256xf32, #tpu.memory_space<vmem>>, vector<16xf32>,
        tpu.vector_store %arg13[%parallel_loop3A_198, %parallel_loop3A_199, %parallel_loop3A_200], %parallel_loop3A_196 {strides = array<i32>} : memref<2x112x256xf32, #tpu.memory_space<vmem>>, vector<16xf32>,
        %parallel_loop3A_202 = arith.constant 3 : i32
        %parallel_loop3A_203 = vector.broadcast %parallel_loop3A_202 : i32 to vector<16xi32>
        %parallel_loop3A_204 = arith.addi %parallel_loop3A_141, %parallel_loop3A_203 : vector<16xi32>
        %parallel_loop3A_205 = tpu.vector_load_idx %arg11[%parallel_loop3A_204] : memref<3300xf32, #tpu.memory_space<vmem>>[vector<16xi32>], vector<16xf32>,
        %parallel_loop3A_206 = arith.constant 35 : i32
        %parallel_loop3A_207 = arith.index_cast %rem3A_68 : i32 to index
        %parallel_loop3A_208 = arith.index_cast %parallel_loop3A_206 : i32 to index
        %parallel_loop3A_209 = arith.index_cast %parallel_loop3A_135 : i32 to index
        %parallel_loop3A_210 = tpu.vector_load %arg13[%parallel_loop3A_207, %parallel_loop3A_208, %parallel_loop3A_209] {strides = array<i32>} : memref<2x112x256xf32, #tpu.memory_space<vmem>>, vector<16xf32>,
        tpu.vector_store %arg13[%parallel_loop3A_207, %parallel_loop3A_208, %parallel_loop3A_209], %parallel_loop3A_205 {strides = array<i32>} : memref<2x112x256xf32, #tpu.memory_space<vmem>>, vector<16xf32>,
        %parallel_loop3A_211 = arith.constant 3 : i32
        %parallel_loop3A_212 = vector.broadcast %parallel_loop3A_211 : i32 to vector<16xi32>
        %parallel_loop3A_213 = arith.addi %parallel_loop3A_147, %parallel_loop3A_212 : vector<16xi32>
        %parallel_loop3A_214 = tpu.vector_load_idx %arg12[%parallel_loop3A_213] : memref<3300xf32, #tpu.memory_space<vmem>>[vector<16xi32>], vector<16xf32>,
        %parallel_loop3A_215 = arith.constant 83 : i32
        %parallel_loop3A_216 = arith.index_cast %rem3A_68 : i32 to index
        %parallel_loop3A_217 = arith.index_cast %parallel_loop3A_215 : i32 to index
        %parallel_loop3A_218 = arith.index_cast %parallel_loop3A_135 : i32 to index
        %parallel_loop3A_219 = tpu.vector_load %arg13[%parallel_loop3A_216, %parallel_loop3A_217, %parallel_loop3A_218] {strides = array<i32>} : memref<2x112x256xf32, #tpu.memory_space<vmem>>, vector<16xf32>,
        tpu.vector_store %arg13[%parallel_loop3A_216, %parallel_loop3A_217, %parallel_loop3A_218], %parallel_loop3A_214 {strides = array<i32>} : memref<2x112x256xf32, #tpu.memory_space<vmem>>, vector<16xf32>,
        %parallel_loop3A_220 = arith.constant 4 : i32
        %parallel_loop3A_221 = vector.broadcast %parallel_loop3A_220 : i32 to vector<16xi32>
        %parallel_loop3A_222 = arith.addi %parallel_loop3A_141, %parallel_loop3A_221 : vector<16xi32>
        %parallel_loop3A_223 = tpu.vector_load_idx %arg11[%parallel_loop3A_222] : memref<3300xf32, #tpu.memory_space<vmem>>[vector<16xi32>], vector<16xf32>,
        %parallel_loop3A_224 = arith.constant 36 : i32
        %parallel_loop3A_225 = arith.index_cast %rem3A_68 : i32 to index
        %parallel_loop3A_226 = arith.index_cast %parallel_loop3A_224 : i32 to index
        %parallel_loop3A_227 = arith.index_cast %parallel_loop3A_135 : i32 to index
        %parallel_loop3A_228 = tpu.vector_load %arg13[%parallel_loop3A_225, %parallel_loop3A_226, %parallel_loop3A_227] {strides = array<i32>} : memref<2x112x256xf32, #tpu.memory_space<vmem>>, vector<16xf32>,
        tpu.vector_store %arg13[%parallel_loop3A_225, %parallel_loop3A_226, %parallel_loop3A_227], %parallel_loop3A_223 {strides = array<i32>} : memref<2x112x256xf32, #tpu.memory_space<vmem>>, vector<16xf32>,
        %parallel_loop3A_229 = arith.constant 4 : i32
        %parallel_loop3A_230 = vector.broadcast %parallel_loop3A_229 : i32 to vector<16xi32>
        %parallel_loop3A_231 = arith.addi %parallel_loop3A_147, %parallel_loop3A_230 : vector<16xi32>
        %parallel_loop3A_232 = tpu.vector_load_idx %arg12[%parallel_loop3A_231] : memref<3300xf32, #tpu.memory_space<vmem>>[vector<16xi32>], vector<16xf32>,
        %parallel_loop3A_233 = arith.constant 84 : i32
        %parallel_loop3A_234 = arith.index_cast %rem3A_68 : i32 to index
        %parallel_loop3A_235 = arith.index_cast %parallel_loop3A_233 : i32 to index
        %parallel_loop3A_236 = arith.index_cast %parallel_loop3A_135 : i32 to index
        %parallel_loop3A_237 = tpu.vector_load %arg13[%parallel_loop3A_234, %parallel_loop3A_235, %parallel_loop3A_236] {strides = array<i32>} : memref<2x112x256xf32, #tpu.memory_space<vmem>>, vector<16xf32>,
        tpu.vector_store %arg13[%parallel_loop3A_234, %parallel_loop3A_235, %parallel_loop3A_236], %parallel_loop3A_232 {strides = array<i32>} : memref<2x112x256xf32, #tpu.memory_space<vmem>>, vector<16xf32>,
        %parallel_loop3A_238 = arith.constant 5 : i32
        %parallel_loop3A_239 = vector.broadcast %parallel_loop3A_238 : i32 to vector<16xi32>
        %parallel_loop3A_240 = arith.addi %parallel_loop3A_141, %parallel_loop3A_239 : vector<16xi32>
        %parallel_loop3A_241 = tpu.vector_load_idx %arg11[%parallel_loop3A_240] : memref<3300xf32, #tpu.memory_space<vmem>>[vector<16xi32>], vector<16xf32>,
        %parallel_loop3A_242 = arith.constant 37 : i32
        %parallel_loop3A_243 = arith.index_cast %rem3A_68 : i32 to index
        %parallel_loop3A_244 = arith.index_cast %parallel_loop3A_242 : i32 to index
        %parallel_loop3A_245 = arith.index_cast %parallel_loop3A_135 : i32 to index
        %parallel_loop3A_246 = tpu.vector_load %arg13[%parallel_loop3A_243, %parallel_loop3A_244, %parallel_loop3A_245] {strides = array<i32>} : memref<2x112x256xf32, #tpu.memory_space<vmem>>, vector<16xf32>,
        tpu.vector_store %arg13[%parallel_loop3A_243, %parallel_loop3A_244, %parallel_loop3A_245], %parallel_loop3A_241 {strides = array<i32>} : memref<2x112x256xf32, #tpu.memory_space<vmem>>, vector<16xf32>,
        %parallel_loop3A_247 = arith.constant 5 : i32
        %parallel_loop3A_248 = vector.broadcast %parallel_loop3A_247 : i32 to vector<16xi32>
        %parallel_loop3A_249 = arith.addi %parallel_loop3A_147, %parallel_loop3A_248 : vector<16xi32>
        %parallel_loop3A_250 = tpu.vector_load_idx %arg12[%parallel_loop3A_249] : memref<3300xf32, #tpu.memory_space<vmem>>[vector<16xi32>], vector<16xf32>,
        %parallel_loop3A_251 = arith.constant 85 : i32
        %parallel_loop3A_252 = arith.index_cast %rem3A_68 : i32 to index
        %parallel_loop3A_253 = arith.index_cast %parallel_loop3A_251 : i32 to index
        %parallel_loop3A_254 = arith.index_cast %parallel_loop3A_135 : i32 to index
        %parallel_loop3A_255 = tpu.vector_load %arg13[%parallel_loop3A_252, %parallel_loop3A_253, %parallel_loop3A_254] {strides = array<i32>} : memref<2x112x256xf32, #tpu.memory_space<vmem>>, vector<16xf32>,
        tpu.vector_store %arg13[%parallel_loop3A_252, %parallel_loop3A_253, %parallel_loop3A_254], %parallel_loop3A_250 {strides = array<i32>} : memref<2x112x256xf32, #tpu.memory_space<vmem>>, vector<16xf32>,
        %parallel_loop3A_256 = arith.constant 6 : i32
        %parallel_loop3A_257 = vector.broadcast %parallel_loop3A_256 : i32 to vector<16xi32>
        %parallel_loop3A_258 = arith.addi %parallel_loop3A_141, %parallel_loop3A_257 : vector<16xi32>
        %parallel_loop3A_259 = tpu.vector_load_idx %arg11[%parallel_loop3A_258] : memref<3300xf32, #tpu.memory_space<vmem>>[vector<16xi32>], vector<16xf32>,
        %parallel_loop3A_260 = arith.constant 38 : i32
        %parallel_loop3A_261 = arith.index_cast %rem3A_68 : i32 to index
        %parallel_loop3A_262 = arith.index_cast %parallel_loop3A_260 : i32 to index
        %parallel_loop3A_263 = arith.index_cast %parallel_loop3A_135 : i32 to index
        %parallel_loop3A_264 = tpu.vector_load %arg13[%parallel_loop3A_261, %parallel_loop3A_262, %parallel_loop3A_263] {strides = array<i32>} : memref<2x112x256xf32, #tpu.memory_space<vmem>>, vector<16xf32>,
        tpu.vector_store %arg13[%parallel_loop3A_261, %parallel_loop3A_262, %parallel_loop3A_263], %parallel_loop3A_259 {strides = array<i32>} : memref<2x112x256xf32, #tpu.memory_space<vmem>>, vector<16xf32>,
        %parallel_loop3A_265 = arith.constant 6 : i32
        %parallel_loop3A_266 = vector.broadcast %parallel_loop3A_265 : i32 to vector<16xi32>
        %parallel_loop3A_267 = arith.addi %parallel_loop3A_147, %parallel_loop3A_266 : vector<16xi32>
        %parallel_loop3A_268 = tpu.vector_load_idx %arg12[%parallel_loop3A_267] : memref<3300xf32, #tpu.memory_space<vmem>>[vector<16xi32>], vector<16xf32>,
        %parallel_loop3A_269 = arith.constant 86 : i32
        %parallel_loop3A_270 = arith.index_cast %rem3A_68 : i32 to index
        %parallel_loop3A_271 = arith.index_cast %parallel_loop3A_269 : i32 to index
        %parallel_loop3A_272 = arith.index_cast %parallel_loop3A_135 : i32 to index
        %parallel_loop3A_273 = tpu.vector_load %arg13[%parallel_loop3A_270, %parallel_loop3A_271, %parallel_loop3A_272] {strides = array<i32>} : memref<2x112x256xf32, #tpu.memory_space<vmem>>, vector<16xf32>,
        tpu.vector_store %arg13[%parallel_loop3A_270, %parallel_loop3A_271, %parallel_loop3A_272], %parallel_loop3A_268 {strides = array<i32>} : memref<2x112x256xf32, #tpu.memory_space<vmem>>, vector<16xf32>,
        %parallel_loop3A_274 = arith.constant 7 : i32
        %parallel_loop3A_275 = vector.broadcast %parallel_loop3A_274 : i32 to vector<16xi32>
        %parallel_loop3A_276 = arith.addi %parallel_loop3A_141, %parallel_loop3A_275 : vector<16xi32>
        %parallel_loop3A_277 = tpu.vector_load_idx %arg11[%parallel_loop3A_276] : memref<3300xf32, #tpu.memory_space<vmem>>[vector<16xi32>], vector<16xf32>,
        %parallel_loop3A_278 = arith.constant 39 : i32
        %parallel_loop3A_279 = arith.index_cast %rem3A_68 : i32 to index
        %parallel_loop3A_280 = arith.index_cast %parallel_loop3A_278 : i32 to index
        %parallel_loop3A_281 = arith.index_cast %parallel_loop3A_135 : i32 to index
        %parallel_loop3A_282 = tpu.vector_load %arg13[%parallel_loop3A_279, %parallel_loop3A_280, %parallel_loop3A_281] {strides = array<i32>} : memref<2x112x256xf32, #tpu.memory_space<vmem>>, vector<16xf32>,
        tpu.vector_store %arg13[%parallel_loop3A_279, %parallel_loop3A_280, %parallel_loop3A_281], %parallel_loop3A_277 {strides = array<i32>} : memref<2x112x256xf32, #tpu.memory_space<vmem>>, vector<16xf32>,
        %parallel_loop3A_283 = arith.constant 7 : i32
        %parallel_loop3A_284 = vector.broadcast %parallel_loop3A_283 : i32 to vector<16xi32>
        %parallel_loop3A_285 = arith.addi %parallel_loop3A_147, %parallel_loop3A_284 : vector<16xi32>
        %parallel_loop3A_286 = tpu.vector_load_idx %arg12[%parallel_loop3A_285] : memref<3300xf32, #tpu.memory_space<vmem>>[vector<16xi32>], vector<16xf32>,
        %parallel_loop3A_287 = arith.constant 87 : i32
        %parallel_loop3A_288 = arith.index_cast %rem3A_68 : i32 to index
        %parallel_loop3A_289 = arith.index_cast %parallel_loop3A_287 : i32 to index
        %parallel_loop3A_290 = arith.index_cast %parallel_loop3A_135 : i32 to index
        %parallel_loop3A_291 = tpu.vector_load %arg13[%parallel_loop3A_288, %parallel_loop3A_289, %parallel_loop3A_290] {strides = array<i32>} : memref<2x112x256xf32, #tpu.memory_space<vmem>>, vector<16xf32>,
        tpu.vector_store %arg13[%parallel_loop3A_288, %parallel_loop3A_289, %parallel_loop3A_290], %parallel_loop3A_286 {strides = array<i32>} : memref<2x112x256xf32, #tpu.memory_space<vmem>>, vector<16xf32>,
        %parallel_loop3A_292 = arith.constant 8 : i32
        %parallel_loop3A_293 = vector.broadcast %parallel_loop3A_292 : i32 to vector<16xi32>
        %parallel_loop3A_294 = arith.addi %parallel_loop3A_141, %parallel_loop3A_293 : vector<16xi32>
        %parallel_loop3A_295 = tpu.vector_load_idx %arg11[%parallel_loop3A_294] : memref<3300xf32, #tpu.memory_space<vmem>>[vector<16xi32>], vector<16xf32>,
        %parallel_loop3A_296 = arith.constant 40 : i32
        %parallel_loop3A_297 = arith.index_cast %rem3A_68 : i32 to index
        %parallel_loop3A_298 = arith.index_cast %parallel_loop3A_296 : i32 to index
        %parallel_loop3A_299 = arith.index_cast %parallel_loop3A_135 : i32 to index
        %parallel_loop3A_300 = tpu.vector_load %arg13[%parallel_loop3A_297, %parallel_loop3A_298, %parallel_loop3A_299] {strides = array<i32>} : memref<2x112x256xf32, #tpu.memory_space<vmem>>, vector<16xf32>,
        tpu.vector_store %arg13[%parallel_loop3A_297, %parallel_loop3A_298, %parallel_loop3A_299], %parallel_loop3A_295 {strides = array<i32>} : memref<2x112x256xf32, #tpu.memory_space<vmem>>, vector<16xf32>,
        %parallel_loop3A_301 = arith.constant 8 : i32
        %parallel_loop3A_302 = vector.broadcast %parallel_loop3A_301 : i32 to vector<16xi32>
        %parallel_loop3A_303 = arith.addi %parallel_loop3A_147, %parallel_loop3A_302 : vector<16xi32>
        %parallel_loop3A_304 = tpu.vector_load_idx %arg12[%parallel_loop3A_303] : memref<3300xf32, #tpu.memory_space<vmem>>[vector<16xi32>], vector<16xf32>,
        %parallel_loop3A_305 = arith.constant 88 : i32
        %parallel_loop3A_306 = arith.index_cast %rem3A_68 : i32 to index
        %parallel_loop3A_307 = arith.index_cast %parallel_loop3A_305 : i32 to index
        %parallel_loop3A_308 = arith.index_cast %parallel_loop3A_135 : i32 to index
        %parallel_loop3A_309 = tpu.vector_load %arg13[%parallel_loop3A_306, %parallel_loop3A_307, %parallel_loop3A_308] {strides = array<i32>} : memref<2x112x256xf32, #tpu.memory_space<vmem>>, vector<16xf32>,
        tpu.vector_store %arg13[%parallel_loop3A_306, %parallel_loop3A_307, %parallel_loop3A_308], %parallel_loop3A_304 {strides = array<i32>} : memref<2x112x256xf32, #tpu.memory_space<vmem>>, vector<16xf32>,
        %parallel_loop3A_310 = arith.constant 9 : i32
        %parallel_loop3A_311 = vector.broadcast %parallel_loop3A_310 : i32 to vector<16xi32>
        %parallel_loop3A_312 = arith.addi %parallel_loop3A_141, %parallel_loop3A_311 : vector<16xi32>
        %parallel_loop3A_313 = tpu.vector_load_idx %arg11[%parallel_loop3A_312] : memref<3300xf32, #tpu.memory_space<vmem>>[vector<16xi32>], vector<16xf32>,
        %parallel_loop3A_314 = arith.constant 41 : i32
        %parallel_loop3A_315 = arith.index_cast %rem3A_68 : i32 to index
        %parallel_loop3A_316 = arith.index_cast %parallel_loop3A_314 : i32 to index
        %parallel_loop3A_317 = arith.index_cast %parallel_loop3A_135 : i32 to index
        %parallel_loop3A_318 = tpu.vector_load %arg13[%parallel_loop3A_315, %parallel_loop3A_316, %parallel_loop3A_317] {strides = array<i32>} : memref<2x112x256xf32, #tpu.memory_space<vmem>>, vector<16xf32>,
        tpu.vector_store %arg13[%parallel_loop3A_315, %parallel_loop3A_316, %parallel_loop3A_317], %parallel_loop3A_313 {strides = array<i32>} : memref<2x112x256xf32, #tpu.memory_space<vmem>>, vector<16xf32>,
        %parallel_loop3A_319 = arith.constant 9 : i32
        %parallel_loop3A_320 = vector.broadcast %parallel_loop3A_319 : i32 to vector<16xi32>
        %parallel_loop3A_321 = arith.addi %parallel_loop3A_147, %parallel_loop3A_320 : vector<16xi32>
        %parallel_loop3A_322 = tpu.vector_load_idx %arg12[%parallel_loop3A_321] : memref<3300xf32, #tpu.memory_space<vmem>>[vector<16xi32>], vector<16xf32>,
        %parallel_loop3A_323 = arith.constant 89 : i32
        %parallel_loop3A_324 = arith.index_cast %rem3A_68 : i32 to index
        %parallel_loop3A_325 = arith.index_cast %parallel_loop3A_323 : i32 to index
        %parallel_loop3A_326 = arith.index_cast %parallel_loop3A_135 : i32 to index
        %parallel_loop3A_327 = tpu.vector_load %arg13[%parallel_loop3A_324, %parallel_loop3A_325, %parallel_loop3A_326] {strides = array<i32>} : memref<2x112x256xf32, #tpu.memory_space<vmem>>, vector<16xf32>,
        tpu.vector_store %arg13[%parallel_loop3A_324, %parallel_loop3A_325, %parallel_loop3A_326], %parallel_loop3A_322 {strides = array<i32>} : memref<2x112x256xf32, #tpu.memory_space<vmem>>, vector<16xf32>,
        %parallel_loop3A_328 = arith.constant 10 : i32
        %parallel_loop3A_329 = vector.broadcast %parallel_loop3A_328 : i32 to vector<16xi32>
        %parallel_loop3A_330 = arith.addi %parallel_loop3A_141, %parallel_loop3A_329 : vector<16xi32>
        %parallel_loop3A_331 = tpu.vector_load_idx %arg11[%parallel_loop3A_330] : memref<3300xf32, #tpu.memory_space<vmem>>[vector<16xi32>], vector<16xf32>,
        %parallel_loop3A_332 = arith.constant 42 : i32
        %parallel_loop3A_333 = arith.index_cast %rem3A_68 : i32 to index
        %parallel_loop3A_334 = arith.index_cast %parallel_loop3A_332 : i32 to index
        %parallel_loop3A_335 = arith.index_cast %parallel_loop3A_135 : i32 to index
        %parallel_loop3A_336 = tpu.vector_load %arg13[%parallel_loop3A_333, %parallel_loop3A_334, %parallel_loop3A_335] {strides = array<i32>} : memref<2x112x256xf32, #tpu.memory_space<vmem>>, vector<16xf32>,
        tpu.vector_store %arg13[%parallel_loop3A_333, %parallel_loop3A_334, %parallel_loop3A_335], %parallel_loop3A_331 {strides = array<i32>} : memref<2x112x256xf32, #tpu.memory_space<vmem>>, vector<16xf32>,
        %parallel_loop3A_337 = arith.constant 10 : i32
        %parallel_loop3A_338 = vector.broadcast %parallel_loop3A_337 : i32 to vector<16xi32>
        %parallel_loop3A_339 = arith.addi %parallel_loop3A_147, %parallel_loop3A_338 : vector<16xi32>
        %parallel_loop3A_340 = tpu.vector_load_idx %arg12[%parallel_loop3A_339] : memref<3300xf32, #tpu.memory_space<vmem>>[vector<16xi32>], vector<16xf32>,
        %parallel_loop3A_341 = arith.constant 90 : i32
        %parallel_loop3A_342 = arith.index_cast %rem3A_68 : i32 to index
        %parallel_loop3A_343 = arith.index_cast %parallel_loop3A_341 : i32 to index
        %parallel_loop3A_344 = arith.index_cast %parallel_loop3A_135 : i32 to index
        %parallel_loop3A_345 = tpu.vector_load %arg13[%parallel_loop3A_342, %parallel_loop3A_343, %parallel_loop3A_344] {strides = array<i32>} : memref<2x112x256xf32, #tpu.memory_space<vmem>>, vector<16xf32>,
        tpu.vector_store %arg13[%parallel_loop3A_342, %parallel_loop3A_343, %parallel_loop3A_344], %parallel_loop3A_340 {strides = array<i32>} : memref<2x112x256xf32, #tpu.memory_space<vmem>>, vector<16xf32>,
        %parallel_loop3A_346 = arith.constant 11 : i32
        %parallel_loop3A_347 = vector.broadcast %parallel_loop3A_346 : i32 to vector<16xi32>
        %parallel_loop3A_348 = arith.addi %parallel_loop3A_141, %parallel_loop3A_347 : vector<16xi32>
        %parallel_loop3A_349 = tpu.vector_load_idx %arg11[%parallel_loop3A_348] : memref<3300xf32, #tpu.memory_space<vmem>>[vector<16xi32>], vector<16xf32>,
        %parallel_loop3A_350 = arith.constant 43 : i32
        %parallel_loop3A_351 = arith.index_cast %rem3A_68 : i32 to index
        %parallel_loop3A_352 = arith.index_cast %parallel_loop3A_350 : i32 to index
        %parallel_loop3A_353 = arith.index_cast %parallel_loop3A_135 : i32 to index
        %parallel_loop3A_354 = tpu.vector_load %arg13[%parallel_loop3A_351, %parallel_loop3A_352, %parallel_loop3A_353] {strides = array<i32>} : memref<2x112x256xf32, #tpu.memory_space<vmem>>, vector<16xf32>,
        tpu.vector_store %arg13[%parallel_loop3A_351, %parallel_loop3A_352, %parallel_loop3A_353], %parallel_loop3A_349 {strides = array<i32>} : memref<2x112x256xf32, #tpu.memory_space<vmem>>, vector<16xf32>,
        %parallel_loop3A_355 = arith.constant 11 : i32
        %parallel_loop3A_356 = vector.broadcast %parallel_loop3A_355 : i32 to vector<16xi32>
        %parallel_loop3A_357 = arith.addi %parallel_loop3A_147, %parallel_loop3A_356 : vector<16xi32>
        %parallel_loop3A_358 = tpu.vector_load_idx %arg12[%parallel_loop3A_357] : memref<3300xf32, #tpu.memory_space<vmem>>[vector<16xi32>], vector<16xf32>,
        %parallel_loop3A_359 = arith.constant 91 : i32
        %parallel_loop3A_360 = arith.index_cast %rem3A_68 : i32 to index
        %parallel_loop3A_361 = arith.index_cast %parallel_loop3A_359 : i32 to index
        %parallel_loop3A_362 = arith.index_cast %parallel_loop3A_135 : i32 to index
        %parallel_loop3A_363 = tpu.vector_load %arg13[%parallel_loop3A_360, %parallel_loop3A_361, %parallel_loop3A_362] {strides = array<i32>} : memref<2x112x256xf32, #tpu.memory_space<vmem>>, vector<16xf32>,
        tpu.vector_store %arg13[%parallel_loop3A_360, %parallel_loop3A_361, %parallel_loop3A_362], %parallel_loop3A_358 {strides = array<i32>} : memref<2x112x256xf32, #tpu.memory_space<vmem>>, vector<16xf32>,
        %parallel_loop3A_364 = arith.constant 12 : i32
        %parallel_loop3A_365 = vector.broadcast %parallel_loop3A_364 : i32 to vector<16xi32>
        %parallel_loop3A_366 = arith.addi %parallel_loop3A_141, %parallel_loop3A_365 : vector<16xi32>
        %parallel_loop3A_367 = tpu.vector_load_idx %arg11[%parallel_loop3A_366] : memref<3300xf32, #tpu.memory_space<vmem>>[vector<16xi32>], vector<16xf32>,
        %parallel_loop3A_368 = arith.constant 44 : i32
        %parallel_loop3A_369 = arith.index_cast %rem3A_68 : i32 to index
        %parallel_loop3A_370 = arith.index_cast %parallel_loop3A_368 : i32 to index
        %parallel_loop3A_371 = arith.index_cast %parallel_loop3A_135 : i32 to index
        %parallel_loop3A_372 = tpu.vector_load %arg13[%parallel_loop3A_369, %parallel_loop3A_370, %parallel_loop3A_371] {strides = array<i32>} : memref<2x112x256xf32, #tpu.memory_space<vmem>>, vector<16xf32>,
        tpu.vector_store %arg13[%parallel_loop3A_369, %parallel_loop3A_370, %parallel_loop3A_371], %parallel_loop3A_367 {strides = array<i32>} : memref<2x112x256xf32, #tpu.memory_space<vmem>>, vector<16xf32>,
        %parallel_loop3A_373 = arith.constant 12 : i32
        %parallel_loop3A_374 = vector.broadcast %parallel_loop3A_373 : i32 to vector<16xi32>
        %parallel_loop3A_375 = arith.addi %parallel_loop3A_147, %parallel_loop3A_374 : vector<16xi32>
        %parallel_loop3A_376 = tpu.vector_load_idx %arg12[%parallel_loop3A_375] : memref<3300xf32, #tpu.memory_space<vmem>>[vector<16xi32>], vector<16xf32>,
        %parallel_loop3A_377 = arith.constant 92 : i32
        %parallel_loop3A_378 = arith.index_cast %rem3A_68 : i32 to index
        %parallel_loop3A_379 = arith.index_cast %parallel_loop3A_377 : i32 to index
        %parallel_loop3A_380 = arith.index_cast %parallel_loop3A_135 : i32 to index
        %parallel_loop3A_381 = tpu.vector_load %arg13[%parallel_loop3A_378, %parallel_loop3A_379, %parallel_loop3A_380] {strides = array<i32>} : memref<2x112x256xf32, #tpu.memory_space<vmem>>, vector<16xf32>,
        tpu.vector_store %arg13[%parallel_loop3A_378, %parallel_loop3A_379, %parallel_loop3A_380], %parallel_loop3A_376 {strides = array<i32>} : memref<2x112x256xf32, #tpu.memory_space<vmem>>, vector<16xf32>,
        %parallel_loop3A_382 = arith.constant 13 : i32
        %parallel_loop3A_383 = vector.broadcast %parallel_loop3A_382 : i32 to vector<16xi32>
        %parallel_loop3A_384 = arith.addi %parallel_loop3A_141, %parallel_loop3A_383 : vector<16xi32>
        %parallel_loop3A_385 = tpu.vector_load_idx %arg11[%parallel_loop3A_384] : memref<3300xf32, #tpu.memory_space<vmem>>[vector<16xi32>], vector<16xf32>,
        %parallel_loop3A_386 = arith.constant 45 : i32
        %parallel_loop3A_387 = arith.index_cast %rem3A_68 : i32 to index
        %parallel_loop3A_388 = arith.index_cast %parallel_loop3A_386 : i32 to index
        %parallel_loop3A_389 = arith.index_cast %parallel_loop3A_135 : i32 to index
        %parallel_loop3A_390 = tpu.vector_load %arg13[%parallel_loop3A_387, %parallel_loop3A_388, %parallel_loop3A_389] {strides = array<i32>} : memref<2x112x256xf32, #tpu.memory_space<vmem>>, vector<16xf32>,
        tpu.vector_store %arg13[%parallel_loop3A_387, %parallel_loop3A_388, %parallel_loop3A_389], %parallel_loop3A_385 {strides = array<i32>} : memref<2x112x256xf32, #tpu.memory_space<vmem>>, vector<16xf32>,
        %parallel_loop3A_391 = arith.constant 13 : i32
        %parallel_loop3A_392 = vector.broadcast %parallel_loop3A_391 : i32 to vector<16xi32>
        %parallel_loop3A_393 = arith.addi %parallel_loop3A_147, %parallel_loop3A_392 : vector<16xi32>
        %parallel_loop3A_394 = tpu.vector_load_idx %arg12[%parallel_loop3A_393] : memref<3300xf32, #tpu.memory_space<vmem>>[vector<16xi32>], vector<16xf32>,
        %parallel_loop3A_395 = arith.constant 93 : i32
        %parallel_loop3A_396 = arith.index_cast %rem3A_68 : i32 to index
        %parallel_loop3A_397 = arith.index_cast %parallel_loop3A_395 : i32 to index
        %parallel_loop3A_398 = arith.index_cast %parallel_loop3A_135 : i32 to index
        %parallel_loop3A_399 = tpu.vector_load %arg13[%parallel_loop3A_396, %parallel_loop3A_397, %parallel_loop3A_398] {strides = array<i32>} : memref<2x112x256xf32, #tpu.memory_space<vmem>>, vector<16xf32>,
        tpu.vector_store %arg13[%parallel_loop3A_396, %parallel_loop3A_397, %parallel_loop3A_398], %parallel_loop3A_394 {strides = array<i32>} : memref<2x112x256xf32, #tpu.memory_space<vmem>>, vector<16xf32>,
        %parallel_loop3A_400 = arith.constant 14 : i32
        %parallel_loop3A_401 = vector.broadcast %parallel_loop3A_400 : i32 to vector<16xi32>
        %parallel_loop3A_402 = arith.addi %parallel_loop3A_141, %parallel_loop3A_401 : vector<16xi32>
        %parallel_loop3A_403 = tpu.vector_load_idx %arg11[%parallel_loop3A_402] : memref<3300xf32, #tpu.memory_space<vmem>>[vector<16xi32>], vector<16xf32>,
        %parallel_loop3A_404 = arith.constant 46 : i32
        %parallel_loop3A_405 = arith.index_cast %rem3A_68 : i32 to index
        %parallel_loop3A_406 = arith.index_cast %parallel_loop3A_404 : i32 to index
        %parallel_loop3A_407 = arith.index_cast %parallel_loop3A_135 : i32 to index
        %parallel_loop3A_408 = tpu.vector_load %arg13[%parallel_loop3A_405, %parallel_loop3A_406, %parallel_loop3A_407] {strides = array<i32>} : memref<2x112x256xf32, #tpu.memory_space<vmem>>, vector<16xf32>,
        tpu.vector_store %arg13[%parallel_loop3A_405, %parallel_loop3A_406, %parallel_loop3A_407], %parallel_loop3A_403 {strides = array<i32>} : memref<2x112x256xf32, #tpu.memory_space<vmem>>, vector<16xf32>,
        %parallel_loop3A_409 = arith.constant 14 : i32
        %parallel_loop3A_410 = vector.broadcast %parallel_loop3A_409 : i32 to vector<16xi32>
        %parallel_loop3A_411 = arith.addi %parallel_loop3A_147, %parallel_loop3A_410 : vector<16xi32>
        %parallel_loop3A_412 = tpu.vector_load_idx %arg12[%parallel_loop3A_411] : memref<3300xf32, #tpu.memory_space<vmem>>[vector<16xi32>], vector<16xf32>,
        %parallel_loop3A_413 = arith.constant 94 : i32
        %parallel_loop3A_414 = arith.index_cast %rem3A_68 : i32 to index
        %parallel_loop3A_415 = arith.index_cast %parallel_loop3A_413 : i32 to index
        %parallel_loop3A_416 = arith.index_cast %parallel_loop3A_135 : i32 to index
        %parallel_loop3A_417 = tpu.vector_load %arg13[%parallel_loop3A_414, %parallel_loop3A_415, %parallel_loop3A_416] {strides = array<i32>} : memref<2x112x256xf32, #tpu.memory_space<vmem>>, vector<16xf32>,
        tpu.vector_store %arg13[%parallel_loop3A_414, %parallel_loop3A_415, %parallel_loop3A_416], %parallel_loop3A_412 {strides = array<i32>} : memref<2x112x256xf32, #tpu.memory_space<vmem>>, vector<16xf32>,
        %parallel_loop3A_418 = arith.constant 15 : i32
        %parallel_loop3A_419 = vector.broadcast %parallel_loop3A_418 : i32 to vector<16xi32>
        %parallel_loop3A_420 = arith.addi %parallel_loop3A_141, %parallel_loop3A_419 : vector<16xi32>
        %parallel_loop3A_421 = tpu.vector_load_idx %arg11[%parallel_loop3A_420] : memref<3300xf32, #tpu.memory_space<vmem>>[vector<16xi32>], vector<16xf32>,
        %parallel_loop3A_422 = arith.constant 47 : i32
        %parallel_loop3A_423 = arith.index_cast %rem3A_68 : i32 to index
        %parallel_loop3A_424 = arith.index_cast %parallel_loop3A_422 : i32 to index
        %parallel_loop3A_425 = arith.index_cast %parallel_loop3A_135 : i32 to index
        %parallel_loop3A_426 = tpu.vector_load %arg13[%parallel_loop3A_423, %parallel_loop3A_424, %parallel_loop3A_425] {strides = array<i32>} : memref<2x112x256xf32, #tpu.memory_space<vmem>>, vector<16xf32>,
        tpu.vector_store %arg13[%parallel_loop3A_423, %parallel_loop3A_424, %parallel_loop3A_425], %parallel_loop3A_421 {strides = array<i32>} : memref<2x112x256xf32, #tpu.memory_space<vmem>>, vector<16xf32>,
        %parallel_loop3A_427 = arith.constant 15 : i32
        %parallel_loop3A_428 = vector.broadcast %parallel_loop3A_427 : i32 to vector<16xi32>
        %parallel_loop3A_429 = arith.addi %parallel_loop3A_147, %parallel_loop3A_428 : vector<16xi32>
        %parallel_loop3A_430 = tpu.vector_load_idx %arg12[%parallel_loop3A_429] : memref<3300xf32, #tpu.memory_space<vmem>>[vector<16xi32>], vector<16xf32>,
        %parallel_loop3A_431 = arith.constant 95 : i32
        %parallel_loop3A_432 = arith.index_cast %rem3A_68 : i32 to index
        %parallel_loop3A_433 = arith.index_cast %parallel_loop3A_431 : i32 to index
        %parallel_loop3A_434 = arith.index_cast %parallel_loop3A_135 : i32 to index
        %parallel_loop3A_435 = tpu.vector_load %arg13[%parallel_loop3A_432, %parallel_loop3A_433, %parallel_loop3A_434] {strides = array<i32>} : memref<2x112x256xf32, #tpu.memory_space<vmem>>, vector<16xf32>,
        tpu.vector_store %arg13[%parallel_loop3A_432, %parallel_loop3A_433, %parallel_loop3A_434], %parallel_loop3A_430 {strides = array<i32>} : memref<2x112x256xf32, #tpu.memory_space<vmem>>, vector<16xf32>,
        %parallel_loop3A_436 = arith.constant 16 : i32
        %parallel_loop3A_437 = vector.broadcast %parallel_loop3A_436 : i32 to vector<16xi32>
        %parallel_loop3A_438 = arith.addi %parallel_loop3A_141, %parallel_loop3A_437 : vector<16xi32>
        %parallel_loop3A_439 = tpu.vector_load_idx %arg11[%parallel_loop3A_438] : memref<3300xf32, #tpu.memory_space<vmem>>[vector<16xi32>], vector<16xf32>,
        %parallel_loop3A_440 = arith.constant 48 : i32
        %parallel_loop3A_441 = arith.index_cast %rem3A_68 : i32 to index
        %parallel_loop3A_442 = arith.index_cast %parallel_loop3A_440 : i32 to index
        %parallel_loop3A_443 = arith.index_cast %parallel_loop3A_135 : i32 to index
        %parallel_loop3A_444 = tpu.vector_load %arg13[%parallel_loop3A_441, %parallel_loop3A_442, %parallel_loop3A_443] {strides = array<i32>} : memref<2x112x256xf32, #tpu.memory_space<vmem>>, vector<16xf32>,
        tpu.vector_store %arg13[%parallel_loop3A_441, %parallel_loop3A_442, %parallel_loop3A_443], %parallel_loop3A_439 {strides = array<i32>} : memref<2x112x256xf32, #tpu.memory_space<vmem>>, vector<16xf32>,
        %parallel_loop3A_445 = arith.constant 16 : i32
        %parallel_loop3A_446 = vector.broadcast %parallel_loop3A_445 : i32 to vector<16xi32>
        %parallel_loop3A_447 = arith.addi %parallel_loop3A_147, %parallel_loop3A_446 : vector<16xi32>
        %parallel_loop3A_448 = tpu.vector_load_idx %arg12[%parallel_loop3A_447] : memref<3300xf32, #tpu.memory_space<vmem>>[vector<16xi32>], vector<16xf32>,
        %parallel_loop3A_449 = arith.constant 96 : i32
        %parallel_loop3A_450 = arith.index_cast %rem3A_68 : i32 to index
        %parallel_loop3A_451 = arith.index_cast %parallel_loop3A_449 : i32 to index
        %parallel_loop3A_452 = arith.index_cast %parallel_loop3A_135 : i32 to index
        %parallel_loop3A_453 = tpu.vector_load %arg13[%parallel_loop3A_450, %parallel_loop3A_451, %parallel_loop3A_452] {strides = array<i32>} : memref<2x112x256xf32, #tpu.memory_space<vmem>>, vector<16xf32>,
        tpu.vector_store %arg13[%parallel_loop3A_450, %parallel_loop3A_451, %parallel_loop3A_452], %parallel_loop3A_448 {strides = array<i32>} : memref<2x112x256xf32, #tpu.memory_space<vmem>>, vector<16xf32>,
        %parallel_loop3A_454 = arith.constant 17 : i32
        %parallel_loop3A_455 = vector.broadcast %parallel_loop3A_454 : i32 to vector<16xi32>
        %parallel_loop3A_456 = arith.addi %parallel_loop3A_141, %parallel_loop3A_455 : vector<16xi32>
        %parallel_loop3A_457 = tpu.vector_load_idx %arg11[%parallel_loop3A_456] : memref<3300xf32, #tpu.memory_space<vmem>>[vector<16xi32>], vector<16xf32>,
        %parallel_loop3A_458 = arith.constant 49 : i32
        %parallel_loop3A_459 = arith.index_cast %rem3A_68 : i32 to index
        %parallel_loop3A_460 = arith.index_cast %parallel_loop3A_458 : i32 to index
        %parallel_loop3A_461 = arith.index_cast %parallel_loop3A_135 : i32 to index
        %parallel_loop3A_462 = tpu.vector_load %arg13[%parallel_loop3A_459, %parallel_loop3A_460, %parallel_loop3A_461] {strides = array<i32>} : memref<2x112x256xf32, #tpu.memory_space<vmem>>, vector<16xf32>,
        tpu.vector_store %arg13[%parallel_loop3A_459, %parallel_loop3A_460, %parallel_loop3A_461], %parallel_loop3A_457 {strides = array<i32>} : memref<2x112x256xf32, #tpu.memory_space<vmem>>, vector<16xf32>,
        %parallel_loop3A_463 = arith.constant 17 : i32
        %parallel_loop3A_464 = vector.broadcast %parallel_loop3A_463 : i32 to vector<16xi32>
        %parallel_loop3A_465 = arith.addi %parallel_loop3A_147, %parallel_loop3A_464 : vector<16xi32>
        %parallel_loop3A_466 = tpu.vector_load_idx %arg12[%parallel_loop3A_465] : memref<3300xf32, #tpu.memory_space<vmem>>[vector<16xi32>], vector<16xf32>,
        %parallel_loop3A_467 = arith.constant 97 : i32
        %parallel_loop3A_468 = arith.index_cast %rem3A_68 : i32 to index
        %parallel_loop3A_469 = arith.index_cast %parallel_loop3A_467 : i32 to index
        %parallel_loop3A_470 = arith.index_cast %parallel_loop3A_135 : i32 to index
        %parallel_loop3A_471 = tpu.vector_load %arg13[%parallel_loop3A_468, %parallel_loop3A_469, %parallel_loop3A_470] {strides = array<i32>} : memref<2x112x256xf32, #tpu.memory_space<vmem>>, vector<16xf32>,
        tpu.vector_store %arg13[%parallel_loop3A_468, %parallel_loop3A_469, %parallel_loop3A_470], %parallel_loop3A_466 {strides = array<i32>} : memref<2x112x256xf32, #tpu.memory_space<vmem>>, vector<16xf32>,
        %parallel_loop3A_472 = arith.constant 18 : i32
        %parallel_loop3A_473 = vector.broadcast %parallel_loop3A_472 : i32 to vector<16xi32>
        %parallel_loop3A_474 = arith.addi %parallel_loop3A_141, %parallel_loop3A_473 : vector<16xi32>
        %parallel_loop3A_475 = tpu.vector_load_idx %arg11[%parallel_loop3A_474] : memref<3300xf32, #tpu.memory_space<vmem>>[vector<16xi32>], vector<16xf32>,
        %parallel_loop3A_476 = arith.constant 50 : i32
        %parallel_loop3A_477 = arith.index_cast %rem3A_68 : i32 to index
        %parallel_loop3A_478 = arith.index_cast %parallel_loop3A_476 : i32 to index
        %parallel_loop3A_479 = arith.index_cast %parallel_loop3A_135 : i32 to index
        %parallel_loop3A_480 = tpu.vector_load %arg13[%parallel_loop3A_477, %parallel_loop3A_478, %parallel_loop3A_479] {strides = array<i32>} : memref<2x112x256xf32, #tpu.memory_space<vmem>>, vector<16xf32>,
        tpu.vector_store %arg13[%parallel_loop3A_477, %parallel_loop3A_478, %parallel_loop3A_479], %parallel_loop3A_475 {strides = array<i32>} : memref<2x112x256xf32, #tpu.memory_space<vmem>>, vector<16xf32>,
        %parallel_loop3A_481 = arith.constant 18 : i32
        %parallel_loop3A_482 = vector.broadcast %parallel_loop3A_481 : i32 to vector<16xi32>
        %parallel_loop3A_483 = arith.addi %parallel_loop3A_147, %parallel_loop3A_482 : vector<16xi32>
        %parallel_loop3A_484 = tpu.vector_load_idx %arg12[%parallel_loop3A_483] : memref<3300xf32, #tpu.memory_space<vmem>>[vector<16xi32>], vector<16xf32>,
        %parallel_loop3A_485 = arith.constant 98 : i32
        %parallel_loop3A_486 = arith.index_cast %rem3A_68 : i32 to index
        %parallel_loop3A_487 = arith.index_cast %parallel_loop3A_485 : i32 to index
        %parallel_loop3A_488 = arith.index_cast %parallel_loop3A_135 : i32 to index
        %parallel_loop3A_489 = tpu.vector_load %arg13[%parallel_loop3A_486, %parallel_loop3A_487, %parallel_loop3A_488] {strides = array<i32>} : memref<2x112x256xf32, #tpu.memory_space<vmem>>, vector<16xf32>,
        tpu.vector_store %arg13[%parallel_loop3A_486, %parallel_loop3A_487, %parallel_loop3A_488], %parallel_loop3A_484 {strides = array<i32>} : memref<2x112x256xf32, #tpu.memory_space<vmem>>, vector<16xf32>,
        %parallel_loop3A_490 = arith.constant 19 : i32
        %parallel_loop3A_491 = vector.broadcast %parallel_loop3A_490 : i32 to vector<16xi32>
        %parallel_loop3A_492 = arith.addi %parallel_loop3A_141, %parallel_loop3A_491 : vector<16xi32>
        %parallel_loop3A_493 = tpu.vector_load_idx %arg11[%parallel_loop3A_492] : memref<3300xf32, #tpu.memory_space<vmem>>[vector<16xi32>], vector<16xf32>,
        %parallel_loop3A_494 = arith.constant 51 : i32
        %parallel_loop3A_495 = arith.index_cast %rem3A_68 : i32 to index
        %parallel_loop3A_496 = arith.index_cast %parallel_loop3A_494 : i32 to index
        %parallel_loop3A_497 = arith.index_cast %parallel_loop3A_135 : i32 to index
        %parallel_loop3A_498 = tpu.vector_load %arg13[%parallel_loop3A_495, %parallel_loop3A_496, %parallel_loop3A_497] {strides = array<i32>} : memref<2x112x256xf32, #tpu.memory_space<vmem>>, vector<16xf32>,
        tpu.vector_store %arg13[%parallel_loop3A_495, %parallel_loop3A_496, %parallel_loop3A_497], %parallel_loop3A_493 {strides = array<i32>} : memref<2x112x256xf32, #tpu.memory_space<vmem>>, vector<16xf32>,
        %parallel_loop3A_499 = arith.constant 19 : i32
        %parallel_loop3A_500 = vector.broadcast %parallel_loop3A_499 : i32 to vector<16xi32>
        %parallel_loop3A_501 = arith.addi %parallel_loop3A_147, %parallel_loop3A_500 : vector<16xi32>
        %parallel_loop3A_502 = tpu.vector_load_idx %arg12[%parallel_loop3A_501] : memref<3300xf32, #tpu.memory_space<vmem>>[vector<16xi32>], vector<16xf32>,
        %parallel_loop3A_503 = arith.constant 99 : i32
        %parallel_loop3A_504 = arith.index_cast %rem3A_68 : i32 to index
        %parallel_loop3A_505 = arith.index_cast %parallel_loop3A_503 : i32 to index
        %parallel_loop3A_506 = arith.index_cast %parallel_loop3A_135 : i32 to index
        %parallel_loop3A_507 = tpu.vector_load %arg13[%parallel_loop3A_504, %parallel_loop3A_505, %parallel_loop3A_506] {strides = array<i32>} : memref<2x112x256xf32, #tpu.memory_space<vmem>>, vector<16xf32>,
        tpu.vector_store %arg13[%parallel_loop3A_504, %parallel_loop3A_505, %parallel_loop3A_506], %parallel_loop3A_502 {strides = array<i32>} : memref<2x112x256xf32, #tpu.memory_space<vmem>>, vector<16xf32>,
        %parallel_loop3A_508 = arith.constant 20 : i32
        %parallel_loop3A_509 = vector.broadcast %parallel_loop3A_508 : i32 to vector<16xi32>
        %parallel_loop3A_510 = arith.addi %parallel_loop3A_141, %parallel_loop3A_509 : vector<16xi32>
        %parallel_loop3A_511 = tpu.vector_load_idx %arg11[%parallel_loop3A_510] : memref<3300xf32, #tpu.memory_space<vmem>>[vector<16xi32>], vector<16xf32>,
        %parallel_loop3A_512 = arith.constant 52 : i32
        %parallel_loop3A_513 = arith.index_cast %rem3A_68 : i32 to index
        %parallel_loop3A_514 = arith.index_cast %parallel_loop3A_512 : i32 to index
        %parallel_loop3A_515 = arith.index_cast %parallel_loop3A_135 : i32 to index
        %parallel_loop3A_516 = tpu.vector_load %arg13[%parallel_loop3A_513, %parallel_loop3A_514, %parallel_loop3A_515] {strides = array<i32>} : memref<2x112x256xf32, #tpu.memory_space<vmem>>, vector<16xf32>,
        tpu.vector_store %arg13[%parallel_loop3A_513, %parallel_loop3A_514, %parallel_loop3A_515], %parallel_loop3A_511 {strides = array<i32>} : memref<2x112x256xf32, #tpu.memory_space<vmem>>, vector<16xf32>,
        %parallel_loop3A_517 = arith.constant 20 : i32
        %parallel_loop3A_518 = vector.broadcast %parallel_loop3A_517 : i32 to vector<16xi32>
        %parallel_loop3A_519 = arith.addi %parallel_loop3A_147, %parallel_loop3A_518 : vector<16xi32>
        %parallel_loop3A_520 = tpu.vector_load_idx %arg12[%parallel_loop3A_519] : memref<3300xf32, #tpu.memory_space<vmem>>[vector<16xi32>], vector<16xf32>,
        %parallel_loop3A_521 = arith.constant 100 : i32
        %parallel_loop3A_522 = arith.index_cast %rem3A_68 : i32 to index
        %parallel_loop3A_523 = arith.index_cast %parallel_loop3A_521 : i32 to index
        %parallel_loop3A_524 = arith.index_cast %parallel_loop3A_135 : i32 to index
        %parallel_loop3A_525 = tpu.vector_load %arg13[%parallel_loop3A_522, %parallel_loop3A_523, %parallel_loop3A_524] {strides = array<i32>} : memref<2x112x256xf32, #tpu.memory_space<vmem>>, vector<16xf32>,
        tpu.vector_store %arg13[%parallel_loop3A_522, %parallel_loop3A_523, %parallel_loop3A_524], %parallel_loop3A_520 {strides = array<i32>} : memref<2x112x256xf32, #tpu.memory_space<vmem>>, vector<16xf32>,
        %parallel_loop3A_526 = arith.constant 21 : i32
        %parallel_loop3A_527 = vector.broadcast %parallel_loop3A_526 : i32 to vector<16xi32>
        %parallel_loop3A_528 = arith.addi %parallel_loop3A_141, %parallel_loop3A_527 : vector<16xi32>
        %parallel_loop3A_529 = tpu.vector_load_idx %arg11[%parallel_loop3A_528] : memref<3300xf32, #tpu.memory_space<vmem>>[vector<16xi32>], vector<16xf32>,
        %parallel_loop3A_530 = arith.constant 53 : i32
        %parallel_loop3A_531 = arith.index_cast %rem3A_68 : i32 to index
        %parallel_loop3A_532 = arith.index_cast %parallel_loop3A_530 : i32 to index
        %parallel_loop3A_533 = arith.index_cast %parallel_loop3A_135 : i32 to index
        %parallel_loop3A_534 = tpu.vector_load %arg13[%parallel_loop3A_531, %parallel_loop3A_532, %parallel_loop3A_533] {strides = array<i32>} : memref<2x112x256xf32, #tpu.memory_space<vmem>>, vector<16xf32>,
        tpu.vector_store %arg13[%parallel_loop3A_531, %parallel_loop3A_532, %parallel_loop3A_533], %parallel_loop3A_529 {strides = array<i32>} : memref<2x112x256xf32, #tpu.memory_space<vmem>>, vector<16xf32>,
        %parallel_loop3A_535 = arith.constant 21 : i32
        %parallel_loop3A_536 = vector.broadcast %parallel_loop3A_535 : i32 to vector<16xi32>
        %parallel_loop3A_537 = arith.addi %parallel_loop3A_147, %parallel_loop3A_536 : vector<16xi32>
        %parallel_loop3A_538 = tpu.vector_load_idx %arg12[%parallel_loop3A_537] : memref<3300xf32, #tpu.memory_space<vmem>>[vector<16xi32>], vector<16xf32>,
        %parallel_loop3A_539 = arith.constant 101 : i32
        %parallel_loop3A_540 = arith.index_cast %rem3A_68 : i32 to index
        %parallel_loop3A_541 = arith.index_cast %parallel_loop3A_539 : i32 to index
        %parallel_loop3A_542 = arith.index_cast %parallel_loop3A_135 : i32 to index
        %parallel_loop3A_543 = tpu.vector_load %arg13[%parallel_loop3A_540, %parallel_loop3A_541, %parallel_loop3A_542] {strides = array<i32>} : memref<2x112x256xf32, #tpu.memory_space<vmem>>, vector<16xf32>,
        tpu.vector_store %arg13[%parallel_loop3A_540, %parallel_loop3A_541, %parallel_loop3A_542], %parallel_loop3A_538 {strides = array<i32>} : memref<2x112x256xf32, #tpu.memory_space<vmem>>, vector<16xf32>,
        %parallel_loop3A_544 = arith.constant 22 : i32
        %parallel_loop3A_545 = vector.broadcast %parallel_loop3A_544 : i32 to vector<16xi32>
        %parallel_loop3A_546 = arith.addi %parallel_loop3A_141, %parallel_loop3A_545 : vector<16xi32>
        %parallel_loop3A_547 = tpu.vector_load_idx %arg11[%parallel_loop3A_546] : memref<3300xf32, #tpu.memory_space<vmem>>[vector<16xi32>], vector<16xf32>,
        %parallel_loop3A_548 = arith.constant 54 : i32
        %parallel_loop3A_549 = arith.index_cast %rem3A_68 : i32 to index
        %parallel_loop3A_550 = arith.index_cast %parallel_loop3A_548 : i32 to index
        %parallel_loop3A_551 = arith.index_cast %parallel_loop3A_135 : i32 to index
        %parallel_loop3A_552 = tpu.vector_load %arg13[%parallel_loop3A_549, %parallel_loop3A_550, %parallel_loop3A_551] {strides = array<i32>} : memref<2x112x256xf32, #tpu.memory_space<vmem>>, vector<16xf32>,
        tpu.vector_store %arg13[%parallel_loop3A_549, %parallel_loop3A_550, %parallel_loop3A_551], %parallel_loop3A_547 {strides = array<i32>} : memref<2x112x256xf32, #tpu.memory_space<vmem>>, vector<16xf32>,
        %parallel_loop3A_553 = arith.constant 22 : i32
        %parallel_loop3A_554 = vector.broadcast %parallel_loop3A_553 : i32 to vector<16xi32>
        %parallel_loop3A_555 = arith.addi %parallel_loop3A_147, %parallel_loop3A_554 : vector<16xi32>
        %parallel_loop3A_556 = tpu.vector_load_idx %arg12[%parallel_loop3A_555] : memref<3300xf32, #tpu.memory_space<vmem>>[vector<16xi32>], vector<16xf32>,
        %parallel_loop3A_557 = arith.constant 102 : i32
        %parallel_loop3A_558 = arith.index_cast %rem3A_68 : i32 to index
        %parallel_loop3A_559 = arith.index_cast %parallel_loop3A_557 : i32 to index
        %parallel_loop3A_560 = arith.index_cast %parallel_loop3A_135 : i32 to index
        %parallel_loop3A_561 = tpu.vector_load %arg13[%parallel_loop3A_558, %parallel_loop3A_559, %parallel_loop3A_560] {strides = array<i32>} : memref<2x112x256xf32, #tpu.memory_space<vmem>>, vector<16xf32>,
        tpu.vector_store %arg13[%parallel_loop3A_558, %parallel_loop3A_559, %parallel_loop3A_560], %parallel_loop3A_556 {strides = array<i32>} : memref<2x112x256xf32, #tpu.memory_space<vmem>>, vector<16xf32>,
        %parallel_loop3A_562 = arith.constant 23 : i32
        %parallel_loop3A_563 = vector.broadcast %parallel_loop3A_562 : i32 to vector<16xi32>
        %parallel_loop3A_564 = arith.addi %parallel_loop3A_141, %parallel_loop3A_563 : vector<16xi32>
        %parallel_loop3A_565 = tpu.vector_load_idx %arg11[%parallel_loop3A_564] : memref<3300xf32, #tpu.memory_space<vmem>>[vector<16xi32>], vector<16xf32>,
        %parallel_loop3A_566 = arith.constant 55 : i32
        %parallel_loop3A_567 = arith.index_cast %rem3A_68 : i32 to index
        %parallel_loop3A_568 = arith.index_cast %parallel_loop3A_566 : i32 to index
        %parallel_loop3A_569 = arith.index_cast %parallel_loop3A_135 : i32 to index
        %parallel_loop3A_570 = tpu.vector_load %arg13[%parallel_loop3A_567, %parallel_loop3A_568, %parallel_loop3A_569] {strides = array<i32>} : memref<2x112x256xf32, #tpu.memory_space<vmem>>, vector<16xf32>,
        tpu.vector_store %arg13[%parallel_loop3A_567, %parallel_loop3A_568, %parallel_loop3A_569], %parallel_loop3A_565 {strides = array<i32>} : memref<2x112x256xf32, #tpu.memory_space<vmem>>, vector<16xf32>,
        %parallel_loop3A_571 = arith.constant 23 : i32
        %parallel_loop3A_572 = vector.broadcast %parallel_loop3A_571 : i32 to vector<16xi32>
        %parallel_loop3A_573 = arith.addi %parallel_loop3A_147, %parallel_loop3A_572 : vector<16xi32>
        %parallel_loop3A_574 = tpu.vector_load_idx %arg12[%parallel_loop3A_573] : memref<3300xf32, #tpu.memory_space<vmem>>[vector<16xi32>], vector<16xf32>,
        %parallel_loop3A_575 = arith.constant 103 : i32
        %parallel_loop3A_576 = arith.index_cast %rem3A_68 : i32 to index
        %parallel_loop3A_577 = arith.index_cast %parallel_loop3A_575 : i32 to index
        %parallel_loop3A_578 = arith.index_cast %parallel_loop3A_135 : i32 to index
        %parallel_loop3A_579 = tpu.vector_load %arg13[%parallel_loop3A_576, %parallel_loop3A_577, %parallel_loop3A_578] {strides = array<i32>} : memref<2x112x256xf32, #tpu.memory_space<vmem>>, vector<16xf32>,
        tpu.vector_store %arg13[%parallel_loop3A_576, %parallel_loop3A_577, %parallel_loop3A_578], %parallel_loop3A_574 {strides = array<i32>} : memref<2x112x256xf32, #tpu.memory_space<vmem>>, vector<16xf32>,
        %parallel_loop3A_580 = arith.constant 24 : i32
        %parallel_loop3A_581 = vector.broadcast %parallel_loop3A_580 : i32 to vector<16xi32>
        %parallel_loop3A_582 = arith.addi %parallel_loop3A_141, %parallel_loop3A_581 : vector<16xi32>
        %parallel_loop3A_583 = tpu.vector_load_idx %arg11[%parallel_loop3A_582] : memref<3300xf32, #tpu.memory_space<vmem>>[vector<16xi32>], vector<16xf32>,
        %parallel_loop3A_584 = arith.constant 56 : i32
        %parallel_loop3A_585 = arith.index_cast %rem3A_68 : i32 to index
        %parallel_loop3A_586 = arith.index_cast %parallel_loop3A_584 : i32 to index
        %parallel_loop3A_587 = arith.index_cast %parallel_loop3A_135 : i32 to index
        %parallel_loop3A_588 = tpu.vector_load %arg13[%parallel_loop3A_585, %parallel_loop3A_586, %parallel_loop3A_587] {strides = array<i32>} : memref<2x112x256xf32, #tpu.memory_space<vmem>>, vector<16xf32>,
        tpu.vector_store %arg13[%parallel_loop3A_585, %parallel_loop3A_586, %parallel_loop3A_587], %parallel_loop3A_583 {strides = array<i32>} : memref<2x112x256xf32, #tpu.memory_space<vmem>>, vector<16xf32>,
        %parallel_loop3A_589 = arith.constant 24 : i32
        %parallel_loop3A_590 = vector.broadcast %parallel_loop3A_589 : i32 to vector<16xi32>
        %parallel_loop3A_591 = arith.addi %parallel_loop3A_147, %parallel_loop3A_590 : vector<16xi32>
        %parallel_loop3A_592 = tpu.vector_load_idx %arg12[%parallel_loop3A_591] : memref<3300xf32, #tpu.memory_space<vmem>>[vector<16xi32>], vector<16xf32>,
        %parallel_loop3A_593 = arith.constant 104 : i32
        %parallel_loop3A_594 = arith.index_cast %rem3A_68 : i32 to index
        %parallel_loop3A_595 = arith.index_cast %parallel_loop3A_593 : i32 to index
        %parallel_loop3A_596 = arith.index_cast %parallel_loop3A_135 : i32 to index
        %parallel_loop3A_597 = tpu.vector_load %arg13[%parallel_loop3A_594, %parallel_loop3A_595, %parallel_loop3A_596] {strides = array<i32>} : memref<2x112x256xf32, #tpu.memory_space<vmem>>, vector<16xf32>,
        tpu.vector_store %arg13[%parallel_loop3A_594, %parallel_loop3A_595, %parallel_loop3A_596], %parallel_loop3A_592 {strides = array<i32>} : memref<2x112x256xf32, #tpu.memory_space<vmem>>, vector<16xf32>,
        %parallel_loop3A_598 = arith.constant 25 : i32
        %parallel_loop3A_599 = vector.broadcast %parallel_loop3A_598 : i32 to vector<16xi32>
        %parallel_loop3A_600 = arith.addi %parallel_loop3A_141, %parallel_loop3A_599 : vector<16xi32>
        %parallel_loop3A_601 = tpu.vector_load_idx %arg11[%parallel_loop3A_600] : memref<3300xf32, #tpu.memory_space<vmem>>[vector<16xi32>], vector<16xf32>,
        %parallel_loop3A_602 = arith.constant 57 : i32
        %parallel_loop3A_603 = arith.index_cast %rem3A_68 : i32 to index
        %parallel_loop3A_604 = arith.index_cast %parallel_loop3A_602 : i32 to index
        %parallel_loop3A_605 = arith.index_cast %parallel_loop3A_135 : i32 to index
        %parallel_loop3A_606 = tpu.vector_load %arg13[%parallel_loop3A_603, %parallel_loop3A_604, %parallel_loop3A_605] {strides = array<i32>} : memref<2x112x256xf32, #tpu.memory_space<vmem>>, vector<16xf32>,
        tpu.vector_store %arg13[%parallel_loop3A_603, %parallel_loop3A_604, %parallel_loop3A_605], %parallel_loop3A_601 {strides = array<i32>} : memref<2x112x256xf32, #tpu.memory_space<vmem>>, vector<16xf32>,
        %parallel_loop3A_607 = arith.constant 25 : i32
        %parallel_loop3A_608 = vector.broadcast %parallel_loop3A_607 : i32 to vector<16xi32>
        %parallel_loop3A_609 = arith.addi %parallel_loop3A_147, %parallel_loop3A_608 : vector<16xi32>
        %parallel_loop3A_610 = tpu.vector_load_idx %arg12[%parallel_loop3A_609] : memref<3300xf32, #tpu.memory_space<vmem>>[vector<16xi32>], vector<16xf32>,
        %parallel_loop3A_611 = arith.constant 105 : i32
        %parallel_loop3A_612 = arith.index_cast %rem3A_68 : i32 to index
        %parallel_loop3A_613 = arith.index_cast %parallel_loop3A_611 : i32 to index
        %parallel_loop3A_614 = arith.index_cast %parallel_loop3A_135 : i32 to index
        %parallel_loop3A_615 = tpu.vector_load %arg13[%parallel_loop3A_612, %parallel_loop3A_613, %parallel_loop3A_614] {strides = array<i32>} : memref<2x112x256xf32, #tpu.memory_space<vmem>>, vector<16xf32>,
        tpu.vector_store %arg13[%parallel_loop3A_612, %parallel_loop3A_613, %parallel_loop3A_614], %parallel_loop3A_610 {strides = array<i32>} : memref<2x112x256xf32, #tpu.memory_space<vmem>>, vector<16xf32>,
        %parallel_loop3A_616 = arith.constant 26 : i32
        %parallel_loop3A_617 = vector.broadcast %parallel_loop3A_616 : i32 to vector<16xi32>
        %parallel_loop3A_618 = arith.addi %parallel_loop3A_141, %parallel_loop3A_617 : vector<16xi32>
        %parallel_loop3A_619 = tpu.vector_load_idx %arg11[%parallel_loop3A_618] : memref<3300xf32, #tpu.memory_space<vmem>>[vector<16xi32>], vector<16xf32>,
        %parallel_loop3A_620 = arith.constant 58 : i32
        %parallel_loop3A_621 = arith.index_cast %rem3A_68 : i32 to index
        %parallel_loop3A_622 = arith.index_cast %parallel_loop3A_620 : i32 to index
        %parallel_loop3A_623 = arith.index_cast %parallel_loop3A_135 : i32 to index
        %parallel_loop3A_624 = tpu.vector_load %arg13[%parallel_loop3A_621, %parallel_loop3A_622, %parallel_loop3A_623] {strides = array<i32>} : memref<2x112x256xf32, #tpu.memory_space<vmem>>, vector<16xf32>,
        tpu.vector_store %arg13[%parallel_loop3A_621, %parallel_loop3A_622, %parallel_loop3A_623], %parallel_loop3A_619 {strides = array<i32>} : memref<2x112x256xf32, #tpu.memory_space<vmem>>, vector<16xf32>,
        %parallel_loop3A_625 = arith.constant 26 : i32
        %parallel_loop3A_626 = vector.broadcast %parallel_loop3A_625 : i32 to vector<16xi32>
        %parallel_loop3A_627 = arith.addi %parallel_loop3A_147, %parallel_loop3A_626 : vector<16xi32>
        %parallel_loop3A_628 = tpu.vector_load_idx %arg12[%parallel_loop3A_627] : memref<3300xf32, #tpu.memory_space<vmem>>[vector<16xi32>], vector<16xf32>,
        %parallel_loop3A_629 = arith.constant 106 : i32
        %parallel_loop3A_630 = arith.index_cast %rem3A_68 : i32 to index
        %parallel_loop3A_631 = arith.index_cast %parallel_loop3A_629 : i32 to index
        %parallel_loop3A_632 = arith.index_cast %parallel_loop3A_135 : i32 to index
        %parallel_loop3A_633 = tpu.vector_load %arg13[%parallel_loop3A_630, %parallel_loop3A_631, %parallel_loop3A_632] {strides = array<i32>} : memref<2x112x256xf32, #tpu.memory_space<vmem>>, vector<16xf32>,
        tpu.vector_store %arg13[%parallel_loop3A_630, %parallel_loop3A_631, %parallel_loop3A_632], %parallel_loop3A_628 {strides = array<i32>} : memref<2x112x256xf32, #tpu.memory_space<vmem>>, vector<16xf32>,
        %parallel_loop3A_634 = arith.constant 27 : i32
        %parallel_loop3A_635 = vector.broadcast %parallel_loop3A_634 : i32 to vector<16xi32>
        %parallel_loop3A_636 = arith.addi %parallel_loop3A_141, %parallel_loop3A_635 : vector<16xi32>
        %parallel_loop3A_637 = tpu.vector_load_idx %arg11[%parallel_loop3A_636] : memref<3300xf32, #tpu.memory_space<vmem>>[vector<16xi32>], vector<16xf32>,
        %parallel_loop3A_638 = arith.constant 59 : i32
        %parallel_loop3A_639 = arith.index_cast %rem3A_68 : i32 to index
        %parallel_loop3A_640 = arith.index_cast %parallel_loop3A_638 : i32 to index
        %parallel_loop3A_641 = arith.index_cast %parallel_loop3A_135 : i32 to index
        %parallel_loop3A_642 = tpu.vector_load %arg13[%parallel_loop3A_639, %parallel_loop3A_640, %parallel_loop3A_641] {strides = array<i32>} : memref<2x112x256xf32, #tpu.memory_space<vmem>>, vector<16xf32>,
        tpu.vector_store %arg13[%parallel_loop3A_639, %parallel_loop3A_640, %parallel_loop3A_641], %parallel_loop3A_637 {strides = array<i32>} : memref<2x112x256xf32, #tpu.memory_space<vmem>>, vector<16xf32>,
        %parallel_loop3A_643 = arith.constant 27 : i32
        %parallel_loop3A_644 = vector.broadcast %parallel_loop3A_643 : i32 to vector<16xi32>
        %parallel_loop3A_645 = arith.addi %parallel_loop3A_147, %parallel_loop3A_644 : vector<16xi32>
        %parallel_loop3A_646 = tpu.vector_load_idx %arg12[%parallel_loop3A_645] : memref<3300xf32, #tpu.memory_space<vmem>>[vector<16xi32>], vector<16xf32>,
        %parallel_loop3A_647 = arith.constant 107 : i32
        %parallel_loop3A_648 = arith.index_cast %rem3A_68 : i32 to index
        %parallel_loop3A_649 = arith.index_cast %parallel_loop3A_647 : i32 to index
        %parallel_loop3A_650 = arith.index_cast %parallel_loop3A_135 : i32 to index
        %parallel_loop3A_651 = tpu.vector_load %arg13[%parallel_loop3A_648, %parallel_loop3A_649, %parallel_loop3A_650] {strides = array<i32>} : memref<2x112x256xf32, #tpu.memory_space<vmem>>, vector<16xf32>,
        tpu.vector_store %arg13[%parallel_loop3A_648, %parallel_loop3A_649, %parallel_loop3A_650], %parallel_loop3A_646 {strides = array<i32>} : memref<2x112x256xf32, #tpu.memory_space<vmem>>, vector<16xf32>,
        %parallel_loop3A_652 = arith.constant 28 : i32
        %parallel_loop3A_653 = vector.broadcast %parallel_loop3A_652 : i32 to vector<16xi32>
        %parallel_loop3A_654 = arith.addi %parallel_loop3A_141, %parallel_loop3A_653 : vector<16xi32>
        %parallel_loop3A_655 = tpu.vector_load_idx %arg11[%parallel_loop3A_654] : memref<3300xf32, #tpu.memory_space<vmem>>[vector<16xi32>], vector<16xf32>,
        %parallel_loop3A_656 = arith.constant 60 : i32
        %parallel_loop3A_657 = arith.index_cast %rem3A_68 : i32 to index
        %parallel_loop3A_658 = arith.index_cast %parallel_loop3A_656 : i32 to index
        %parallel_loop3A_659 = arith.index_cast %parallel_loop3A_135 : i32 to index
        %parallel_loop3A_660 = tpu.vector_load %arg13[%parallel_loop3A_657, %parallel_loop3A_658, %parallel_loop3A_659] {strides = array<i32>} : memref<2x112x256xf32, #tpu.memory_space<vmem>>, vector<16xf32>,
        tpu.vector_store %arg13[%parallel_loop3A_657, %parallel_loop3A_658, %parallel_loop3A_659], %parallel_loop3A_655 {strides = array<i32>} : memref<2x112x256xf32, #tpu.memory_space<vmem>>, vector<16xf32>,
        %parallel_loop3A_661 = arith.constant 28 : i32
        %parallel_loop3A_662 = vector.broadcast %parallel_loop3A_661 : i32 to vector<16xi32>
        %parallel_loop3A_663 = arith.addi %parallel_loop3A_147, %parallel_loop3A_662 : vector<16xi32>
        %parallel_loop3A_664 = tpu.vector_load_idx %arg12[%parallel_loop3A_663] : memref<3300xf32, #tpu.memory_space<vmem>>[vector<16xi32>], vector<16xf32>,
        %parallel_loop3A_665 = arith.constant 108 : i32
        %parallel_loop3A_666 = arith.index_cast %rem3A_68 : i32 to index
        %parallel_loop3A_667 = arith.index_cast %parallel_loop3A_665 : i32 to index
        %parallel_loop3A_668 = arith.index_cast %parallel_loop3A_135 : i32 to index
        %parallel_loop3A_669 = tpu.vector_load %arg13[%parallel_loop3A_666, %parallel_loop3A_667, %parallel_loop3A_668] {strides = array<i32>} : memref<2x112x256xf32, #tpu.memory_space<vmem>>, vector<16xf32>,
        tpu.vector_store %arg13[%parallel_loop3A_666, %parallel_loop3A_667, %parallel_loop3A_668], %parallel_loop3A_664 {strides = array<i32>} : memref<2x112x256xf32, #tpu.memory_space<vmem>>, vector<16xf32>,
        %parallel_loop3A_670 = arith.constant 29 : i32
        %parallel_loop3A_671 = vector.broadcast %parallel_loop3A_670 : i32 to vector<16xi32>
        %parallel_loop3A_672 = arith.addi %parallel_loop3A_141, %parallel_loop3A_671 : vector<16xi32>
        %parallel_loop3A_673 = tpu.vector_load_idx %arg11[%parallel_loop3A_672] : memref<3300xf32, #tpu.memory_space<vmem>>[vector<16xi32>], vector<16xf32>,
        %parallel_loop3A_674 = arith.constant 61 : i32
        %parallel_loop3A_675 = arith.index_cast %rem3A_68 : i32 to index
        %parallel_loop3A_676 = arith.index_cast %parallel_loop3A_674 : i32 to index
        %parallel_loop3A_677 = arith.index_cast %parallel_loop3A_135 : i32 to index
        %parallel_loop3A_678 = tpu.vector_load %arg13[%parallel_loop3A_675, %parallel_loop3A_676, %parallel_loop3A_677] {strides = array<i32>} : memref<2x112x256xf32, #tpu.memory_space<vmem>>, vector<16xf32>,
        tpu.vector_store %arg13[%parallel_loop3A_675, %parallel_loop3A_676, %parallel_loop3A_677], %parallel_loop3A_673 {strides = array<i32>} : memref<2x112x256xf32, #tpu.memory_space<vmem>>, vector<16xf32>,
        %parallel_loop3A_679 = arith.constant 29 : i32
        %parallel_loop3A_680 = vector.broadcast %parallel_loop3A_679 : i32 to vector<16xi32>
        %parallel_loop3A_681 = arith.addi %parallel_loop3A_147, %parallel_loop3A_680 : vector<16xi32>
        %parallel_loop3A_682 = tpu.vector_load_idx %arg12[%parallel_loop3A_681] : memref<3300xf32, #tpu.memory_space<vmem>>[vector<16xi32>], vector<16xf32>,
        %parallel_loop3A_683 = arith.constant 109 : i32
        %parallel_loop3A_684 = arith.index_cast %rem3A_68 : i32 to index
        %parallel_loop3A_685 = arith.index_cast %parallel_loop3A_683 : i32 to index
        %parallel_loop3A_686 = arith.index_cast %parallel_loop3A_135 : i32 to index
        %parallel_loop3A_687 = tpu.vector_load %arg13[%parallel_loop3A_684, %parallel_loop3A_685, %parallel_loop3A_686] {strides = array<i32>} : memref<2x112x256xf32, #tpu.memory_space<vmem>>, vector<16xf32>,
        tpu.vector_store %arg13[%parallel_loop3A_684, %parallel_loop3A_685, %parallel_loop3A_686], %parallel_loop3A_682 {strides = array<i32>} : memref<2x112x256xf32, #tpu.memory_space<vmem>>, vector<16xf32>,
        %parallel_loop3A_688 = arith.constant 30 : i32
        %parallel_loop3A_689 = vector.broadcast %parallel_loop3A_688 : i32 to vector<16xi32>
        %parallel_loop3A_690 = arith.addi %parallel_loop3A_141, %parallel_loop3A_689 : vector<16xi32>
        %parallel_loop3A_691 = tpu.vector_load_idx %arg11[%parallel_loop3A_690] : memref<3300xf32, #tpu.memory_space<vmem>>[vector<16xi32>], vector<16xf32>,
        %parallel_loop3A_692 = arith.constant 62 : i32
        %parallel_loop3A_693 = arith.index_cast %rem3A_68 : i32 to index
        %parallel_loop3A_694 = arith.index_cast %parallel_loop3A_692 : i32 to index
        %parallel_loop3A_695 = arith.index_cast %parallel_loop3A_135 : i32 to index
        %parallel_loop3A_696 = tpu.vector_load %arg13[%parallel_loop3A_693, %parallel_loop3A_694, %parallel_loop3A_695] {strides = array<i32>} : memref<2x112x256xf32, #tpu.memory_space<vmem>>, vector<16xf32>,
        tpu.vector_store %arg13[%parallel_loop3A_693, %parallel_loop3A_694, %parallel_loop3A_695], %parallel_loop3A_691 {strides = array<i32>} : memref<2x112x256xf32, #tpu.memory_space<vmem>>, vector<16xf32>,
        %parallel_loop3A_697 = arith.constant 30 : i32
        %parallel_loop3A_698 = vector.broadcast %parallel_loop3A_697 : i32 to vector<16xi32>
        %parallel_loop3A_699 = arith.addi %parallel_loop3A_147, %parallel_loop3A_698 : vector<16xi32>
        %parallel_loop3A_700 = tpu.vector_load_idx %arg12[%parallel_loop3A_699] : memref<3300xf32, #tpu.memory_space<vmem>>[vector<16xi32>], vector<16xf32>,
        %parallel_loop3A_701 = arith.constant 110 : i32
        %parallel_loop3A_702 = arith.index_cast %rem3A_68 : i32 to index
        %parallel_loop3A_703 = arith.index_cast %parallel_loop3A_701 : i32 to index
        %parallel_loop3A_704 = arith.index_cast %parallel_loop3A_135 : i32 to index
        %parallel_loop3A_705 = tpu.vector_load %arg13[%parallel_loop3A_702, %parallel_loop3A_703, %parallel_loop3A_704] {strides = array<i32>} : memref<2x112x256xf32, #tpu.memory_space<vmem>>, vector<16xf32>,
        tpu.vector_store %arg13[%parallel_loop3A_702, %parallel_loop3A_703, %parallel_loop3A_704], %parallel_loop3A_700 {strides = array<i32>} : memref<2x112x256xf32, #tpu.memory_space<vmem>>, vector<16xf32>,
        %parallel_loop3A_706 = arith.constant 31 : i32
        %parallel_loop3A_707 = vector.broadcast %parallel_loop3A_706 : i32 to vector<16xi32>
        %parallel_loop3A_708 = arith.addi %parallel_loop3A_141, %parallel_loop3A_707 : vector<16xi32>
        %parallel_loop3A_709 = tpu.vector_load_idx %arg11[%parallel_loop3A_708] : memref<3300xf32, #tpu.memory_space<vmem>>[vector<16xi32>], vector<16xf32>,
        %parallel_loop3A_710 = arith.constant 63 : i32
        %parallel_loop3A_711 = arith.index_cast %rem3A_68 : i32 to index
        %parallel_loop3A_712 = arith.index_cast %parallel_loop3A_710 : i32 to index
        %parallel_loop3A_713 = arith.index_cast %parallel_loop3A_135 : i32 to index
        %parallel_loop3A_714 = tpu.vector_load %arg13[%parallel_loop3A_711, %parallel_loop3A_712, %parallel_loop3A_713] {strides = array<i32>} : memref<2x112x256xf32, #tpu.memory_space<vmem>>, vector<16xf32>,
        tpu.vector_store %arg13[%parallel_loop3A_711, %parallel_loop3A_712, %parallel_loop3A_713], %parallel_loop3A_709 {strides = array<i32>} : memref<2x112x256xf32, #tpu.memory_space<vmem>>, vector<16xf32>,
        %parallel_loop3A_715 = arith.constant 31 : i32
        %parallel_loop3A_716 = vector.broadcast %parallel_loop3A_715 : i32 to vector<16xi32>
        %parallel_loop3A_717 = arith.addi %parallel_loop3A_147, %parallel_loop3A_716 : vector<16xi32>
        %parallel_loop3A_718 = tpu.vector_load_idx %arg12[%parallel_loop3A_717] : memref<3300xf32, #tpu.memory_space<vmem>>[vector<16xi32>], vector<16xf32>,
        %parallel_loop3A_719 = arith.constant 111 : i32
        %parallel_loop3A_720 = arith.index_cast %rem3A_68 : i32 to index
        %parallel_loop3A_721 = arith.index_cast %parallel_loop3A_719 : i32 to index
        %parallel_loop3A_722 = arith.index_cast %parallel_loop3A_135 : i32 to index
        %parallel_loop3A_723 = tpu.vector_load %arg13[%parallel_loop3A_720, %parallel_loop3A_721, %parallel_loop3A_722] {strides = array<i32>} : memref<2x112x256xf32, #tpu.memory_space<vmem>>, vector<16xf32>,
        tpu.vector_store %arg13[%parallel_loop3A_720, %parallel_loop3A_721, %parallel_loop3A_722], %parallel_loop3A_718 {strides = array<i32>} : memref<2x112x256xf32, #tpu.memory_space<vmem>>, vector<16xf32>,
      } {sc.loop_unroll_factor = 2 : i64, sc.parallel_access}
      %mul3A_118 = arith.constant 2 : i32
      %mul3A_119 = arith.muli %mul3A_118, %scan3A_67 : i32
      %add3A_120 = arith.addi %arg0, %mul3A_119 : i32
      %dma_start3A_121 = arith.constant 0 : i32
      %dma_start3A_122 = arith.constant 0 : i32
      %dma_start3A_123 = tpu.memref_slice %arg13[%rem3A_68, %dma_start3A_121, %dma_start3A_122] : memref<2x112x256xf32, #tpu.memory_space<vmem>> -> memref<1x112x256xf32, #tpu.memory_space<vmem>>
      %dma_start3A_124 = tpu.memref_squeeze %dma_start3A_123 : memref<1x112x256xf32, #tpu.memory_space<vmem>> -> memref<112x256xf32, #tpu.memory_space<vmem>>
      %dma_start3A_125 = arith.constant 0 : i32
      %dma_start3A_126 = tpu.memref_slice %arg8[%add3A_120, %dma_start3A_125, %multiple_of3A] : memref<200x112x4096xf32, #tpu.memory_space<hbm>> -> memref<1x112x256xf32, #tpu.memory_space<hbm>>
      %dma_start3A_127 = tpu.memref_squeeze %dma_start3A_126 : memref<1x112x256xf32, #tpu.memory_space<hbm>> -> memref<112x256xf32, #tpu.memory_space<hbm>>
      %dma_start3A_128 = arith.constant 0 : i32
      %dma_start3A_129 = tpu.memref_slice %arg8[%add3A_120, %dma_start3A_128, %multiple_of3A] : memref<200x112x4096xf32, #tpu.memory_space<hbm>> -> memref<1x112x256xf32, #tpu.memory_space<hbm>>
      %dma_start3A_130 = tpu.memref_squeeze %dma_start3A_129 : memref<1x112x256xf32, #tpu.memory_space<hbm>> -> memref<112x256xf32, #tpu.memory_space<hbm>>
      %dma_start3A_131 = arith.constant 0 : i32
      %dma_start3A_132 = arith.constant 0 : i32
      %dma_start3A_133 = tpu.memref_slice %arg13[%rem3A_68, %dma_start3A_131, %dma_start3A_132] : memref<2x112x256xf32, #tpu.memory_space<vmem>> -> memref<1x112x256xf32, #tpu.memory_space<vmem>>
      %dma_start3A_134 = tpu.memref_squeeze %dma_start3A_133 : memref<1x112x256xf32, #tpu.memory_space<vmem>> -> memref<112x256xf32, #tpu.memory_space<vmem>>
      tpu.enqueue_dma source(%dma_start3A_134 : memref<112x256xf32, #tpu.memory_space<vmem>>) target(%dma_start3A_130 : memref<112x256xf32, #tpu.memory_space<hbm>>) target_semaphore(%arg16 : memref<!tpu.dma_semaphore, #tpu.memory_space<semaphore_mem>>)
    }
    %scan3A_50 = arith.constant 100 : i32
    %add3A_51 = arith.constant 198 : i32
    %add3A_52 = arith.addi %arg0, %add3A_51 : i32
    %dma_wait3A = arith.constant 1 : i32
    %dma_wait3A_53 = arith.constant 0 : i32
    %dma_wait3A_54 = arith.constant 0 : i32
    %dma_wait3A_55 = tpu.memref_slice %arg13[%dma_wait3A, %dma_wait3A_53, %dma_wait3A_54] : memref<2x112x256xf32, #tpu.memory_space<vmem>> -> memref<1x112x256xf32, #tpu.memory_space<vmem>>
    %dma_wait3A_56 = tpu.memref_squeeze %dma_wait3A_55 : memref<1x112x256xf32, #tpu.memory_space<vmem>> -> memref<112x256xf32, #tpu.memory_space<vmem>>
    %dma_wait3A_57 = arith.constant 0 : i32
    %dma_wait3A_58 = tpu.memref_slice %arg8[%add3A_52, %dma_wait3A_57, %multiple_of3A] : memref<200x112x4096xf32, #tpu.memory_space<hbm>> -> memref<1x112x256xf32, #tpu.memory_space<hbm>>
    %dma_wait3A_59 = tpu.memref_squeeze %dma_wait3A_58 : memref<1x112x256xf32, #tpu.memory_space<hbm>> -> memref<112x256xf32, #tpu.memory_space<hbm>>
    %dma_wait3A_60 = arith.constant 0 : i32
    %dma_wait3A_61 = tpu.memref_slice %arg8[%add3A_52, %dma_wait3A_60, %multiple_of3A] : memref<200x112x4096xf32, #tpu.memory_space<hbm>> -> memref<1x112x256xf32, #tpu.memory_space<hbm>>
    %dma_wait3A_62 = tpu.memref_squeeze %dma_wait3A_61 : memref<1x112x256xf32, #tpu.memory_space<hbm>> -> memref<112x256xf32, #tpu.memory_space<hbm>>
    %dma_wait3A_63 = arith.constant 0 : i32
    %dma_wait3A_64 = arith.constant 0 : i32
    %dma_wait3A_65 = tpu.memref_slice %arg13[%dma_wait3A, %dma_wait3A_63, %dma_wait3A_64] : memref<2x112x256xf32, #tpu.memory_space<vmem>> -> memref<1x112x256xf32, #tpu.memory_space<vmem>>
    %dma_wait3A_66 = tpu.memref_squeeze %dma_wait3A_65 : memref<1x112x256xf32, #tpu.memory_space<vmem>> -> memref<112x256xf32, #tpu.memory_space<vmem>>
    tpu.wait_dma2 semaphore(%arg16 : memref<!tpu.dma_semaphore, #tpu.memory_space<semaphore_mem>>) src(%dma_wait3A_66 : memref<112x256xf32, #tpu.memory_space<vmem>>) dst(%dma_wait3A_62 : memref<112x256xf32, #tpu.memory_space<hbm>>)
    return
  }
}

module attributes {stable_mosaic.version = 14 : i64} {
  func.func @_t2v_body(%arg0: memref<1x2xf32, #tpu.memory_space<vmem>>, %arg1: memref<16x2xf32, #tpu.memory_space<vmem>>, %arg2: memref<16x2xf32, #tpu.memory_space<vmem>>, %arg3: memref<16x512xf32, #tpu.memory_space<vmem>>) attributes {dimension_semantics = [], scalar_prefetch = 0 : i64, scratch_operands = 0 : i64, tpu.core_type = #tpu.core_type<tc>} {
    %get3A = arith.constant 0 : index
    %get3A_0 = arith.constant 0 : index
    %get3A_1 = vector.load %arg0[%get3A, %get3A_0] : memref<1x2xf32, #tpu.memory_space<vmem>>, vector<1x2xf32>
    %get3A_2 = arith.constant 0 : index
    %get3A_3 = arith.constant 0 : index
    %get3A_4 = vector.load %arg1[%get3A_2, %get3A_3] : memref<16x2xf32, #tpu.memory_space<vmem>>, vector<16x2xf32>
    %mul3A = vector.broadcast %get3A_1 : vector<1x2xf32> to vector<16x2xf32>
    %mul3A_5 = arith.mulf %mul3A, %get3A_4 : vector<16x2xf32>
    %get3A_6 = arith.constant 0 : index
    %get3A_7 = arith.constant 0 : index
    %get3A_8 = vector.load %arg2[%get3A_6, %get3A_7] : memref<16x2xf32, #tpu.memory_space<vmem>>, vector<16x2xf32>
    %add3A = arith.addf %mul3A_5, %get3A_8 : vector<16x2xf32>
    %iota3A = tpu.iota {dimensions = array<i32: 0>} : vector<16x2xi32>
    %eq3A = arith.constant 0 : i32
    %eq3A_9 = vector.broadcast %eq3A : i32 to vector<16x2xi32>
    %eq3A_10 = arith.cmpi eq, %iota3A, %eq3A_9 : vector<16x2xi32>
    %sin3A = math.sin %add3A : vector<16x2xf32>
    %select_n3A = arith.select %eq3A_10, %add3A, %sin3A : vector<16x2xi1>, vector<16x2xf32>
    %iota3A_11 = tpu.iota {dimensions = array<i32: 1>} : vector<16x512xi32>
    %lt3A = arith.constant 256 : i32
    %lt3A_12 = vector.broadcast %lt3A : i32 to vector<16x512xi32>
    %lt3A_13 = arith.cmpi slt, %iota3A_11, %lt3A_12 : vector<16x512xi32>
    %slice3A = vector.extract_strided_slice %select_n3A {offsets = [0, 0], sizes = [16, 1], strides = [1, 1]} : vector<16x2xf32> to vector<16x1xf32>
    %broadcast_in_dim3A = vector.shape_cast %slice3A : vector<16x1xf32> to vector<16x1xf32>
    %broadcast_in_dim3A_14 = vector.broadcast %broadcast_in_dim3A : vector<16x1xf32> to vector<16x512xf32>
    %slice3A_15 = vector.extract_strided_slice %select_n3A {offsets = [0, 1], sizes = [16, 1], strides = [1, 1]} : vector<16x2xf32> to vector<16x1xf32>
    %broadcast_in_dim3A_16 = vector.shape_cast %slice3A_15 : vector<16x1xf32> to vector<16x1xf32>
    %broadcast_in_dim3A_17 = vector.broadcast %broadcast_in_dim3A_16 : vector<16x1xf32> to vector<16x512xf32>
    %select_n3A_18 = arith.select %lt3A_13, %broadcast_in_dim3A_14, %broadcast_in_dim3A_17 : vector<16x512xi1>, vector<16x512xf32>
    %swap3A = arith.constant 0 : index
    %swap3A_19 = arith.constant 0 : index
    %swap3A_20 = vector.load %arg3[%swap3A, %swap3A_19] : memref<16x512xf32, #tpu.memory_space<vmem>>, vector<16x512xf32>
    tpu.vector_store %arg3[%swap3A, %swap3A_19], %select_n3A_18 {strides = array<i32>} : memref<16x512xf32, #tpu.memory_space<vmem>>, vector<16x512xf32>,
    return
  }
}

</mosaic_0001>

<sc_bundles>
// kernel: kernel.4.cloned.1.call-start
scs
__scs_entry_jumppad:
0x0: {  	(pc) =	sbr.rel $0x88, $3  }
0x1: {  	(tag) =	ssettag $0x0;
	lr =	simm.s32 $0x1  }
0x2: {  	[smem:$0x3F99] =	sst lr;
	_ =	strace $0xD0000000  }
0x3: {  	_ = 	snop  }
0x4: {  	_ = 	snop  }
0x5: {  	_ = 	snop  }
0x6: {  	_ = 	snop  }
0x7: {  	_ = 	snop  }
__scs_overlays_trampoline_lowered:
0x8: {  	[smem:$0x3FA8] =	sst s0  }
0x9: {  	[smem:$0x3FA9] =	sst s1  }
0xa: {  	[smem:$0x3FAA] =	sst s2  }
0xb: {  	[smem:$0x3FAB] =	sst s3  }
0xc: {  	[smem:$0x3FAC] =	sst s4  }
0xd: {  	[smem:$0x3FAD] =	sst s5  }
0xe: {  	[smem:$0x3FAE] =	sst s6  }
0xf: {  	[smem:$0x3FAF] =	sst s7  }
0x10: {  	[smem:$0x3FB0] =	sst s8  }
0x11: {  	[smem:$0x3FB1] =	sst s9;
	s0 =	simm.s32 @!p0 $0x0  }
0x12: {  	s1 =	sld [smem:$0x3F97];
	s0 =	simm.s32 @p0 $0x1  }
0x13: {  	[smem:$0x3FB2] =	sst s0;
	s0 =	simm.s32 @!p1 $0x0  }
0x14: {  	s2 =	sld [smem:$0x3F96];
	s0 =	simm.s32 @p1 $0x1  }
0x15: {  	[smem:$0x3FB3] =	sst s0;
	s0 =	simm.s32 @!p2 $0x0  }
0x16: {  	s3 =	sld [smem:$0x3FDB];
	s0 =	simm.s32 @p2 $0x1  }
0x17: {  	s4 =	simm.s32 $0x1BF5;
	[smem:$0x3FB5] =	sst s0  }
0x18: {  	s0 =	sld [smem:$0x3F98];
	_ =	swait.ge [sflag:s4], $0x0  }
0x19: {  	s7 =	sld [smem:$0x3F99]  }
0x1a: {  	s8 =	sadd.s32 $0xFFFFE003, lr  }
0x1b: {  	s9 =	sadd.s32 $0xFFFFFEF7, lr;
	s5 =	simm.s32 $0xFFFFFFFF;
	p2 =	slt.u32 s8, $0xFFFFF086  }
0x1c: {  	p1 =	slt.u32 s9, $0xF7A;
	s5 =	simm.s32 @!p2 $0x0  }
0x1d: {  	s5 =	simm.s32 @p1 $0x1;
	p0 =	seq.s32 s7, s2  }
0x1e: {  	s7 =	smul.u32 @!p0 $0xF7A, s2;
	p2 =	seq.s32 @!p0 s5, $0x0  }
0x1f: {  	s9 =	smul.u32 $0xF7A, s1;
	s8 =	simm.s32 @!p0 $0x1BF5;
	p2 =	por !p2, p0  }
0x20: {  	[sflag:s8] =	ssyncset.s32 @!p0 $0xFFFFF086;
	s6 =	sadd.s32 @!p0 s3, s7;
	s7 =	simm.s32 @!p0 $0x108  }
0x21: {  	s3 =	sadd.s32 s3, s9;
	s6 =	sadd.s32 @!p0 $0x88, s6;
	s7 =	simm.s32 @p2 $0x1082  }
0x22: {  	[simem:s7], [sflag:s8] =	dma.local @!p0 [hbm:s6], $0xF7A  }
0x23: {  	s9 =	sor.u32 $0xD0000000, s2;
	s6 =	simm.s32 $0x108;
	_ =	swait.ge @!p0 [sflag:s8], $0x0  }
0x24: {  	s3 =	sadd.s32 $0x88, s3;
	s6 =	simm.s32 @!p1 $0x1082;
	[sflag:s4] =	ssyncset.s32 $0xFFFFF086  }
0x25: {  	[simem:s6], [sflag:s4] =	dma.local [hbm:s3], $0xF7A  }
0x26: {  	[smem:$0x3F99] =	sst s1;
	(tag) =	ssettag s2;
	_ =	strace s9  }
0x27: {  	s1 =	sld [smem:$0x3FA9]  }
0x28: {  	s2 =	sld [smem:$0x3FAA]  }
0x29: {  	s4 =	sld [smem:$0x3FAC]  }
0x2a: {  	p0 =	seq.s32 s5, $0x0;
	s5 =	sld [smem:$0x3FAD]  }
0x2b: {  	s6 =	sld [smem:$0x3FAE]  }
0x2c: {  	s7 =	sld [smem:$0x3FAF]  }
0x2d: {  	s3 =	simm.s32 $0x108;
	s8 =	sld [smem:$0x3FB0]  }
0x2e: {  	s3 =	simm.s32 @!p0 $0x1082;
	s9 =	sld [smem:$0x3FB1]  }
0x2f: {  	lr =	sadd.s32 s0, s3;
	s0 =	sld [smem:$0x3FA8]  }
0x30: {  	s3 =	sld [smem:$0x3FAB]  }
0x31: {  	[smem:$0x3FB4] =	sst s10  }
0x32: {  	s10 =	sld [smem:$0x3FB2];
	_ =	sdelay $0x3  }
0x33: {  	p0 =	seq.s32 s10, $0x1;
	s10 =	sld [smem:$0x3FB4];
	_ =	sdelay $0x3  }
0x34: {  	[smem:$0x3FB4] =	sst s10  }
0x35: {  	s10 =	sld [smem:$0x3FB3];
	_ =	sdelay $0x3  }
0x36: {  	p1 =	seq.s32 s10, $0x1;
	s10 =	sld [smem:$0x3FB4];
	_ =	sdelay $0x3  }
0x37: {  	[smem:$0x3FB4] =	sst s10  }
0x38: {  	s10 =	sld [smem:$0x3FB5]  }
0x39: {  	_ = 	snop;
	(pc) =	sbr.ind lr, $3  }
0x3a: {  	_ = 	snop  }
0x3b: {  	_ = 	snop  }
0x3c: {  	p2 =	seq.s32 s10, $0x1;
	s10 =	sld [smem:$0x3FB4]  }
0x3d: {  	_ =	shalt  }
0x3e: {  	_ =	shalt  }
0x3f: {  	_ =	shalt  }
0x40: {  	_ =	shalt  }
0x41: {  	_ =	shalt  }
0x42: {  	_ =	shalt  }
0x43: {  	_ =	shalt  }
0x44: {  	_ =	shalt  }
0x45: {  	_ =	shalt  }
0x46: {  	_ =	shalt  }
0x47: {  	_ =	shalt  }
0x48: {  	_ =	shalt  }
0x49: {  	_ =	shalt  }
0x4a: {  	_ =	shalt  }
0x4b: {  	_ =	shalt  }
0x4c: {  	_ =	shalt  }
0x4d: {  	_ =	shalt  }
0x4e: {  	_ =	shalt  }
0x4f: {  	_ =	shalt  }
0x50: {  	_ =	shalt  }
0x51: {  	_ =	shalt  }
0x52: {  	_ =	shalt  }
0x53: {  	_ =	shalt  }
0x54: {  	_ =	shalt  }
0x55: {  	_ =	shalt  }
0x56: {  	_ =	shalt  }
0x57: {  	_ =	shalt  }
0x58: {  	_ =	shalt  }
0x59: {  	_ =	shalt  }
0x5a: {  	_ =	shalt  }
0x5b: {  	_ =	shalt  }
0x5c: {  	_ =	shalt  }
0x5d: {  	_ =	shalt  }
0x5e: {  	_ =	shalt  }
0x5f: {  	_ =	shalt  }
0x60: {  	_ =	shalt  }
0x61: {  	_ =	shalt  }
0x62: {  	_ =	shalt  }
0x63: {  	_ =	shalt  }
0x64: {  	_ =	shalt  }
0x65: {  	_ =	shalt  }
0x66: {  	_ =	shalt  }
0x67: {  	_ =	shalt  }
0x68: {  	_ =	shalt  }
0x69: {  	_ =	shalt  }
0x6a: {  	_ =	shalt  }
0x6b: {  	_ =	shalt  }
0x6c: {  	_ =	shalt  }
0x6d: {  	_ =	shalt  }
0x6e: {  	_ =	shalt  }
0x6f: {  	_ =	shalt  }
0x70: {  	_ =	shalt  }
0x71: {  	_ =	shalt  }
0x72: {  	_ =	shalt  }
0x73: {  	_ =	shalt  }
0x74: {  	_ =	shalt  }
0x75: {  	_ =	shalt  }
0x76: {  	_ =	shalt  }
0x77: {  	_ =	shalt  }
0x78: {  	_ =	shalt  }
0x79: {  	_ =	shalt  }
0x7a: {  	_ =	shalt  }
0x7b: {  	_ =	shalt  }
0x7c: {  	_ =	shalt  }
0x7d: {  	_ =	shalt  }
0x7e: {  	_ =	shalt  }
0x7f: {  	_ =	shalt  }
0x80: {  	_ =	shalt  }
0x81: {  	_ =	shalt  }
0x82: {  	_ =	shalt  }
0x83: {  	_ =	shalt  }
0x84: {  	_ =	shalt  }
0x85: {  	_ =	shalt  }
0x86: {  	_ =	shalt  }
0x87: {  	_ =	shalt  }
.Lfunc_end0:
.L_simem_size_0:
called_computation_lowered:
.L_overlay_start_0:
0x88: {  	s2 =	sld [smem:$0x3FD9]  }
0x89: {  	s3 =	sld [smem:$0x3FFE];
	_ =	sdelay $0x1  }
0x8a: {  	s1 =	srdreg.scid  }
0x8b: {  	s0 =	sand.u32 $0x1, s1  }
0x8c: {  	s17 =	sshll.u32 s0, $0xA;
	s2 =	sadd.s32 s3, s2  }
0x8d: {  	s2 =	sadd.s32 s2, s17  }
0x8e: {  	[smem:$0x3FC0] =	sst s2  }
0x8f: {  	_ = 	snop  }
0x90: {  	s2 =	sld [smem:$0x3FC9]  }
0x91: {  	s18 =	sld [smem:$0x3FC7]  }
0x92: {  	s4 =	sld [smem:$0x3FC6]  }
0x93: {  	s5 =	sld [smem:$0x3FD0];
	(tm) =	ssettm $0x1  }
0x94: {  	s6 =	sld [smem:$0x3FFB];
	_ =	sdelay $0x3  }
0x95: {  	_ =	strace s6  }
0x96: {  	s6 =	sld [smem:$0x3FFC];
	_ =	sdelay $0x3  }
0x97: {  	_ =	strace s6  }
0x98: {  	s6 =	sld [smem:$0x3FFD];
	_ =	sdelay $0x3  }
0x99: {  	_ =	strace s6  }
0x9a: {  	_ =	strace $0x8FFFFFFF  }
0x9b: {  	s19 =	sld [smem:$0x3FDB];
	_ =	sdelay $0x1  }
0x9c: {  	s7 =	simm.s32 $_scs_section_size  }
0x9d: {  	s8 =	simm.s32 $_size__tile_overlayer_lowered;
	s9 =	simm.s32 $_tile_overlayer_lowered  }
0x9e: {  	s22 =	simm.s32 $0x1BFF;
	s21 =	sshll.u32 s9, $0x1;
	s6 =	sadd.s32 s7, s19  }
0x9f: {  	s10 =	simm.s32 $0x0;
	s20 =	sshll.u32 s8, $0x1;
	s8 =	sadd.s32 s21, s6  }
0xa0: {  	[timem:s10], [sflag:s22] =	dma.local [hbm:s8], s20  }
0xa1: {  	_ =	swait.ge [sflag:s22], s20  }
0xa2: {  	s7 =	ssub.s32 $0x0, s20;
	[sflag:s22] =	ssyncset.done $0x0  }
0xa3: {  	[sflag:s22] =	ssyncadd.s32 s7;
	_ =	sdelay $0x1  }
0xa4: {  	s23 =	simm.s32 $0x1B8B  }
0xa5: {  	_ =	swait.ge [sflag:s23], $0x1  }
0xa6: {  	[sflag:s23] =	ssyncset.done $0x0  }
0xa7: {  	s25 =	simm.s32 $0x1B8E;
	s24 =	sld [smem:$0x3FFE];
	[sflag:s23] =	ssyncadd.s32 $0xFFFFFFFF  }
0xa8: {  	s26 =	simm.s32 $execute0_lowered;
	[smem:$0x3FD2] =	sst s25  }
0xa9: {  	s8 =	sshll.u32 s26, $0x1;
	_ =	strace $0x80000046;
	[dreg:$0x1] =	wrdreg $0xFFFFFFFF  }
0xaa: {  	s28 =	simm.s32 $_size_execute0_lowered;
	s6 =	sadd.s32 s6, s8;
	[dreg:$0x0] =	wrdreg $0x0  }
0xab: {  	s8 =	sshll.u32 s28, $0x1;
	[dreg:$0x2] =	wrdreg s6  }
0xac: {  	[dreg:$0x3] =	wrdreg s8  }
0xad: {  	[dreg:$0x4] =	wrdreg $0xC0  }
0xae: {  	_ =	task [dreg:s10], $0x5FFFF  }
0xaf: {  	[dreg:$0x1] =	wrdreg $0xFFFFFFFF  }
0xb0: {  	[dreg:$0x0] =	wrdreg $0x60  }
0xb1: {  	[dreg:$0x2] =	wrdreg s2  }
0xb2: {  	[dreg:$0x3] =	wrdreg s18  }
0xb3: {  	[dreg:$0x4] =	wrdreg s4  }
0xb4: {  	[dreg:$0x5] =	wrdreg s24  }
0xb5: {  	[dreg:$0x6] =	wrdreg s5  }
0xb6: {  	[dreg:$0x7] =	wrdreg $0x9  }
0xb7: {  	_ =	task.clear_ibuf [dreg:s10], $0x8FFFF;
	_ =	strace $0x90000046  }
0xb8: {  	s29 =	simm.s32 $0x9;
	_ =	strace $0x80000048  }
0xb9: {  	_ =	swait.ge [sflag:s29], $0x1  }
0xba: {  	[sflag:s29] =	ssyncadd.s32 $0xFFFFFFFF  }
0xbb: {  	_ =	strace $0x90000048  }
0xbc: {  	_ =	sfence  }
0xbd: {  	s30 =	sld [smem:$0x0];
	_ =	sdelay $0x2  }
0xbe: {  	s31 =	sshll.u32 s1, $0xD;
	s1 =	sshrl.u32 s1, $0x2  }
0xbf: {  	s3 =	sand.u32 $0x4000, s31;
	s1 =	sadd.s32 s1, s30  }
0xc0: {  	s0 =	sor.u32 s3, s0;
	s1 =	sshll.u32 s1, $0x11  }
0xc1: {  	s0 =	sor.u32 s1, s0  }
0xc2: {  	s0 =	sadd.s32 $0x8F2B, s0  }
0xc3: {  	[sflag:s0] =	ssyncadd.remote.s32 $0x1  }
0xc4: {  	_ =	sfence.sel $0xFFFF  }
0xc5: {  	[dreg:$0x0] =	wrdreg $0xFFFFFFFF;
	(pc) =	sbr.abs _section_cstart, $3  }
0xc6: {  	[dreg:$0x1] =	wrdreg $0xFFFFFFFF  }
0xc7: {  	_ =	task.clear_ibuf [dreg:s10], $0x2FFFF;
	_ =	strace $0x9FFFFFFF  }
0xc8: {  	(tm) =	ssettm $0x7FFFFFFF  }
0xc9: {  	_ =	shalt  }
tec
execute0_lowered:
.L_overlay_start_1:
0x0: {  	(tag) =	ssettag $0x1  }
0x1: {  	s5 =	rddreg [dreg:$0x0]  }
0x2: {  	s6 =	rddreg [dreg:$0x1]  }
0x3: {  	s7 =	rddreg [dreg:$0x2]  }
0x4: {  	s0 =	rddreg [dreg:$0x3];
	s2 =	simm.s32 $0x0;
	s1 =	srdreg.scid  }
0x5: {  	s22 =	stileid.u32;
	[smem:$0x7FF] =	sst s2;
	s19 =	sadd.s32 $0x600, s0  }
0x6: {  	s21 =	sadd.s32 $0x800, s0;
	_ =	strace $0x80000047;
	[dreg:$0xf] =	wrdreg s19  }
0x7: {  	s4 =	sand.u32 $0x1, s1;
	s8 =	sshll.u32 s22, $0xB;
	[dreg:$0x10] =	wrdreg s21  }
0x8: {  	s20 =	sshll.u32 s4, $0x8;
	s23 =	ssub.s32 $0x2, s4;
	[dreg:$0xe] =	wrdreg s4  }
0x9: {  	s24 =	sshll.u32 s4, $0x7;
	s4 =	sshll.u32 s4, $0x11;
	[dreg:$0x11] =	wrdreg s8  }
0xa: {  	s0 =	sadd.s32 s20, s0;
	s3 =	sshrl.u32 s23, $0x1;
	s25 =	sor.u32 s8, s4  }
0xb: {  	s2 =	sor.u32 s24, s8;
	s0 =	sadd.s32 $0xA00, s0;
	s28 =	sshrl.u32 s25, $0x3  }
0xc: {  	s1 =	ssub.s32 s23, s3;
	[dreg:$0x12] =	wrdreg s0;
	s0 =	sadd.s32 s5, s28  }
0xd: {  	s2 =	sshrl.u32 s2, $0x3;
	s29 =	smax.u32 s1, $0x1;
	[dreg:$0x15] =	wrdreg s0  }
0xe: {  	s26 =	sadd.s32 s6, s2;
	[dreg:$0x16] =	wrdreg s29  }
0xf: {  	s2 =	sadd.s32 s7, s2;
	[dreg:$0x13] =	wrdreg s26  }
0x10: {  	s30 =	sadd.s32 $0x80, s26;
	[dreg:$0x14] =	wrdreg s2  }
0x11: {  	s16 =	simm.s32 $0x400;
	s31 =	sadd.s32 $0x80, s2;
	[dreg:$0x17] =	wrdreg s30  }
0x12: {  	s18 =	simm.s32 $0x1100;
	s2 =	simm.s32 $0x0;
	[dreg:$0x18] =	wrdreg s31  }
.LBB2_1:
0x13: {  	[dreg:$0x19] =	wrdreg s2  }
0x14: {  	s0 =	simm.s32 $0x0;
	s1 =	rddreg [dreg:$0xf];
	s15 =	simm.s32 $0x4  }
0x15: {  	[tilespmem:s16], [sflag:$0x4] =	stream.linear.gather [hbm4b:s1+s0], $0xD00, $0x38;
	[tilespmem:$0xFE00] =	vst v63  }
0x16: {  	_ =	swait.ge [sflag:s15], $0xD00  }
0x17: {  	[sflag:s15] =	ssyncset.done $0x0  }
0x18: {  	s17 =	rddreg [dreg:$0x10];
	[sflag:s15] =	ssyncadd.s32 $0xFFFFF300  }
0x19: {  	[tilespmem:s18], [sflag:$0x4] =	stream.linear.gather [hbm4b:s17+s0], $0xD00, $0x38;
	[tilespmem:$0xFE00] =	vst v63  }
0x1a: {  	_ =	swait.ge [sflag:s15], $0xD00  }
0x1b: {  	s3 =	simm.s32 $0x800;
	s4 =	simm.s32 $0x1000;
	[sflag:s15] =	ssyncset.done $0x0  }
0x1c: {  	s5 =	simm.s32 $0x5E00;
	s19 =	rddreg [dreg:$0x12];
	[sflag:s15] =	ssyncadd.s32 $0xFFFFF300  }
0x1d: {  	[tilespmem:s5], [sflag:$0x4] =	stream.strided.gather [hbm4b:s19+s3], $0x1000, s4, s3, $0x38;
	[tilespmem:$0xFE00] =	vst v63  }
0x1e: {  	_ =	swait.ge [sflag:s15], $0x1000  }
0x1f: {  	[sflag:s15] =	ssyncset.done $0x0  }
0x20: {  	s20 =	simm.s32 $0xCE00;
	[sflag:s15] =	ssyncadd.s32 $0xFFFFF000  }
0x21: {  	[tilespmem:s20], [sflag:$0x4] =	stream.strided.gather [hbm4b:s19+s3], $0x1000, s4, s3, $0x38;
	[tilespmem:$0xFE00] =	vst v63  }
0x22: {  	_ =	swait.ge [sflag:s15], $0x1000  }
0x23: {  	[sflag:s15] =	ssyncset.done $0x0  }
0x24: {  	s21 =	rddreg [dreg:$0x13];
	[sflag:s15] =	ssyncadd.s32 $0xFFFFF000  }
0x25: {  	[tilespmem:s0], [sflag:$0x1] =	stream.linear.gather [hbm4b:s21+s0], $0x80, $0x38;
	[tilespmem:$0xFE00] =	vst v63  }
0x26: {  	s23 =	simm.s32 $0x100;
	s22 =	rddreg [dreg:$0x17]  }
0x27: {  	[tilespmem:s23], [sflag:$0x1] =	stream.linear.gather [hbm4b:s22+s0], $0x80, $0x38;
	[tilespmem:$0xFE00] =	vst v63  }
0x28: {  	s25 =	simm.s32 $0x200;
	s24 =	rddreg [dreg:$0x14]  }
0x29: {  	[tilespmem:s25], [sflag:$0x1] =	stream.linear.gather [hbm4b:s24+s0], $0x80, $0x38;
	[tilespmem:$0xFE00] =	vst v63  }
0x2a: {  	s28 =	simm.s32 $0x300;
	s30 =	simm.s32 $0x8000;
	s26 =	rddreg [dreg:$0x18]  }
0x2b: {  	[tilespmem:s28], [sflag:$0x1] =	stream.linear.gather [hbm4b:s26+s0], $0x80, $0x38;
	[tilespmem:$0xFE00] =	vst v63  }
0x2c: {  	s31 =	simm.s32 $0x1E00;
	s29 =	rddreg [dreg:$0x15];
	s22 =	simm.s32 $0x0  }
0x2d: {  	[tilespmem:s31], [sflag:$0x2] =	stream.strided.gather [hbm4b:s29+s3], $0x2000, s30, s3, $0x38;
	[tilespmem:$0xFE00] =	vst v63  }
.LBB2_2:
0x2e: {  	p0 =	seq.s32 s22, $0x0  }
.Ltmp0:
0x2f: {  	_ = 	snop;
	(pc) =	sbr.rel @p0 .LBB2_5-.Ltmp0, $2  }
0x30: {  	_ =	sdelay $0x2  }
0x31: {  	s0 =	sand.u32 $0x1, s22;
	s9 =	sadd.s32 $0x1, s22  }
0x32: {  	p0 =	seq.s32 s22, $0x63  }
.Ltmp1:
0x33: {  	_ = 	snop;
	(pc) =	sbr.rel @p0 .LBB2_6-.Ltmp1, $1  }
0x34: {  	_ =	sdelay $0x3  }
0x35: {  	s1 =	simm.s32 $0x3  }
0x36: {  	_ =	swait.ge [sflag:s1], $0x7000  }
0x37: {  	[sflag:s1] =	ssyncset.done $0x0  }
0x38: {  	[sflag:s1] =	ssyncadd.s32 $0xFFFF9000  }
.LBB2_5:
0x39: {  	s1 =	sshll.u32 s9, $0x1;
	s2 =	rddreg [dreg:$0xe]  }
0x3a: {  	s1 =	sor.u32 s2, s1  }
0x3b: {  	s3 =	sshll.u32 s9, $0xD;
	s2 =	sshll.u32 s1, $0x7  }
0x3c: {  	s3 =	sand.u32 $0x1F8000, s3;
	s2 =	sand.u32 $0x380, s2  }
0x3d: {  	s8 =	rddreg [dreg:$0x11];
	s2 =	sor.u32 s2, s3  }
0x3e: {  	s24 =	sxor.u32 $0x1, s0;
	s5 =	rddreg [dreg:$0x1];
	s2 =	sor.u32 s8, s2  }
0x3f: {  	s7 =	simm.s32 $0x0;
	s26 =	rddreg [dreg:$0x2];
	s2 =	sshrl.u32 s2, $0x3  }
0x40: {  	s29 =	rddreg [dreg:$0x0];
	s4 =	sshll.u32 s24, $0x7;
	s5 =	sadd.s32 s5, s2  }
0x41: {  	[tilespmem:s4], [sflag:$0x1] =	stream.linear.gather [hbm4b:s5+s7], $0x80, $0x38;
	[tilespmem:$0xFE00] =	vst v63  }
0x42: {  	s28 =	smul.u32 $0x1C000, s24;
	s6 =	sor.u32 $0x100, s4;
	s5 =	sadd.s32 $0x80, s5  }
0x43: {  	[tilespmem:s6], [sflag:$0x1] =	stream.linear.gather [hbm4b:s5+s7], $0x80, $0x38;
	[tilespmem:$0xFE00] =	vst v63  }
0x44: {  	s25 =	sor.u32 $0x200, s4;
	s1 =	sshll.u32 s1, $0x11;
	s2 =	sadd.s32 s26, s2  }
0x45: {  	[tilespmem:s25], [sflag:$0x1] =	stream.linear.gather [hbm4b:s2+s7], $0x80, $0x38;
	[tilespmem:$0xFE00] =	vst v63  }
0x46: {  	s1 =	sor.u32 s8, s1;
	s4 =	sor.u32 $0x300, s4;
	s2 =	sadd.s32 $0x80, s2  }
0x47: {  	[tilespmem:s4], [sflag:$0x1] =	stream.linear.gather [hbm4b:s2+s7], $0x80, $0x38;
	[tilespmem:$0xFE00] =	vst v63  }
0x48: {  	s30 =	simm.s32 $0x800;
	s1 =	sshrl.u32 s1, $0x3;
	s2 =	sshrl.u32 s28, $0x2  }
0x49: {  	s31 =	simm.s32 $0x8000;
	s1 =	sadd.s32 s29, s1;
	s2 =	sadd.s32 $0x1E00, s2  }
0x4a: {  	[tilespmem:s2], [sflag:$0x2] =	stream.strided.gather [hbm4b:s1+s30], $0x2000, s31, s30, $0x38;
	[tilespmem:$0xFE00] =	vst v63  }
.LBB2_6:
0x4b: {  	[dreg:$0x1a] =	wrdreg s9;
	s1 =	simm.s32 $0x1  }
0x4c: {  	_ =	swait.ge [sflag:s1], $0x100  }
0x4d: {  	[sflag:s1] =	ssyncset.done $0x0  }
0x4e: {  	[sflag:s1] =	ssyncadd.s32 $0xFFFFFF00  }
0x4f: {  	s0 =	smul.u32 $0x1C000, s0;
	_ =	swait.ge [sflag:s1], $0x100  }
0x50: {  	s31 =	sshll.u32 s22, $0x7;
	s4 =	simm.s32 $0x2;
	[sflag:s1] =	ssyncset.done $0x0  }
0x51: {  	s15 =	sshrl.u32 s0, $0x2;
	[sflag:s1] =	ssyncadd.s32 $0xFFFFFF00;
	s1 =	sand.u32 $0x80, s31  }
0x52: {  	s0 =	sadd.s32 $0x3E00, s15;
	_ =	swait.ge [sflag:s4], $0x2000;
	[dreg:$0x6] =	wrdreg s1  }
0x53: {  	s2 =	sadd.s32 $0x4600, s15;
	[dreg:$0x7] =	wrdreg s0  }
0x54: {  	s3 =	sadd.s32 $0x7600, s15;
	[dreg:$0x9] =	wrdreg s2  }
0x55: {  	s5 =	sadd.s32 $0x4E00, s15;
	[dreg:$0xa] =	wrdreg s3  }
0x56: {  	s6 =	sadd.s32 $0x7E00, s15;
	[dreg:$0xb] =	wrdreg s5  }
0x57: {  	s1 =	sadd.s32 $0x6E00, s15;
	[dreg:$0xc] =	wrdreg s6  }
0x58: {  	s7 =	simm.s32 $0x0;
	s8 =	simm.s32 $0x0;
	[dreg:$0x8] =	wrdreg s1  }
0x59: {  	s3 =	sadd.s32 $0x5600, s15;
	s2 =	rddreg [dreg:$0x6];
	s1 =	sand.u32 $0x60, s7  }
0x5a: {  	[sflag:s4] =	ssyncset.done $0x0;
	s0 =	sor.u32 s2, s8;
	s2 =	sor.u32 $0x10, s1  }
0x5b: {  	[dreg:$0xd] =	wrdreg s3;
	[sflag:s4] =	ssyncadd.s32 $0xFFFFE000;
	s9 =	sor.u32 s2, s0  }
0x5c: {  	v0 =	vld [tilespmem:s9+$0x0];
	_ =	sdelay $0x3  }
0x5d: {  	s0 =	sor.u32 s1, s0  }
0x5e: {  	v1 =	vld [tilespmem:s0+$0x0];
	v10 =	vmul.u32 $0x21, v0  }
0x5f: {  	v0 =	vld [tilespmem:s9+$0x200];
	_ =	sdelay $0x4  }
0x60: {  	v6 =	vmul.u32 $0x21, v1;
	v5 =	vmul.u32 $0x21, v0;
	v1 =	vld.idx.msk [tilespmem:v10+s16+$0x0], $0xffff;
	_ =	sdelay $0x1  }
0x61: {  	s10 =	rddreg [dreg:$0x7];
	v2 =	vld [tilespmem:s0+$0x200]  }
0x62: {  	s11 =	sadd.s32 $0x0, s10  }
0x63: {  	s0 =	sadd.s32 s2, s11  }
0x64: {  	[tilespmem:s0+$0x0] =	vst v1  }
0x65: {  	v1 =	vld.idx.msk [tilespmem:v5+s18+$0x0], $0xffff  }
0x66: {  	v7 =	vmul.u32 $0x21, v2;
	v2 =	vadd.s32 $0x1, v10;
	v0 =	vld.idx.msk [tilespmem:v6+s16+$0x0], $0xffff  }
0x67: {  	s5 =	rddreg [dreg:$0x8]  }
0x68: {  	s13 =	sadd.s32 $0x0, s5  }
0x69: {  	s5 =	sadd.s32 s2, s13  }
0x6a: {  	s12 =	sadd.s32 s1, s11;
	[tilespmem:s5+$0x0] =	vst v1  }
0x6b: {  	[tilespmem:s12+$0x0] =	vst v0;
	v2 =	vld.idx.msk [tilespmem:v2+s16+$0x0], $0xffff  }
0x6c: {  	v3 =	vadd.s32 $0x1, v5;
	v0 =	vld.idx.msk [tilespmem:v7+s18+$0x0], $0xffff  }
0x6d: {  	v1 =	vadd.s32 $0x1, v6;
	_ =	sdelay $0x2  }
0x6e: {  	s3 =	sadd.s32 s1, s13;
	[tilespmem:s0+$0x80] =	vst v2  }
0x6f: {  	[tilespmem:s3+$0x0] =	vst v0;
	v2 =	vld.idx.msk [tilespmem:v3+s18+$0x0], $0xffff  }
0x70: {  	v0 =	vld.idx.msk [tilespmem:v1+s16+$0x0], $0xffff;
	v3 =	vadd.s32 $0x2, v10  }
0x71: {  	v1 =	vadd.s32 $0x1, v7;
	_ =	sdelay $0x2  }
0x72: {  	[tilespmem:s5+$0x80] =	vst v2  }
0x73: {  	[tilespmem:s12+$0x80] =	vst v0;
	v2 =	vld.idx.msk [tilespmem:v3+s16+$0x0], $0xffff  }
0x74: {  	v0 =	vld.idx.msk [tilespmem:v1+s18+$0x0], $0xffff;
	v3 =	vadd.s32 $0x2, v5  }
0x75: {  	v1 =	vadd.s32 $0x2, v6;
	_ =	sdelay $0x2  }
0x76: {  	[tilespmem:s0+$0x100] =	vst v2  }
0x77: {  	[tilespmem:s3+$0x80] =	vst v0;
	v2 =	vld.idx.msk [tilespmem:v3+s18+$0x0], $0xffff  }
0x78: {  	v0 =	vld.idx.msk [tilespmem:v1+s16+$0x0], $0xffff;
	v3 =	vadd.s32 $0x3, v10  }
0x79: {  	v1 =	vadd.s32 $0x2, v7;
	_ =	sdelay $0x2  }
0x7a: {  	[tilespmem:s5+$0x100] =	vst v2  }
0x7b: {  	[tilespmem:s12+$0x100] =	vst v0;
	v2 =	vld.idx.msk [tilespmem:v3+s16+$0x0], $0xffff  }
0x7c: {  	v0 =	vld.idx.msk [tilespmem:v1+s18+$0x0], $0xffff;
	v3 =	vadd.s32 $0x3, v5  }
0x7d: {  	v1 =	vadd.s32 $0x3, v6;
	_ =	sdelay $0x2  }
0x7e: {  	[tilespmem:s0+$0x180] =	vst v2  }
0x7f: {  	[tilespmem:s3+$0x100] =	vst v0;
	v2 =	vld.idx.msk [tilespmem:v3+s18+$0x0], $0xffff  }
0x80: {  	v0 =	vld.idx.msk [tilespmem:v1+s16+$0x0], $0xffff;
	v3 =	vadd.s32 $0x4, v10  }
0x81: {  	v1 =	vadd.s32 $0x3, v7;
	_ =	sdelay $0x2  }
0x82: {  	[tilespmem:s5+$0x180] =	vst v2  }
0x83: {  	[tilespmem:s12+$0x180] =	vst v0;
	v2 =	vld.idx.msk [tilespmem:v3+s16+$0x0], $0xffff  }
0x84: {  	v0 =	vld.idx.msk [tilespmem:v1+s18+$0x0], $0xffff;
	v3 =	vadd.s32 $0x4, v5  }
0x85: {  	v1 =	vadd.s32 $0x4, v6;
	_ =	sdelay $0x2  }
0x86: {  	[tilespmem:s0+$0x200] =	vst v2  }
0x87: {  	[tilespmem:s3+$0x180] =	vst v0;
	v2 =	vld.idx.msk [tilespmem:v3+s18+$0x0], $0xffff  }
0x88: {  	v0 =	vld.idx.msk [tilespmem:v1+s16+$0x0], $0xffff;
	v3 =	vadd.s32 $0x5, v10  }
0x89: {  	v1 =	vadd.s32 $0x4, v7;
	_ =	sdelay $0x2  }
0x8a: {  	[tilespmem:s5+$0x200] =	vst v2  }
0x8b: {  	[tilespmem:s12+$0x200] =	vst v0;
	v2 =	vld.idx.msk [tilespmem:v3+s16+$0x0], $0xffff  }
0x8c: {  	v0 =	vld.idx.msk [tilespmem:v1+s18+$0x0], $0xffff;
	v3 =	vadd.s32 $0x5, v5  }
0x8d: {  	v1 =	vadd.s32 $0x5, v6;
	_ =	sdelay $0x2  }
0x8e: {  	[tilespmem:s0+$0x280] =	vst v2  }
0x8f: {  	[tilespmem:s3+$0x200] =	vst v0;
	v2 =	vld.idx.msk [tilespmem:v3+s18+$0x0], $0xffff  }
0x90: {  	v0 =	vld.idx.msk [tilespmem:v1+s16+$0x0], $0xffff;
	v3 =	vadd.s32 $0x6, v10  }
0x91: {  	v1 =	vadd.s32 $0x5, v7;
	_ =	sdelay $0x2  }
0x92: {  	[tilespmem:s5+$0x280] =	vst v2  }
0x93: {  	[tilespmem:s12+$0x280] =	vst v0;
	v2 =	vld.idx.msk [tilespmem:v3+s16+$0x0], $0xffff  }
0x94: {  	v0 =	vld.idx.msk [tilespmem:v1+s18+$0x0], $0xffff;
	v3 =	vadd.s32 $0x6, v5  }
0x95: {  	v1 =	vadd.s32 $0x6, v6;
	_ =	sdelay $0x2  }
0x96: {  	[tilespmem:s0+$0x300] =	vst v2  }
0x97: {  	[tilespmem:s3+$0x280] =	vst v0;
	v2 =	vld.idx.msk [tilespmem:v3+s18+$0x0], $0xffff  }
0x98: {  	v0 =	vld.idx.msk [tilespmem:v1+s16+$0x0], $0xffff;
	v3 =	vadd.s32 $0x7, v10  }
0x99: {  	v1 =	vadd.s32 $0x6, v7;
	_ =	sdelay $0x2  }
0x9a: {  	[tilespmem:s5+$0x300] =	vst v2  }
0x9b: {  	[tilespmem:s12+$0x300] =	vst v0;
	v2 =	vld.idx.msk [tilespmem:v3+s16+$0x0], $0xffff  }
0x9c: {  	v0 =	vld.idx.msk [tilespmem:v1+s18+$0x0], $0xffff;
	v3 =	vadd.s32 $0x7, v5  }
0x9d: {  	v1 =	vadd.s32 $0x7, v6;
	_ =	sdelay $0x2  }
0x9e: {  	[tilespmem:s0+$0x380] =	vst v2  }
0x9f: {  	[tilespmem:s3+$0x300] =	vst v0;
	v2 =	vld.idx.msk [tilespmem:v3+s18+$0x0], $0xffff  }
0xa0: {  	v0 =	vld.idx.msk [tilespmem:v1+s16+$0x0], $0xffff;
	v3 =	vadd.s32 $0x8, v10  }
0xa1: {  	v1 =	vadd.s32 $0x7, v7;
	_ =	sdelay $0x2  }
0xa2: {  	[tilespmem:s5+$0x380] =	vst v2  }
0xa3: {  	[tilespmem:s12+$0x380] =	vst v0;
	v2 =	vld.idx.msk [tilespmem:v3+s16+$0x0], $0xffff  }
0xa4: {  	v0 =	vld.idx.msk [tilespmem:v1+s18+$0x0], $0xffff;
	v3 =	vadd.s32 $0x8, v5  }
0xa5: {  	v1 =	vadd.s32 $0x8, v6;
	s0 =	rddreg [dreg:$0x9]  }
0xa6: {  	s21 =	sadd.s32 $0x0, s0  }
0xa7: {  	s0 =	sadd.s32 s2, s21  }
0xa8: {  	s17 =	simm.s32 $0x20;
	[tilespmem:s0+$0x0] =	vst v2  }
0xa9: {  	s19 =	simm.s32 $0x0;
	s14 =	rddreg [dreg:$0x6];
	s13 =	sand.u32 $0x60, s17;
	[tilespmem:s3+$0x380] =	vst v0;
	v2 =	vld.idx.msk [tilespmem:v3+s18+$0x0], $0xffff  }
0xaa: {  	s20 =	sor.u32 s14, s19;
	s12 =	sor.u32 $0x10, s13;
	v0 =	vld.idx.msk [tilespmem:v1+s16+$0x0], $0xffff;
	v3 =	vadd.s32 $0x9, v10  }
0xab: {  	s5 =	sor.u32 s12, s20;
	v1 =	vadd.s32 $0x8, v7;
	s6 =	rddreg [dreg:$0xa]  }
0xac: {  	v4 =	vld [tilespmem:s5+$0x0];
	s24 =	sadd.s32 $0x0, s6  }
0xad: {  	s3 =	sor.u32 s13, s20;
	s8 =	sadd.s32 s2, s24  }
0xae: {  	s23 =	sadd.s32 s1, s21;
	v8 =	vld [tilespmem:s3+$0x0];
	[tilespmem:s8+$0x0] =	vst v2  }
0xaf: {  	[tilespmem:s23+$0x0] =	vst v0;
	v2 =	vld.idx.msk [tilespmem:v3+s16+$0x0], $0xffff  }
0xb0: {  	v0 =	vld.idx.msk [tilespmem:v1+s18+$0x0], $0xffff;
	v3 =	vadd.s32 $0x9, v5  }
0xb1: {  	v9 =	vadd.s32 $0x9, v6;
	v38 =	vmul.u32 $0x21, v4  }
0xb2: {  	v11 =	vld [tilespmem:s5+$0x200];
	_ =	sdelay $0x1  }
0xb3: {  	v4 =	vld [tilespmem:s3+$0x200];
	s7 =	sadd.s32 s1, s24;
	v8 =	vmul.u32 $0x21, v8;
	[tilespmem:s0+$0x80] =	vst v2  }
0xb4: {  	[tilespmem:s7+$0x0] =	vst v0;
	v2 =	vld.idx.msk [tilespmem:v3+s18+$0x0], $0xffff  }
0xb5: {  	v12 =	vld.idx.msk [tilespmem:v9+s16+$0x0], $0xffff;
	v3 =	vadd.s32 $0xA, v10  }
0xb6: {  	v13 =	vadd.s32 $0x9, v7;
	v14 =	vld.idx.msk [tilespmem:v38+s16+$0x0], $0xffff;
	v0 =	vmul.u32 $0x21, v11;
	_ =	sdelay $0x1  }
0xb7: {  	s25 =	rddreg [dreg:$0x7]  }
0xb8: {  	s26 =	sadd.s32 $0x0, s25;
	v9 =	vmul.u32 $0x21, v4;
	v4 =	vld.idx.msk [tilespmem:v8+s16+$0x0], $0xffff;
	[tilespmem:s8+$0x80] =	vst v2  }
0xb9: {  	s3 =	sadd.s32 s12, s26;
	[tilespmem:s23+$0x80] =	vst v12;
	v2 =	vld.idx.msk [tilespmem:v3+s16+$0x0], $0xffff  }
0xba: {  	[tilespmem:s3+$0x0] =	vst v14;
	v14 =	vadd.s32 $0xA, v5;
	v11 =	vld.idx.msk [tilespmem:v13+s18+$0x0], $0xffff  }
0xbb: {  	v12 =	vadd.s32 $0xA, v6;
	v13 =	vld.idx.msk [tilespmem:v0+s18+$0x0], $0xffff  }
0xbc: {  	s31 =	sadd.s32 s13, s26;
	v3 =	vadd.s32 $0x1, v38  }
0xbd: {  	s29 =	rddreg [dreg:$0x8];
	[tilespmem:s31+$0x0] =	vst v4  }
0xbe: {  	s10 =	sadd.s32 $0x0, s29;
	v4 =	vld.idx.msk [tilespmem:v9+s18+$0x0], $0xffff;
	[tilespmem:s0+$0x100] =	vst v2  }
0xbf: {  	s6 =	sadd.s32 s12, s10;
	[tilespmem:s7+$0x80] =	vst v11;
	v11 =	vadd.s32 $0x1, v8;
	v2 =	vld.idx.msk [tilespmem:v14+s18+$0x0], $0xffff  }
0xc0: {  	v15 =	vadd.s32 $0xB, v10;
	[tilespmem:s6+$0x0] =	vst v13;
	v12 =	vld.idx.msk [tilespmem:v12+s16+$0x0], $0xffff  }
0xc1: {  	v13 =	vadd.s32 $0xA, v7;
	v3 =	vld.idx.msk [tilespmem:v3+s16+$0x0], $0xffff  }
0xc2: {  	s4 =	sadd.s32 s13, s10;
	v14 =	vadd.s32 $0x1, v0  }
0xc3: {  	[tilespmem:s4+$0x0] =	vst v4  }
0xc4: {  	v4 =	vld.idx.msk [tilespmem:v11+s16+$0x0], $0xffff;
	[tilespmem:s8+$0x100] =	vst v2  }
0xc5: {  	v11 =	vadd.s32 $0x1, v9;
	[tilespmem:s23+$0x100] =	vst v12;
	v2 =	vld.idx.msk [tilespmem:v15+s16+$0x0], $0xffff  }
0xc6: {  	[tilespmem:s3+$0x80] =	vst v3;
	v3 =	vld.idx.msk [tilespmem:v13+s18+$0x0], $0xffff;
	v15 =	vadd.s32 $0xB, v5  }
0xc7: {  	v12 =	vadd.s32 $0xB, v6;
	v13 =	vld.idx.msk [tilespmem:v14+s18+$0x0], $0xffff  }
0xc8: {  	v14 =	vadd.s32 $0x2, v38  }
0xc9: {  	[tilespmem:s31+$0x80] =	vst v4  }
0xca: {  	v4 =	vld.idx.msk [tilespmem:v11+s18+$0x0], $0xffff;
	[tilespmem:s0+$0x180] =	vst v2  }
0xcb: {  	[tilespmem:s7+$0x100] =	vst v3;
	v3 =	vadd.s32 $0x2, v8;
	v2 =	vld.idx.msk [tilespmem:v15+s18+$0x0], $0xffff  }
0xcc: {  	[tilespmem:s6+$0x80] =	vst v13;
	v11 =	vld.idx.msk [tilespmem:v12+s16+$0x0], $0xffff;
	v15 =	vadd.s32 $0xC, v10  }
0xcd: {  	v12 =	vadd.s32 $0xB, v7;
	v13 =	vld.idx.msk [tilespmem:v14+s16+$0x0], $0xffff  }
0xce: {  	v14 =	vadd.s32 $0x2, v0  }
0xcf: {  	[tilespmem:s4+$0x80] =	vst v4  }
0xd0: {  	v3 =	vld.idx.msk [tilespmem:v3+s16+$0x0], $0xffff;
	[tilespmem:s8+$0x180] =	vst v2  }
0xd1: {  	v4 =	vadd.s32 $0x2, v9;
	[tilespmem:s23+$0x180] =	vst v11;
	v2 =	vld.idx.msk [tilespmem:v15+s16+$0x0], $0xffff  }
0xd2: {  	[tilespmem:s3+$0x100] =	vst v13;
	v11 =	vld.idx.msk [tilespmem:v12+s18+$0x0], $0xffff;
	v15 =	vadd.s32 $0xC, v5  }
0xd3: {  	v12 =	vadd.s32 $0xC, v6;
	v13 =	vld.idx.msk [tilespmem:v14+s18+$0x0], $0xffff  }
0xd4: {  	v14 =	vadd.s32 $0x3, v38  }
0xd5: {  	[tilespmem:s31+$0x100] =	vst v3  }
0xd6: {  	v3 =	vld.idx.msk [tilespmem:v4+s18+$0x0], $0xffff;
	[tilespmem:s0+$0x200] =	vst v2  }
0xd7: {  	v4 =	vadd.s32 $0x3, v8;
	[tilespmem:s7+$0x180] =	vst v11;
	v2 =	vld.idx.msk [tilespmem:v15+s18+$0x0], $0xffff  }
0xd8: {  	[tilespmem:s6+$0x100] =	vst v13;
	v11 =	vld.idx.msk [tilespmem:v12+s16+$0x0], $0xffff;
	v15 =	vadd.s32 $0xD, v10  }
0xd9: {  	v12 =	vadd.s32 $0xC, v7;
	v13 =	vld.idx.msk [tilespmem:v14+s16+$0x0], $0xffff  }
0xda: {  	v14 =	vadd.s32 $0x3, v0  }
0xdb: {  	[tilespmem:s4+$0x100] =	vst v3  }
0xdc: {  	v3 =	vld.idx.msk [tilespmem:v4+s16+$0x0], $0xffff;
	[tilespmem:s8+$0x200] =	vst v2  }
0xdd: {  	v4 =	vadd.s32 $0x3, v9;
	[tilespmem:s23+$0x200] =	vst v11;
	v2 =	vld.idx.msk [tilespmem:v15+s16+$0x0], $0xffff  }
0xde: {  	[tilespmem:s3+$0x180] =	vst v13;
	v11 =	vld.idx.msk [tilespmem:v12+s18+$0x0], $0xffff;
	v15 =	vadd.s32 $0xD, v5  }
0xdf: {  	v12 =	vadd.s32 $0xD, v6;
	v13 =	vld.idx.msk [tilespmem:v14+s18+$0x0], $0xffff  }
0xe0: {  	v14 =	vadd.s32 $0x4, v38  }
0xe1: {  	[tilespmem:s31+$0x180] =	vst v3  }
0xe2: {  	v3 =	vld.idx.msk [tilespmem:v4+s18+$0x0], $0xffff;
	[tilespmem:s0+$0x280] =	vst v2  }
0xe3: {  	v4 =	vadd.s32 $0x4, v8;
	[tilespmem:s7+$0x200] =	vst v11;
	v2 =	vld.idx.msk [tilespmem:v15+s18+$0x0], $0xffff  }
0xe4: {  	[tilespmem:s6+$0x180] =	vst v13;
	v11 =	vld.idx.msk [tilespmem:v12+s16+$0x0], $0xffff;
	v15 =	vadd.s32 $0xE, v10  }
0xe5: {  	v12 =	vadd.s32 $0xD, v7;
	v13 =	vld.idx.msk [tilespmem:v14+s16+$0x0], $0xffff  }
0xe6: {  	v14 =	vadd.s32 $0x4, v0  }
0xe7: {  	[tilespmem:s4+$0x180] =	vst v3  }
0xe8: {  	v3 =	vld.idx.msk [tilespmem:v4+s16+$0x0], $0xffff;
	[tilespmem:s8+$0x280] =	vst v2  }
0xe9: {  	v4 =	vadd.s32 $0x4, v9;
	[tilespmem:s23+$0x280] =	vst v11;
	v2 =	vld.idx.msk [tilespmem:v15+s16+$0x0], $0xffff  }
0xea: {  	[tilespmem:s3+$0x200] =	vst v13;
	v11 =	vld.idx.msk [tilespmem:v12+s18+$0x0], $0xffff;
	v15 =	vadd.s32 $0xE, v5  }
0xeb: {  	v12 =	vadd.s32 $0xE, v6;
	v13 =	vld.idx.msk [tilespmem:v14+s18+$0x0], $0xffff  }
0xec: {  	v14 =	vadd.s32 $0x5, v38  }
0xed: {  	[tilespmem:s31+$0x200] =	vst v3  }
0xee: {  	v3 =	vld.idx.msk [tilespmem:v4+s18+$0x0], $0xffff;
	[tilespmem:s0+$0x300] =	vst v2  }
0xef: {  	v4 =	vadd.s32 $0x5, v8;
	[tilespmem:s7+$0x280] =	vst v11;
	v2 =	vld.idx.msk [tilespmem:v15+s18+$0x0], $0xffff  }
0xf0: {  	[tilespmem:s6+$0x200] =	vst v13;
	v11 =	vld.idx.msk [tilespmem:v12+s16+$0x0], $0xffff;
	v15 =	vadd.s32 $0xF, v10  }
0xf1: {  	v12 =	vadd.s32 $0xE, v7;
	v13 =	vld.idx.msk [tilespmem:v14+s16+$0x0], $0xffff  }
0xf2: {  	v14 =	vadd.s32 $0x5, v0  }
0xf3: {  	[tilespmem:s4+$0x200] =	vst v3  }
0xf4: {  	v3 =	vld.idx.msk [tilespmem:v4+s16+$0x0], $0xffff;
	[tilespmem:s8+$0x300] =	vst v2  }
0xf5: {  	v4 =	vadd.s32 $0x5, v9;
	[tilespmem:s23+$0x300] =	vst v11;
	v2 =	vld.idx.msk [tilespmem:v15+s16+$0x0], $0xffff  }
0xf6: {  	[tilespmem:s3+$0x280] =	vst v13;
	v11 =	vld.idx.msk [tilespmem:v12+s18+$0x0], $0xffff;
	v15 =	vadd.s32 $0xF, v5  }
0xf7: {  	v12 =	vadd.s32 $0xF, v6;
	v13 =	vld.idx.msk [tilespmem:v14+s18+$0x0], $0xffff  }
0xf8: {  	v14 =	vadd.s32 $0x6, v38  }
0xf9: {  	[tilespmem:s31+$0x280] =	vst v3  }
0xfa: {  	v3 =	vld.idx.msk [tilespmem:v4+s18+$0x0], $0xffff;
	[tilespmem:s0+$0x380] =	vst v2  }
0xfb: {  	v4 =	vadd.s32 $0x6, v8;
	[tilespmem:s7+$0x300] =	vst v11;
	v2 =	vld.idx.msk [tilespmem:v15+s18+$0x0], $0xffff  }
0xfc: {  	[tilespmem:s6+$0x280] =	vst v13;
	v11 =	vld.idx.msk [tilespmem:v12+s16+$0x0], $0xffff;
	v15 =	vadd.s32 $0x10, v10  }
0xfd: {  	v12 =	vadd.s32 $0xF, v7;
	v13 =	vld.idx.msk [tilespmem:v14+s16+$0x0], $0xffff  }
0xfe: {  	v14 =	vadd.s32 $0x6, v0  }
0xff: {  	[tilespmem:s4+$0x280] =	vst v3  }
0x100: {  	v3 =	vld.idx.msk [tilespmem:v4+s16+$0x0], $0xffff;
	[tilespmem:s8+$0x380] =	vst v2  }
0x101: {  	[tilespmem:s23+$0x380] =	vst v11;
	v2 =	vld.idx.msk [tilespmem:v15+s16+$0x0], $0xffff  }
0x102: {  	[tilespmem:s3+$0x300] =	vst v13;
	v11 =	vld.idx.msk [tilespmem:v12+s18+$0x0], $0xffff;
	v15 =	vadd.s32 $0x10, v5  }
0x103: {  	v4 =	vadd.s32 $0x6, v9;
	v13 =	vld.idx.msk [tilespmem:v14+s18+$0x0], $0xffff;
	s0 =	rddreg [dreg:$0xb]  }
0x104: {  	s0 =	sadd.s32 $0x0, s0  }
0x105: {  	[tilespmem:s31+$0x300] =	vst v3;
	s17 =	sadd.s32 s2, s0  }
0x106: {  	[tilespmem:s17+$0x0] =	vst v2  }
0x107: {  	[tilespmem:s7+$0x380] =	vst v11;
	v2 =	vld.idx.msk [tilespmem:v15+s18+$0x0], $0xffff  }
0x108: {  	v3 =	vld.idx.msk [tilespmem:v4+s18+$0x0], $0xffff;
	[tilespmem:s6+$0x300] =	vst v13;
	v13 =	vadd.s32 $0x11, v10  }
0x109: {  	v4 =	vadd.s32 $0x7, v8;
	s7 =	rddreg [dreg:$0xc]  }
0x10a: {  	v12 =	vadd.s32 $0x10, v6;
	s7 =	sadd.s32 $0x0, s7  }
0x10b: {  	s14 =	sadd.s32 s2, s7  }
0x10c: {  	[tilespmem:s14+$0x0] =	vst v2  }
0x10d: {  	[tilespmem:s4+$0x300] =	vst v3;
	v2 =	vld.idx.msk [tilespmem:v13+s16+$0x0], $0xffff  }
0x10e: {  	v3 =	vld.idx.msk [tilespmem:v4+s16+$0x0], $0xffff;
	v4 =	vadd.s32 $0x11, v5  }
0x10f: {  	v11 =	vld.idx.msk [tilespmem:v12+s16+$0x0], $0xffff  }
0x110: {  	v14 =	vadd.s32 $0x7, v38;
	_ =	sdelay $0x1  }
0x111: {  	[tilespmem:s17+$0x80] =	vst v2  }
0x112: {  	s0 =	sadd.s32 s1, s0;
	v2 =	vadd.s32 $0x10, v7;
	v4 =	vld.idx.msk [tilespmem:v4+s18+$0x0], $0xffff  }
0x113: {  	[tilespmem:s0+$0x0] =	vst v11;
	v11 =	vadd.s32 $0x12, v10  }
0x114: {  	v12 =	vld.idx.msk [tilespmem:v14+s16+$0x0], $0xffff;
	_ =	sdelay $0x2  }
0x115: {  	v2 =	vld.idx.msk [tilespmem:v2+s18+$0x0], $0xffff;
	[tilespmem:s14+$0x80] =	vst v4  }
0x116: {  	v4 =	vadd.s32 $0x11, v6;
	v11 =	vld.idx.msk [tilespmem:v11+s16+$0x0], $0xffff  }
0x117: {  	[tilespmem:s3+$0x380] =	vst v12;
	v12 =	vadd.s32 $0x12, v5;
	_ =	sdelay $0x1  }
0x118: {  	s3 =	sadd.s32 s1, s7  }
0x119: {  	[tilespmem:s3+$0x0] =	vst v2  }
0x11a: {  	v2 =	vld.idx.msk [tilespmem:v4+s16+$0x0], $0xffff;
	[tilespmem:s17+$0x100] =	vst v11  }
0x11b: {  	v4 =	vadd.s32 $0x11, v7;
	v11 =	vld.idx.msk [tilespmem:v12+s18+$0x0], $0xffff  }
0x11c: {  	v12 =	vadd.s32 $0x13, v10;
	_ =	sdelay $0x2  }
0x11d: {  	v13 =	vadd.s32 $0x7, v0;
	[tilespmem:s0+$0x80] =	vst v2  }
0x11e: {  	v2 =	vld.idx.msk [tilespmem:v4+s18+$0x0], $0xffff;
	[tilespmem:s14+$0x100] =	vst v11  }
0x11f: {  	v4 =	vadd.s32 $0x12, v6;
	v11 =	vld.idx.msk [tilespmem:v12+s16+$0x0], $0xffff  }
0x120: {  	v12 =	vadd.s32 $0x13, v5  }
0x121: {  	v14 =	vadd.s32 $0x7, v9  }
0x122: {  	v13 =	vld.idx.msk [tilespmem:v13+s18+$0x0], $0xffff  }
0x123: {  	[tilespmem:s3+$0x80] =	vst v2  }
0x124: {  	v2 =	vadd.s32 $0x8, v38;
	v4 =	vld.idx.msk [tilespmem:v4+s16+$0x0], $0xffff;
	[tilespmem:s17+$0x180] =	vst v11  }
0x125: {  	[tilespmem:s31+$0x380] =	vst v3;
	v11 =	vadd.s32 $0x12, v7;
	v12 =	vld.idx.msk [tilespmem:v12+s18+$0x0], $0xffff  }
0x126: {  	v3 =	vadd.s32 $0x14, v10;
	v14 =	vld.idx.msk [tilespmem:v14+s18+$0x0], $0xffff  }
0x127: {  	[tilespmem:s6+$0x380] =	vst v13;
	v13 =	vadd.s32 $0x8, v8;
	_ =	sdelay $0x1  }
0x128: {  	v2 =	vld.idx.msk [tilespmem:v2+s16+$0x0], $0xffff;
	[tilespmem:s0+$0x100] =	vst v4  }
0x129: {  	s19 =	simm.s32 $0x40;
	s11 =	rddreg [dreg:$0x6];
	v4 =	vadd.s32 $0x8, v0;
	v11 =	vld.idx.msk [tilespmem:v11+s18+$0x0], $0xffff;
	[tilespmem:s14+$0x180] =	vst v12  }
0x12a: {  	s25 =	sand.u32 $0x60, s19;
	s20 =	simm.s32 $0x0;
	s5 =	rddreg [dreg:$0x9];
	[tilespmem:s4+$0x380] =	vst v14;
	v12 =	vadd.s32 $0x13, v6;
	v3 =	vld.idx.msk [tilespmem:v3+s16+$0x0], $0xffff  }
0x12b: {  	s28 =	sor.u32 $0x10, s25;
	s21 =	sor.u32 s11, s20;
	v14 =	vadd.s32 $0x14, v5;
	s5 =	sadd.s32 $0x0, s5;
	v13 =	vld.idx.msk [tilespmem:v13+s16+$0x0], $0xffff  }
0x12c: {  	v15 =	vadd.s32 $0x8, v9;
	s6 =	sor.u32 s28, s21;
	s23 =	sadd.s32 s12, s5  }
0x12d: {  	v16 =	vld [tilespmem:s6+$0x0];
	[tilespmem:s23+$0x0] =	vst v2  }
0x12e: {  	v2 =	vld.idx.msk [tilespmem:v4+s18+$0x0], $0xffff;
	[tilespmem:s3+$0x100] =	vst v11  }
0x12f: {  	s10 =	sadd.s32 s13, s5;
	v4 =	vadd.s32 $0x9, v38;
	v11 =	vld.idx.msk [tilespmem:v12+s16+$0x0], $0xffff;
	[tilespmem:s17+$0x200] =	vst v3  }
0x130: {  	s29 =	rddreg [dreg:$0xa];
	[tilespmem:s10+$0x0] =	vst v13;
	v3 =	vadd.s32 $0x13, v7;
	v12 =	vld.idx.msk [tilespmem:v14+s18+$0x0], $0xffff  }
0x131: {  	s31 =	sor.u32 s25, s21;
	v13 =	vadd.s32 $0x15, v10;
	s5 =	sadd.s32 $0x0, s29;
	v15 =	vld.idx.msk [tilespmem:v15+s18+$0x0], $0xffff  }
0x132: {  	s11 =	sadd.s32 s12, s5;
	v14 =	vld [tilespmem:s31+$0x0]  }
0x133: {  	v17 =	vadd.s32 $0x9, v8;
	v18 =	vld [tilespmem:s6+$0x200];
	v54 =	vmul.u32 $0x21, v16;
	[tilespmem:s11+$0x0] =	vst v2  }
0x134: {  	v4 =	vld.idx.msk [tilespmem:v4+s16+$0x0], $0xffff;
	[tilespmem:s0+$0x180] =	vst v11  }
0x135: {  	v16 =	vadd.s32 $0x9, v0;
	v19 =	vld.idx.msk [tilespmem:v3+s18+$0x0], $0xffff;
	[tilespmem:s14+$0x200] =	vst v12  }
0x136: {  	s4 =	sadd.s32 s13, s5;
	v12 =	vadd.s32 $0x14, v6;
	v13 =	vld.idx.msk [tilespmem:v13+s16+$0x0], $0xffff  }
0x137: {  	v20 =	vld [tilespmem:s31+$0x200];
	[tilespmem:s4+$0x0] =	vst v15;
	v11 =	vmul.u32 $0x21, v14;
	v14 =	vadd.s32 $0x15, v5  }
0x138: {  	v15 =	vld.idx.msk [tilespmem:v17+s16+$0x0], $0xffff  }
0x139: {  	v21 =	vld.idx.msk [tilespmem:v54+s16+$0x0], $0xffff;
	v17 =	vadd.s32 $0x9, v9;
	v3 =	vmul.u32 $0x21, v18;
	[tilespmem:s23+$0x80] =	vst v4  }
0x13a: {  	v4 =	vld.idx.msk [tilespmem:v16+s18+$0x0], $0xffff;
	[tilespmem:s3+$0x180] =	vst v19  }
0x13b: {  	s7 =	rddreg [dreg:$0x7];
	v16 =	vadd.s32 $0xA, v38;
	v18 =	vld.idx.msk [tilespmem:v12+s16+$0x0], $0xffff;
	[tilespmem:s17+$0x280] =	vst v13  }
0x13c: {  	s5 =	sadd.s32 $0x0, s7;
	v13 =	vadd.s32 $0x14, v7;
	v14 =	vld.idx.msk [tilespmem:v14+s18+$0x0], $0xffff  }
0x13d: {  	s9 =	sadd.s32 s28, s5;
	[tilespmem:s10+$0x80] =	vst v15;
	v15 =	vadd.s32 $0x16, v10;
	v12 =	vmul.u32 $0x21, v20;
	v19 =	vld.idx.msk [tilespmem:v11+s16+$0x0], $0xffff  }
0x13e: {  	[tilespmem:s9+$0x0] =	vst v21;
	v17 =	vld.idx.msk [tilespmem:v17+s18+$0x0], $0xffff  }
0x13f: {  	v20 =	vadd.s32 $0xA, v8;
	v21 =	vld.idx.msk [tilespmem:v3+s18+$0x0], $0xffff;
	[tilespmem:s11+$0x80] =	vst v4  }
0x140: {  	v4 =	vld.idx.msk [tilespmem:v16+s16+$0x0], $0xffff;
	v16 =	vadd.s32 $0x1, v54;
	[tilespmem:s0+$0x200] =	vst v18  }
0x141: {  	s26 =	sadd.s32 s25, s5;
	s24 =	rddreg [dreg:$0x8];
	v18 =	vadd.s32 $0xA, v0;
	v13 =	vld.idx.msk [tilespmem:v13+s18+$0x0], $0xffff;
	[tilespmem:s14+$0x280] =	vst v14  }
0x142: {  	s29 =	sadd.s32 $0x0, s24;
	[tilespmem:s26+$0x0] =	vst v19;
	v14 =	vadd.s32 $0x15, v6;
	v15 =	vld.idx.msk [tilespmem:v15+s16+$0x0], $0xffff  }
0x143: {  	s7 =	sadd.s32 s28, s29;
	[tilespmem:s4+$0x80] =	vst v17;
	v17 =	vadd.s32 $0x16, v5;
	v19 =	vld.idx.msk [tilespmem:v12+s18+$0x0], $0xffff  }
0x144: {  	v22 =	vadd.s32 $0x1, v11;
	[tilespmem:s7+$0x0] =	vst v21;
	v20 =	vld.idx.msk [tilespmem:v20+s16+$0x0], $0xffff  }
0x145: {  	v21 =	vadd.s32 $0xA, v9;
	v16 =	vld.idx.msk [tilespmem:v16+s16+$0x0], $0xffff;
	[tilespmem:s23+$0x100] =	vst v4  }
0x146: {  	v4 =	vld.idx.msk [tilespmem:v18+s18+$0x0], $0xffff;
	v18 =	vadd.s32 $0x1, v3;
	[tilespmem:s3+$0x200] =	vst v13  }
0x147: {  	s5 =	sadd.s32 s25, s29;
	v13 =	vadd.s32 $0xB, v38;
	v14 =	vld.idx.msk [tilespmem:v14+s16+$0x0], $0xffff;
	[tilespmem:s17+$0x300] =	vst v15  }
0x148: {  	[tilespmem:s5+$0x0] =	vst v19;
	v15 =	vadd.s32 $0x15, v7;
	v17 =	vld.idx.msk [tilespmem:v17+s18+$0x0], $0xffff  }
0x149: {  	[tilespmem:s10+$0x100] =	vst v20;
	v20 =	vadd.s32 $0x17, v10;
	v19 =	vld.idx.msk [tilespmem:v22+s16+$0x0], $0xffff  }
0x14a: {  	v22 =	vadd.s32 $0x1, v12;
	[tilespmem:s9+$0x80] =	vst v16;
	v16 =	vld.idx.msk [tilespmem:v21+s18+$0x0], $0xffff  }
0x14b: {  	v21 =	vadd.s32 $0xB, v8;
	v18 =	vld.idx.msk [tilespmem:v18+s18+$0x0], $0xffff;
	[tilespmem:s11+$0x100] =	vst v4  }
0x14c: {  	v4 =	vld.idx.msk [tilespmem:v13+s16+$0x0], $0xffff;
	v13 =	vadd.s32 $0x2, v54;
	[tilespmem:s0+$0x280] =	vst v14  }
0x14d: {  	v14 =	vadd.s32 $0xB, v0;
	v15 =	vld.idx.msk [tilespmem:v15+s18+$0x0], $0xffff;
	[tilespmem:s14+$0x300] =	vst v17  }
0x14e: {  	[tilespmem:s26+$0x80] =	vst v19;
	v17 =	vadd.s32 $0x16, v6;
	v19 =	vld.idx.msk [tilespmem:v20+s16+$0x0], $0xffff  }
0x14f: {  	[tilespmem:s4+$0x100] =	vst v16;
	v16 =	vadd.s32 $0x17, v5;
	v20 =	vld.idx.msk [tilespmem:v22+s18+$0x0], $0xffff  }
0x150: {  	v22 =	vadd.s32 $0x2, v11;
	[tilespmem:s7+$0x80] =	vst v18;
	v18 =	vld.idx.msk [tilespmem:v21+s16+$0x0], $0xffff  }
0x151: {  	v13 =	vld.idx.msk [tilespmem:v13+s16+$0x0], $0xffff;
	[tilespmem:s23+$0x180] =	vst v4  }
0x152: {  	v4 =	vadd.s32 $0xB, v9;
	v14 =	vld.idx.msk [tilespmem:v14+s18+$0x0], $0xffff;
	[tilespmem:s3+$0x280] =	vst v15  }
0x153: {  	v15 =	vadd.s32 $0x2, v3;
	v17 =	vld.idx.msk [tilespmem:v17+s16+$0x0], $0xffff;
	[tilespmem:s17+$0x380] =	vst v19  }
0x154: {  	[tilespmem:s5+$0x80] =	vst v20;
	v19 =	vadd.s32 $0xC, v38;
	v16 =	vld.idx.msk [tilespmem:v16+s18+$0x0], $0xffff  }
0x155: {  	[tilespmem:s10+$0x180] =	vst v18;
	v18 =	vadd.s32 $0x18, v10;
	v20 =	vld.idx.msk [tilespmem:v22+s16+$0x0], $0xffff  }
0x156: {  	v21 =	vadd.s32 $0x2, v12;
	[tilespmem:s9+$0x100] =	vst v13  }
0x157: {  	v4 =	vld.idx.msk [tilespmem:v4+s18+$0x0], $0xffff;
	[tilespmem:s11+$0x180] =	vst v14  }
0x158: {  	v13 =	vadd.s32 $0xC, v8;
	v14 =	vld.idx.msk [tilespmem:v15+s18+$0x0], $0xffff;
	[tilespmem:s0+$0x300] =	vst v17  }
0x159: {  	v17 =	vadd.s32 $0x3, v54;
	v15 =	vld.idx.msk [tilespmem:v19+s16+$0x0], $0xffff;
	[tilespmem:s14+$0x380] =	vst v16  }
0x15a: {  	[tilespmem:s26+$0x100] =	vst v20;
	v16 =	vadd.s32 $0xC, v0;
	v18 =	vld.idx.msk [tilespmem:v18+s16+$0x0], $0xffff  }
0x15b: {  	v20 =	vadd.s32 $0x18, v5;
	v19 =	vld.idx.msk [tilespmem:v21+s18+$0x0], $0xffff  }
0x15c: {  	[tilespmem:s4+$0x180] =	vst v4;
	s14 =	rddreg [dreg:$0xd];
	v21 =	vadd.s32 $0x3, v11  }
0x15d: {  	v4 =	vld.idx.msk [tilespmem:v13+s16+$0x0], $0xffff;
	[tilespmem:s7+$0x100] =	vst v14;
	s19 =	sadd.s32 $0x0, s14  }
0x15e: {  	v13 =	vadd.s32 $0xC, v9;
	v14 =	vld.idx.msk [tilespmem:v17+s16+$0x0], $0xffff;
	s21 =	sadd.s32 s2, s19;
	[tilespmem:s23+$0x200] =	vst v15  }
0x15f: {  	v15 =	vld.idx.msk [tilespmem:v16+s18+$0x0], $0xffff;
	v16 =	vadd.s32 $0x3, v3;
	[tilespmem:s21+$0x0] =	vst v18  }
0x160: {  	v17 =	vadd.s32 $0xD, v38;
	[tilespmem:s5+$0x100] =	vst v19;
	v18 =	vld.idx.msk [tilespmem:v20+s18+$0x0], $0xffff  }
0x161: {  	v19 =	vld.idx.msk [tilespmem:v21+s16+$0x0], $0xffff;
	v20 =	vadd.s32 $0x19, v10  }
0x162: {  	s30 =	sor.u32 $0x8600, s15;
	[tilespmem:s10+$0x200] =	vst v4;
	v21 =	vadd.s32 $0x3, v12  }
0x163: {  	s31 =	sadd.s32 $0x0, s30;
	v4 =	vld.idx.msk [tilespmem:v13+s18+$0x0], $0xffff;
	[tilespmem:s9+$0x180] =	vst v14  }
0x164: {  	s17 =	sadd.s32 s2, s31;
	v13 =	vadd.s32 $0xD, v8;
	v14 =	vld.idx.msk [tilespmem:v16+s18+$0x0], $0xffff;
	[tilespmem:s11+$0x200] =	vst v15  }
0x165: {  	v16 =	vadd.s32 $0x4, v54;
	v15 =	vld.idx.msk [tilespmem:v17+s16+$0x0], $0xffff;
	[tilespmem:s17+$0x0] =	vst v18  }
0x166: {  	v17 =	vadd.s32 $0xD, v0;
	[tilespmem:s26+$0x180] =	vst v19;
	v18 =	vld.idx.msk [tilespmem:v20+s16+$0x0], $0xffff  }
0x167: {  	v19 =	vld.idx.msk [tilespmem:v21+s18+$0x0], $0xffff;
	v20 =	vadd.s32 $0x19, v5  }
0x168: {  	[tilespmem:s4+$0x200] =	vst v4;
	v21 =	vadd.s32 $0x4, v11  }
0x169: {  	v4 =	vld.idx.msk [tilespmem:v13+s16+$0x0], $0xffff;
	[tilespmem:s7+$0x180] =	vst v14  }
0x16a: {  	v13 =	vadd.s32 $0xD, v9;
	v14 =	vld.idx.msk [tilespmem:v16+s16+$0x0], $0xffff;
	[tilespmem:s23+$0x280] =	vst v15  }
0x16b: {  	v16 =	vadd.s32 $0x4, v3;
	v15 =	vld.idx.msk [tilespmem:v17+s18+$0x0], $0xffff;
	[tilespmem:s21+$0x80] =	vst v18  }
0x16c: {  	v17 =	vadd.s32 $0xE, v38;
	[tilespmem:s5+$0x180] =	vst v19;
	v18 =	vld.idx.msk [tilespmem:v20+s18+$0x0], $0xffff  }
0x16d: {  	v19 =	vld.idx.msk [tilespmem:v21+s16+$0x0], $0xffff;
	v20 =	vadd.s32 $0x1A, v10  }
0x16e: {  	[tilespmem:s10+$0x280] =	vst v4;
	v21 =	vadd.s32 $0x4, v12  }
0x16f: {  	v4 =	vadd.s32 $0x16, v7;
	v13 =	vld.idx.msk [tilespmem:v13+s18+$0x0], $0xffff;
	[tilespmem:s9+$0x200] =	vst v14  }
0x170: {  	v14 =	vadd.s32 $0xE, v8;
	v16 =	vld.idx.msk [tilespmem:v16+s18+$0x0], $0xffff;
	[tilespmem:s11+$0x280] =	vst v15  }
0x171: {  	v15 =	vld.idx.msk [tilespmem:v17+s16+$0x0], $0xffff;
	v17 =	vadd.s32 $0x5, v54;
	[tilespmem:s17+$0x80] =	vst v18  }
0x172: {  	[tilespmem:s26+$0x200] =	vst v19;
	v18 =	vadd.s32 $0xE, v0;
	v19 =	vld.idx.msk [tilespmem:v20+s16+$0x0], $0xffff  }
0x173: {  	v20 =	vld.idx.msk [tilespmem:v21+s18+$0x0], $0xffff;
	v21 =	vadd.s32 $0x1A, v5  }
0x174: {  	v22 =	vadd.s32 $0x5, v11;
	v4 =	vld.idx.msk [tilespmem:v4+s18+$0x0], $0xffff;
	[tilespmem:s4+$0x280] =	vst v13  }
0x175: {  	v13 =	vadd.s32 $0x17, v6;
	v14 =	vld.idx.msk [tilespmem:v14+s16+$0x0], $0xffff;
	[tilespmem:s7+$0x200] =	vst v16  }
0x176: {  	v16 =	vadd.s32 $0xE, v9;
	v17 =	vld.idx.msk [tilespmem:v17+s16+$0x0], $0xffff;
	[tilespmem:s23+$0x300] =	vst v15  }
0x177: {  	v15 =	vld.idx.msk [tilespmem:v18+s18+$0x0], $0xffff;
	v18 =	vadd.s32 $0x5, v3;
	[tilespmem:s21+$0x100] =	vst v19  }
0x178: {  	[tilespmem:s5+$0x200] =	vst v20;
	v19 =	vadd.s32 $0xF, v38;
	v20 =	vld.idx.msk [tilespmem:v21+s18+$0x0], $0xffff  }
0x179: {  	[tilespmem:s3+$0x300] =	vst v4;
	v4 =	vadd.s32 $0x1B, v10;
	v21 =	vld.idx.msk [tilespmem:v22+s16+$0x0], $0xffff  }
0x17a: {  	v13 =	vld.idx.msk [tilespmem:v13+s16+$0x0], $0xffff;
	v22 =	vadd.s32 $0x5, v12;
	[tilespmem:s10+$0x300] =	vst v14  }
0x17b: {  	v14 =	vadd.s32 $0x17, v7;
	v16 =	vld.idx.msk [tilespmem:v16+s18+$0x0], $0xffff;
	[tilespmem:s9+$0x280] =	vst v17  }
0x17c: {  	v17 =	vadd.s32 $0xF, v8;
	v18 =	vld.idx.msk [tilespmem:v18+s18+$0x0], $0xffff;
	[tilespmem:s11+$0x300] =	vst v15  }
0x17d: {  	v15 =	vld.idx.msk [tilespmem:v19+s16+$0x0], $0xffff;
	v19 =	vadd.s32 $0x6, v54;
	[tilespmem:s17+$0x100] =	vst v20  }
0x17e: {  	[tilespmem:s26+$0x280] =	vst v21;
	v20 =	vadd.s32 $0xF, v0;
	v4 =	vld.idx.msk [tilespmem:v4+s16+$0x0], $0xffff  }
0x17f: {  	[tilespmem:s0+$0x380] =	vst v13;
	v13 =	vadd.s32 $0x1B, v5;
	v21 =	vld.idx.msk [tilespmem:v22+s18+$0x0], $0xffff  }
0x180: {  	v14 =	vld.idx.msk [tilespmem:v14+s18+$0x0], $0xffff;
	v22 =	vadd.s32 $0x6, v11;
	[tilespmem:s4+$0x300] =	vst v16  }
0x181: {  	v16 =	vadd.s32 $0x18, v6;
	v17 =	vld.idx.msk [tilespmem:v17+s16+$0x0], $0xffff;
	[tilespmem:s7+$0x280] =	vst v18  }
0x182: {  	v18 =	vadd.s32 $0xF, v9;
	v19 =	vld.idx.msk [tilespmem:v19+s16+$0x0], $0xffff;
	[tilespmem:s23+$0x380] =	vst v15  }
0x183: {  	v15 =	vld.idx.msk [tilespmem:v20+s18+$0x0], $0xffff;
	v20 =	vadd.s32 $0x6, v3;
	[tilespmem:s21+$0x180] =	vst v4  }
0x184: {  	[tilespmem:s5+$0x280] =	vst v21;
	v4 =	vadd.s32 $0x10, v38;
	v13 =	vld.idx.msk [tilespmem:v13+s18+$0x0], $0xffff  }
0x185: {  	[tilespmem:s3+$0x380] =	vst v14;
	v14 =	vadd.s32 $0x1C, v10;
	v21 =	vld.idx.msk [tilespmem:v22+s16+$0x0], $0xffff  }
0x186: {  	v16 =	vld.idx.msk [tilespmem:v16+s16+$0x0], $0xffff;
	v22 =	vadd.s32 $0x6, v12;
	[tilespmem:s10+$0x380] =	vst v17  }
0x187: {  	v17 =	vadd.s32 $0x18, v7;
	v18 =	vld.idx.msk [tilespmem:v18+s18+$0x0], $0xffff;
	[tilespmem:s9+$0x300] =	vst v19  }
0x188: {  	v19 =	vadd.s32 $0x10, v8;
	v20 =	vld.idx.msk [tilespmem:v20+s18+$0x0], $0xffff;
	[tilespmem:s11+$0x380] =	vst v15  }
0x189: {  	v15 =	vadd.s32 $0x7, v54;
	v4 =	vld.idx.msk [tilespmem:v4+s16+$0x0], $0xffff;
	[tilespmem:s17+$0x180] =	vst v13  }
0x18a: {  	s20 =	sadd.s32 s1, s19;
	[tilespmem:s26+$0x300] =	vst v21;
	v13 =	vadd.s32 $0x10, v0;
	v14 =	vld.idx.msk [tilespmem:v14+s16+$0x0], $0xffff  }
0x18b: {  	s10 =	rddreg [dreg:$0xb];
	[tilespmem:s20+$0x0] =	vst v16;
	v16 =	vadd.s32 $0x1C, v5;
	v21 =	vld.idx.msk [tilespmem:v22+s18+$0x0], $0xffff  }
0x18c: {  	s0 =	sadd.s32 $0x0, s10;
	v17 =	vld.idx.msk [tilespmem:v17+s18+$0x0], $0xffff;
	v22 =	vadd.s32 $0x7, v11;
	[tilespmem:s4+$0x380] =	vst v18  }
0x18d: {  	s19 =	sadd.s32 s12, s0;
	v19 =	vld.idx.msk [tilespmem:v19+s16+$0x0], $0xffff;
	[tilespmem:s7+$0x300] =	vst v20  }
0x18e: {  	v18 =	vadd.s32 $0x19, v6;
	v15 =	vld.idx.msk [tilespmem:v15+s16+$0x0], $0xffff;
	[tilespmem:s19+$0x0] =	vst v4  }
0x18f: {  	v20 =	vadd.s32 $0x10, v9;
	v4 =	vld.idx.msk [tilespmem:v13+s18+$0x0], $0xffff;
	[tilespmem:s21+$0x200] =	vst v14  }
0x190: {  	s8 =	sadd.s32 s1, s31;
	v13 =	vadd.s32 $0x7, v3;
	[tilespmem:s5+$0x300] =	vst v21;
	v14 =	vld.idx.msk [tilespmem:v16+s18+$0x0], $0xffff  }
0x191: {  	s4 =	sadd.s32 s13, s0;
	s11 =	rddreg [dreg:$0xc];
	[tilespmem:s8+$0x0] =	vst v17;
	v17 =	vadd.s32 $0x1D, v10;
	v16 =	vld.idx.msk [tilespmem:v22+s16+$0x0], $0xffff  }
0x192: {  	v21 =	vadd.s32 $0x11, v38;
	s23 =	sadd.s32 $0x0, s11;
	[tilespmem:s4+$0x0] =	vst v19  }
0x193: {  	v18 =	vld.idx.msk [tilespmem:v18+s16+$0x0], $0xffff;
	v19 =	vadd.s32 $0x7, v12;
	s11 =	sadd.s32 s12, s23;
	[tilespmem:s9+$0x380] =	vst v15  }
0x194: {  	v15 =	vld.idx.msk [tilespmem:v20+s18+$0x0], $0xffff;
	v20 =	vadd.s32 $0x19, v7;
	[tilespmem:s11+$0x0] =	vst v4  }
0x195: {  	v13 =	vld.idx.msk [tilespmem:v13+s18+$0x0], $0xffff;
	v4 =	vadd.s32 $0x11, v8;
	[tilespmem:s17+$0x200] =	vst v14  }
0x196: {  	[tilespmem:s26+$0x380] =	vst v16;
	v16 =	vld.idx.msk [tilespmem:v17+s16+$0x0], $0xffff  }
0x197: {  	s29 =	rddreg [dreg:$0x6];
	v14 =	vadd.s32 $0x8, v54;
	s26 =	simm.s32 $0x60;
	v17 =	vld.idx.msk [tilespmem:v21+s16+$0x0], $0xffff  }
0x198: {  	s31 =	simm.s32 $0x0;
	s2 =	sadd.s32 s13, s23;
	[tilespmem:s20+$0x80] =	vst v18;
	v18 =	vadd.s32 $0x1D, v5;
	v19 =	vld.idx.msk [tilespmem:v19+s18+$0x0], $0xffff;
	s9 =	sand.u32 $0x60, s26  }
0x199: {  	s1 =	sor.u32 s29, s31;
	[tilespmem:s2+$0x0] =	vst v15;
	v20 =	vld.idx.msk [tilespmem:v20+s18+$0x0], $0xffff;
	s14 =	sor.u32 $0x10, s9  }
0x19a: {  	v21 =	vadd.s32 $0x11, v0;
	v22 =	vld.idx.msk [tilespmem:v4+s16+$0x0], $0xffff;
	s3 =	sor.u32 s14, s1;
	s1 =	sor.u32 s9, s1  }
0x19b: {  	v15 =	vadd.s32 $0x8, v11;
	[tilespmem:s7+$0x380] =	vst v13;
	v23 =	vld [tilespmem:s1+$0x200]  }
0x19c: {  	v4 =	vld.idx.msk [tilespmem:v14+s16+$0x0], $0xffff;
	[tilespmem:s21+$0x280] =	vst v16  }
0x19d: {  	v16 =	vld.idx.msk [tilespmem:v18+s18+$0x0], $0xffff  }
0x19e: {  	s24 =	rddreg [dreg:$0x9];
	v27 =	vld [tilespmem:s3+$0x200];
	[tilespmem:s19+$0x80] =	vst v17;
	v18 =	vadd.s32 $0x1E, v10  }
0x19f: {  	v14 =	vadd.s32 $0x8, v3;
	s0 =	sadd.s32 $0x0, s24;
	[tilespmem:s5+$0x380] =	vst v19;
	v17 =	vld.idx.msk [tilespmem:v21+s18+$0x0], $0xffff  }
0x1a0: {  	v19 =	vadd.s32 $0x12, v38;
	s10 =	sadd.s32 s28, s0;
	v15 =	vld.idx.msk [tilespmem:v15+s16+$0x0], $0xffff;
	[tilespmem:s8+$0x80] =	vst v20  }
0x1a1: {  	v13 =	vadd.s32 $0x1A, v6;
	v20 =	vld [tilespmem:s3+$0x0];
	[tilespmem:s10+$0x0] =	vst v4  }
0x1a2: {  	v21 =	vld [tilespmem:s1+$0x0];
	v4 =	vadd.s32 $0x8, v12;
	[tilespmem:s17+$0x280] =	vst v16  }
0x1a3: {  	v24 =	vadd.s32 $0x11, v9;
	v16 =	vld.idx.msk [tilespmem:v18+s16+$0x0], $0xffff  }
0x1a4: {  	v14 =	vld.idx.msk [tilespmem:v14+s18+$0x0], $0xffff;
	[tilespmem:s11+$0x80] =	vst v17;
	v18 =	vadd.s32 $0x1E, v5  }
0x1a5: {  	s6 =	sadd.s32 s25, s0;
	v17 =	vld.idx.msk [tilespmem:v19+s16+$0x0], $0xffff;
	v19 =	vadd.s32 $0x9, v54  }
0x1a6: {  	v13 =	vld.idx.msk [tilespmem:v13+s16+$0x0], $0xffff;
	s5 =	rddreg [dreg:$0xa];
	[tilespmem:s6+$0x0] =	vst v15;
	v15 =	vadd.s32 $0x12, v0  }
0x1a7: {  	v26 =	vadd.s32 $0x1A, v7;
	[tilespmem:s4+$0x80] =	vst v22;
	s1 =	sadd.s32 $0x0, s5;
	v25 =	vld.idx.msk [tilespmem:v4+s18+$0x0], $0xffff;
	v4 =	vmul.u32 $0x21, v20  }
0x1a8: {  	s7 =	sadd.s32 s28, s1;
	v20 =	vld.idx.msk [tilespmem:v24+s18+$0x0], $0xffff;
	[tilespmem:s21+$0x300] =	vst v16  }
0x1a9: {  	[tilespmem:s7+$0x0] =	vst v14;
	v16 =	vadd.s32 $0x9, v11;
	v18 =	vld.idx.msk [tilespmem:v18+s18+$0x0], $0xffff  }
0x1aa: {  	v19 =	vld.idx.msk [tilespmem:v19+s16+$0x0], $0xffff;
	[tilespmem:s19+$0x100] =	vst v17;
	v17 =	vadd.s32 $0x1F, v10  }
0x1ab: {  	[tilespmem:s20+$0x100] =	vst v13;
	s5 =	sadd.s32 s25, s1;
	v13 =	vadd.s32 $0x9, v3;
	v15 =	vld.idx.msk [tilespmem:v15+s18+$0x0], $0xffff  }
0x1ac: {  	v14 =	vmul.u32 $0x21, v21;
	v21 =	vadd.s32 $0x13, v38;
	v10 =	vld.idx.msk [tilespmem:v26+s18+$0x0], $0xffff;
	[tilespmem:s5+$0x0] =	vst v25  }
0x1ad: {  	[tilespmem:s2+$0x80] =	vst v20;
	v22 =	vld.idx.msk [tilespmem:v4+s16+$0x0], $0xffff  }
0x1ae: {  	v16 =	vld.idx.msk [tilespmem:v16+s16+$0x0], $0xffff;
	[tilespmem:s17+$0x300] =	vst v18;
	v18 =	vadd.s32 $0x12, v8  }
0x1af: {  	s3 =	rddreg [dreg:$0x7];
	v24 =	vadd.s32 $0x9, v12;
	[tilespmem:s10+$0x80] =	vst v19;
	v17 =	vld.idx.msk [tilespmem:v17+s16+$0x0], $0xffff  }
0x1b0: {  	s0 =	sadd.s32 $0x0, s3;
	v19 =	vadd.s32 $0x1F, v5;
	v5 =	vmul.u32 $0x21, v27;
	v13 =	vld.idx.msk [tilespmem:v13+s18+$0x0], $0xffff;
	[tilespmem:s11+$0x100] =	vst v15  }
0x1b1: {  	s3 =	sadd.s32 s14, s0;
	[tilespmem:s8+$0x100] =	vst v10;
	v15 =	vld.idx.msk [tilespmem:v21+s16+$0x0], $0xffff  }
0x1b2: {  	v20 =	vadd.s32 $0xA, v54;
	v21 =	vld.idx.msk [tilespmem:v14+s16+$0x0], $0xffff;
	[tilespmem:s3+$0x0] =	vst v22  }
0x1b3: {  	v42 =	vmul.u32 $0x21, v23;
	[tilespmem:s6+$0x80] =	vst v16;
	v16 =	vadd.s32 $0x13, v0;
	v18 =	vld.idx.msk [tilespmem:v18+s16+$0x0], $0xffff  }
0x1b4: {  	v22 =	vld.idx.msk [tilespmem:v24+s18+$0x0], $0xffff;
	[tilespmem:s21+$0x380] =	vst v17  }
0x1b5: {  	[tilespmem:s7+$0x80] =	vst v13;
	v17 =	vld.idx.msk [tilespmem:v19+s18+$0x0], $0xffff;
	v19 =	vadd.s32 $0x12, v9  }
0x1b6: {  	s1 =	sadd.s32 s9, s0;
	v13 =	vadd.s32 $0xA, v11;
	v23 =	vld.idx.msk [tilespmem:v5+s18+$0x0], $0xffff;
	[tilespmem:s19+$0x180] =	vst v15  }
0x1b7: {  	s23 =	rddreg [dreg:$0x8];
	v15 =	vld.idx.msk [tilespmem:v20+s16+$0x0], $0xffff;
	v20 =	vadd.s32 $0x1, v4;
	[tilespmem:s1+$0x0] =	vst v21  }
0x1b8: {  	v21 =	vadd.s32 $0xA, v3;
	v16 =	vld.idx.msk [tilespmem:v16+s18+$0x0], $0xffff;
	[tilespmem:s4+$0x100] =	vst v18  }
0x1b9: {  	s24 =	sadd.s32 $0x0, s23;
	v24 =	vadd.s32 $0x14, v38;
	v18 =	vld.idx.msk [tilespmem:v42+s18+$0x0], $0xffff;
	[tilespmem:s5+$0x80] =	vst v22  }
0x1ba: {  	s0 =	sadd.s32 s14, s24;
	[tilespmem:s17+$0x380] =	vst v17;
	v17 =	vadd.s32 $0x1, v14;
	v19 =	vld.idx.msk [tilespmem:v19+s18+$0x0], $0xffff  }
0x1bb: {  	v22 =	vadd.s32 $0x13, v8;
	[tilespmem:s0+$0x0] =	vst v23;
	v13 =	vld.idx.msk [tilespmem:v13+s16+$0x0], $0xffff  }
0x1bc: {  	v23 =	vadd.s32 $0xA, v12;
	v20 =	vld.idx.msk [tilespmem:v20+s16+$0x0], $0xffff;
	[tilespmem:s10+$0x100] =	vst v15  }
0x1bd: {  	s17 =	sadd.s32 s9, s24;
	v15 =	vld.idx.msk [tilespmem:v21+s18+$0x0], $0xffff;
	[tilespmem:s11+$0x180] =	vst v16;
	v16 =	vadd.s32 $0x1, v5  }
0x1be: {  	v21 =	vld.idx.msk [tilespmem:v24+s16+$0x0], $0xffff;
	[tilespmem:s17+$0x0] =	vst v18;
	v18 =	vadd.s32 $0xB, v54  }
0x1bf: {  	v17 =	vld.idx.msk [tilespmem:v17+s16+$0x0], $0xffff;
	[tilespmem:s2+$0x100] =	vst v19;
	v19 =	vadd.s32 $0x14, v0  }
0x1c0: {  	v24 =	vadd.s32 $0x1, v42;
	[tilespmem:s6+$0x100] =	vst v13;
	v13 =	vld.idx.msk [tilespmem:v22+s16+$0x0], $0xffff  }
0x1c1: {  	[tilespmem:s3+$0x80] =	vst v20;
	v20 =	vld.idx.msk [tilespmem:v23+s18+$0x0], $0xffff;
	v22 =	vadd.s32 $0x13, v9  }
0x1c2: {  	v23 =	vadd.s32 $0xB, v11;
	[tilespmem:s7+$0x100] =	vst v15;
	v16 =	vld.idx.msk [tilespmem:v16+s18+$0x0], $0xffff  }
0x1c3: {  	v15 =	vld.idx.msk [tilespmem:v18+s16+$0x0], $0xffff;
	[tilespmem:s19+$0x200] =	vst v21;
	v18 =	vadd.s32 $0x2, v4  }
0x1c4: {  	v19 =	vld.idx.msk [tilespmem:v19+s18+$0x0], $0xffff;
	[tilespmem:s1+$0x80] =	vst v17;
	v17 =	vadd.s32 $0xB, v3  }
0x1c5: {  	v21 =	vld.idx.msk [tilespmem:v24+s18+$0x0], $0xffff;
	[tilespmem:s4+$0x180] =	vst v13;
	v13 =	vadd.s32 $0x15, v38  }
0x1c6: {  	[tilespmem:s5+$0x100] =	vst v20;
	v24 =	vadd.s32 $0x2, v14;
	v20 =	vld.idx.msk [tilespmem:v22+s18+$0x0], $0xffff  }
0x1c7: {  	v22 =	vadd.s32 $0x14, v8;
	[tilespmem:s0+$0x80] =	vst v16;
	v16 =	vld.idx.msk [tilespmem:v23+s16+$0x0], $0xffff  }
0x1c8: {  	v23 =	vadd.s32 $0xB, v12;
	v18 =	vld.idx.msk [tilespmem:v18+s16+$0x0], $0xffff;
	[tilespmem:s10+$0x180] =	vst v15  }
0x1c9: {  	v15 =	vld.idx.msk [tilespmem:v17+s18+$0x0], $0xffff;
	[tilespmem:s11+$0x200] =	vst v19;
	v17 =	vadd.s32 $0x2, v5  }
0x1ca: {  	v19 =	vadd.s32 $0xC, v54;
	v13 =	vld.idx.msk [tilespmem:v13+s16+$0x0], $0xffff;
	[tilespmem:s17+$0x80] =	vst v21  }
0x1cb: {  	v21 =	vld.idx.msk [tilespmem:v24+s16+$0x0], $0xffff;
	[tilespmem:s2+$0x180] =	vst v20;
	v20 =	vadd.s32 $0x15, v0  }
0x1cc: {  	v24 =	vadd.s32 $0x2, v42;
	[tilespmem:s6+$0x180] =	vst v16;
	v16 =	vld.idx.msk [tilespmem:v22+s16+$0x0], $0xffff  }
0x1cd: {  	v22 =	vadd.s32 $0x14, v9;
	[tilespmem:s3+$0x100] =	vst v18;
	v18 =	vld.idx.msk [tilespmem:v23+s18+$0x0], $0xffff  }
0x1ce: {  	v23 =	vadd.s32 $0xC, v11;
	v17 =	vld.idx.msk [tilespmem:v17+s18+$0x0], $0xffff;
	[tilespmem:s7+$0x180] =	vst v15  }
0x1cf: {  	v15 =	vld.idx.msk [tilespmem:v19+s16+$0x0], $0xffff;
	[tilespmem:s19+$0x280] =	vst v13;
	v13 =	vadd.s32 $0x3, v4  }
0x1d0: {  	v19 =	vld.idx.msk [tilespmem:v20+s18+$0x0], $0xffff;
	[tilespmem:s1+$0x100] =	vst v21;
	v20 =	vadd.s32 $0xC, v3  }
0x1d1: {  	v21 =	vld.idx.msk [tilespmem:v24+s18+$0x0], $0xffff;
	[tilespmem:s4+$0x200] =	vst v16;
	v16 =	vadd.s32 $0x16, v38  }
0x1d2: {  	v24 =	vadd.s32 $0x3, v14;
	[tilespmem:s5+$0x180] =	vst v18;
	v18 =	vld.idx.msk [tilespmem:v22+s18+$0x0], $0xffff  }
0x1d3: {  	v22 =	vadd.s32 $0x15, v8;
	[tilespmem:s0+$0x100] =	vst v17;
	v17 =	vld.idx.msk [tilespmem:v23+s16+$0x0], $0xffff  }
0x1d4: {  	v23 =	vadd.s32 $0xC, v12;
	v13 =	vld.idx.msk [tilespmem:v13+s16+$0x0], $0xffff;
	[tilespmem:s10+$0x200] =	vst v15  }
0x1d5: {  	v15 =	vld.idx.msk [tilespmem:v20+s18+$0x0], $0xffff;
	[tilespmem:s11+$0x280] =	vst v19;
	v19 =	vadd.s32 $0x3, v5  }
0x1d6: {  	v20 =	vadd.s32 $0xD, v54;
	v16 =	vld.idx.msk [tilespmem:v16+s16+$0x0], $0xffff;
	[tilespmem:s17+$0x100] =	vst v21  }
0x1d7: {  	v21 =	vld.idx.msk [tilespmem:v24+s16+$0x0], $0xffff;
	[tilespmem:s2+$0x200] =	vst v18;
	v18 =	vadd.s32 $0x16, v0  }
0x1d8: {  	v24 =	vadd.s32 $0x1B, v6;
	[tilespmem:s6+$0x200] =	vst v17;
	v17 =	vld.idx.msk [tilespmem:v22+s16+$0x0], $0xffff  }
0x1d9: {  	v22 =	vadd.s32 $0x3, v42;
	[tilespmem:s3+$0x180] =	vst v13;
	v13 =	vld.idx.msk [tilespmem:v23+s18+$0x0], $0xffff  }
0x1da: {  	v23 =	vadd.s32 $0x15, v9;
	v19 =	vld.idx.msk [tilespmem:v19+s18+$0x0], $0xffff;
	[tilespmem:s7+$0x200] =	vst v15  }
0x1db: {  	v15 =	vadd.s32 $0xD, v11;
	v20 =	vld.idx.msk [tilespmem:v20+s16+$0x0], $0xffff;
	[tilespmem:s19+$0x300] =	vst v16  }
0x1dc: {  	v10 =	vadd.s32 $0x4, v4;
	v16 =	vld.idx.msk [tilespmem:v18+s18+$0x0], $0xffff;
	[tilespmem:s1+$0x180] =	vst v21  }
0x1dd: {  	v18 =	vadd.s32 $0xD, v3;
	v21 =	vld.idx.msk [tilespmem:v24+s16+$0x0], $0xffff;
	[tilespmem:s4+$0x280] =	vst v17  }
0x1de: {  	v22 =	vld.idx.msk [tilespmem:v22+s18+$0x0], $0xffff;
	v17 =	vadd.s32 $0x17, v38;
	[tilespmem:s5+$0x200] =	vst v13  }
0x1df: {  	v24 =	vadd.s32 $0x1B, v7;
	v13 =	vld.idx.msk [tilespmem:v23+s18+$0x0], $0xffff;
	[tilespmem:s0+$0x180] =	vst v19  }
0x1e0: {  	v23 =	vadd.s32 $0x4, v14;
	v15 =	vld.idx.msk [tilespmem:v15+s16+$0x0], $0xffff;
	[tilespmem:s10+$0x280] =	vst v20  }
0x1e1: {  	v19 =	vadd.s32 $0x16, v8;
	v10 =	vld.idx.msk [tilespmem:v10+s16+$0x0], $0xffff;
	[tilespmem:s11+$0x300] =	vst v16  }
0x1e2: {  	v20 =	vadd.s32 $0xD, v12;
	v18 =	vld.idx.msk [tilespmem:v18+s18+$0x0], $0xffff;
	[tilespmem:s20+$0x180] =	vst v21  }
0x1e3: {  	v16 =	vadd.s32 $0x4, v5;
	v17 =	vld.idx.msk [tilespmem:v17+s16+$0x0], $0xffff;
	[tilespmem:s17+$0x180] =	vst v22  }
0x1e4: {  	v21 =	vadd.s32 $0xE, v54;
	v22 =	vld.idx.msk [tilespmem:v24+s18+$0x0], $0xffff;
	[tilespmem:s2+$0x280] =	vst v13  }
0x1e5: {  	v23 =	vld.idx.msk [tilespmem:v23+s16+$0x0], $0xffff;
	v13 =	vadd.s32 $0x17, v0;
	[tilespmem:s6+$0x280] =	vst v15  }
0x1e6: {  	v24 =	vadd.s32 $0x1C, v6;
	v15 =	vld.idx.msk [tilespmem:v19+s16+$0x0], $0xffff;
	[tilespmem:s3+$0x200] =	vst v10  }
0x1e7: {  	v19 =	vadd.s32 $0x4, v42;
	v10 =	vld.idx.msk [tilespmem:v20+s18+$0x0], $0xffff;
	[tilespmem:s7+$0x280] =	vst v18  }
0x1e8: {  	v20 =	vadd.s32 $0x16, v9;
	v16 =	vld.idx.msk [tilespmem:v16+s18+$0x0], $0xffff;
	[tilespmem:s19+$0x380] =	vst v17  }
0x1e9: {  	v18 =	vadd.s32 $0xE, v11;
	v21 =	vld.idx.msk [tilespmem:v21+s16+$0x0], $0xffff;
	[tilespmem:s8+$0x180] =	vst v22  }
0x1ea: {  	v17 =	vadd.s32 $0x5, v4;
	v13 =	vld.idx.msk [tilespmem:v13+s18+$0x0], $0xffff;
	[tilespmem:s1+$0x200] =	vst v23  }
0x1eb: {  	v22 =	vadd.s32 $0xE, v3;
	v23 =	vld.idx.msk [tilespmem:v24+s16+$0x0], $0xffff;
	[tilespmem:s4+$0x300] =	vst v15  }
0x1ec: {  	v19 =	vld.idx.msk [tilespmem:v19+s18+$0x0], $0xffff;
	v15 =	vadd.s32 $0x18, v38;
	[tilespmem:s5+$0x280] =	vst v10  }
0x1ed: {  	v24 =	vadd.s32 $0x1C, v7;
	v20 =	vld.idx.msk [tilespmem:v20+s18+$0x0], $0xffff;
	[tilespmem:s0+$0x200] =	vst v16  }
0x1ee: {  	v26 =	vadd.s32 $0x5, v14;
	v16 =	vld.idx.msk [tilespmem:v18+s16+$0x0], $0xffff;
	[tilespmem:s10+$0x300] =	vst v21  }
0x1ef: {  	v28 =	vadd.s32 $0x17, v8;
	v17 =	vld.idx.msk [tilespmem:v17+s16+$0x0], $0xffff;
	[tilespmem:s11+$0x380] =	vst v13  }
0x1f0: {  	v21 =	vadd.s32 $0xE, v12;
	v22 =	vld.idx.msk [tilespmem:v22+s18+$0x0], $0xffff;
	[tilespmem:s20+$0x200] =	vst v23  }
0x1f1: {  	v1 =	vadd.s32 $0x5, v5;
	v15 =	vld.idx.msk [tilespmem:v15+s16+$0x0], $0xffff;
	[tilespmem:s17+$0x200] =	vst v19  }
0x1f2: {  	v19 =	vadd.s32 $0xF, v54;
	s11 =	rddreg [dreg:$0xd];
	v24 =	vld.idx.msk [tilespmem:v24+s18+$0x0], $0xffff;
	[tilespmem:s2+$0x300] =	vst v20  }
0x1f3: {  	v26 =	vld.idx.msk [tilespmem:v26+s16+$0x0], $0xffff;
	[tilespmem:s6+$0x300] =	vst v16  }
0x1f4: {  	v20 =	vadd.s32 $0x18, v0;
	s29 =	sadd.s32 $0x0, s11;
	v16 =	vld.idx.msk [tilespmem:v28+s16+$0x0], $0xffff;
	[tilespmem:s3+$0x280] =	vst v17  }
0x1f5: {  	v25 =	vadd.s32 $0x1D, v6;
	s23 =	sadd.s32 s12, s29;
	v17 =	vld.idx.msk [tilespmem:v21+s18+$0x0], $0xffff;
	[tilespmem:s7+$0x300] =	vst v22  }
0x1f6: {  	v28 =	vadd.s32 $0x5, v42;
	v21 =	vld.idx.msk [tilespmem:v1+s18+$0x0], $0xffff;
	v1 =	vadd.s32 $0x1F, v9;
	[tilespmem:s23+$0x0] =	vst v15  }
0x1f7: {  	v19 =	vld.idx.msk [tilespmem:v19+s16+$0x0], $0xffff;
	[tilespmem:$0x1FD30] =	vst v1  }
0x1f8: {  	[tilespmem:s8+$0x200] =	vst v24  }
0x1f9: {  	v29 =	vadd.s32 $0x17, v9;
	v15 =	vld.idx.msk [tilespmem:v20+s18+$0x0], $0xffff;
	[tilespmem:s1+$0x280] =	vst v26  }
0x1fa: {  	v1 =	vadd.s32 $0x11, v12;
	[tilespmem:s4+$0x380] =	vst v16;
	v25 =	vld.idx.msk [tilespmem:v25+s16+$0x0], $0xffff  }
0x1fb: {  	v28 =	vld.idx.msk [tilespmem:v28+s18+$0x0], $0xffff;
	[tilespmem:$0x1FD40] =	vst v1;
	v1 =	vadd.s32 $0x12, v12  }
0x1fc: {  	v34 =	vadd.s32 $0x1F, v7;
	v31 =	vadd.s32 $0x18, v9;
	[tilespmem:$0x1FD50] =	vst v1  }
0x1fd: {  	v49 =	vadd.s32 $0x1A, v9;
	v22 =	vadd.s32 $0xF, v11;
	v1 =	vadd.s32 $0x13, v11;
	[tilespmem:s5+$0x300] =	vst v17  }
0x1fe: {  	v30 =	vadd.s32 $0x1B, v9;
	v37 =	vadd.s32 $0x1C, v9;
	v17 =	vld.idx.msk [tilespmem:v29+s18+$0x0], $0xffff;
	[tilespmem:$0x1FD60] =	vst v1;
	v1 =	vadd.s32 $0x13, v12  }
0x1ff: {  	v44 =	vadd.s32 $0x1D, v9;
	v36 =	vadd.s32 $0x1E, v9;
	v10 =	vadd.s32 $0x1E, v7;
	[tilespmem:$0x1FD70] =	vst v1  }
0x200: {  	v18 =	vadd.s32 $0x1D, v7;
	v7 =	vadd.s32 $0x19, v9;
	v9 =	vadd.s32 $0x6, v4;
	[tilespmem:s0+$0x280] =	vst v21  }
0x201: {  	v1 =	vadd.s32 $0x14, v11;
	[tilespmem:s10+$0x380] =	vst v19  }
0x202: {  	v21 =	vld.idx.msk [tilespmem:v22+s16+$0x0], $0xffff;
	[tilespmem:$0x1FD80] =	vst v1;
	v1 =	vadd.s32 $0x14, v12  }
0x203: {  	v26 =	vadd.s32 $0xF, v3;
	[tilespmem:$0x1FD90] =	vst v1;
	v1 =	vadd.s32 $0x15, v11  }
0x204: {  	v48 =	vadd.s32 $0x1A, v8;
	v16 =	vadd.s32 $0x19, v38;
	[tilespmem:$0x1FDA0] =	vst v1;
	v1 =	vadd.s32 $0x15, v12  }
0x205: {  	v51 =	vadd.s32 $0x1B, v8;
	v46 =	vadd.s32 $0x1C, v8;
	s31 =	sadd.s32 $0x0, s30;
	v9 =	vld.idx.msk [tilespmem:v9+s16+$0x0], $0xffff;
	[tilespmem:$0x1FDB0] =	vst v1;
	v1 =	vadd.s32 $0x16, v11  }
0x206: {  	v45 =	vadd.s32 $0x1D, v8;
	v43 =	vadd.s32 $0x1E, v8;
	s12 =	sadd.s32 s12, s31;
	v29 =	vadd.s32 $0x6, v14;
	[tilespmem:$0x1FDC0] =	vst v1  }
0x207: {  	v33 =	vadd.s32 $0x1F, v8;
	v62 =	vadd.s32 $0x12, v11;
	v58 =	vadd.s32 $0x17, v11;
	[tilespmem:s12+$0x0] =	vst v15  }
0x208: {  	v2 =	vadd.s32 $0x18, v11;
	v52 =	vadd.s32 $0x19, v11;
	v23 =	vadd.s32 $0x18, v8;
	v19 =	vld.idx.msk [tilespmem:v26+s18+$0x0], $0xffff;
	[tilespmem:s20+$0x280] =	vst v25  }
0x209: {  	v50 =	vadd.s32 $0x1A, v11;
	v59 =	vadd.s32 $0x1C, v11;
	v20 =	vadd.s32 $0xF, v12;
	[tilespmem:s17+$0x280] =	vst v28;
	v16 =	vld.idx.msk [tilespmem:v16+s16+$0x0], $0xffff  }
0x20a: {  	v60 =	vadd.s32 $0x1D, v11;
	v15 =	vadd.s32 $0x6, v5;
	[tilespmem:s2+$0x380] =	vst v17;
	v26 =	vadd.s32 $0x1B, v11;
	v18 =	vld.idx.msk [tilespmem:v18+s18+$0x0], $0xffff  }
0x20b: {  	v32 =	vadd.s32 $0x10, v12;
	v61 =	vadd.s32 $0x16, v12;
	v22 =	vadd.s32 $0x10, v54;
	v17 =	vld.idx.msk [tilespmem:v29+s16+$0x0], $0xffff;
	[tilespmem:$0x1FDD0] =	vst v26  }
0x20c: {  	v55 =	vadd.s32 $0x17, v12;
	v53 =	vadd.s32 $0x18, v12;
	v25 =	vadd.s32 $0x19, v0;
	[tilespmem:s6+$0x380] =	vst v21  }
0x20d: {  	v35 =	vadd.s32 $0x19, v12;
	v39 =	vadd.s32 $0x1A, v12;
	v27 =	vadd.s32 $0x1E, v6;
	v21 =	vld.idx.msk [tilespmem:v23+s16+$0x0], $0xffff;
	[tilespmem:s3+$0x300] =	vst v9  }
0x20e: {  	v63 =	vadd.s32 $0x1B, v12;
	v13 =	vadd.s32 $0x19, v8;
	v8 =	vadd.s32 $0x11, v11;
	v20 =	vld.idx.msk [tilespmem:v20+s18+$0x0], $0xffff;
	[tilespmem:s7+$0x380] =	vst v19  }
0x20f: {  	v24 =	vadd.s32 $0x10, v11;
	v28 =	vadd.s32 $0x1E, v11;
	v23 =	vadd.s32 $0x1F, v11;
	v11 =	vld.idx.msk [tilespmem:v15+s18+$0x0], $0xffff;
	[tilespmem:s23+$0x80] =	vst v16  }
0x210: {  	v1 =	vadd.s32 $0x1C, v12;
	v29 =	vadd.s32 $0x1D, v12;
	v9 =	vadd.s32 $0x6, v42;
	v15 =	vld.idx.msk [tilespmem:v22+s16+$0x0], $0xffff;
	[tilespmem:s8+$0x280] =	vst v18  }
0x211: {  	v26 =	vadd.s32 $0x1E, v12;
	v19 =	vadd.s32 $0x8, v14;
	v22 =	vadd.s32 $0x1F, v12;
	[tilespmem:s1+$0x300] =	vst v17;
	v12 =	vld.idx.msk [tilespmem:v25+s18+$0x0], $0xffff  }
0x212: {  	v17 =	vld.idx.msk [tilespmem:v27+s16+$0x0], $0xffff;
	[tilespmem:$0x1FDE0] =	vst v19;
	v19 =	vadd.s32 $0x9, v14  }
0x213: {  	s4 =	sadd.s32 s13, s29;
	[tilespmem:$0x1FDF0] =	vst v19  }
0x214: {  	[tilespmem:s4+$0x0] =	vst v21;
	v21 =	vadd.s32 $0xA, v14  }
0x215: {  	v9 =	vld.idx.msk [tilespmem:v9+s18+$0x0], $0xffff;
	[tilespmem:$0x1FE00] =	vst v21;
	v21 =	vadd.s32 $0xB, v14  }
0x216: {  	[tilespmem:$0x1FE10] =	vst v21  }
0x217: {  	s21 =	rddreg [dreg:$0xb];
	[tilespmem:s5+$0x380] =	vst v20;
	v20 =	vld.idx.msk [tilespmem:v31+s18+$0x0], $0xffff;
	v31 =	vmov v0;
	v0 =	vadd.s32 $0xC, v14  }
0x218: {  	[tilespmem:$0x1FE20] =	vst v0;
	v0 =	vadd.s32 $0xD, v14  }
0x219: {  	[tilespmem:$0x1FE30] =	vst v0;
	v0 =	vadd.s32 $0xE, v14  }
0x21a: {  	v18 =	vadd.s32 $0x7, v4;
	[tilespmem:$0x1FE40] =	vst v0  }
0x21b: {  	v0 =	vadd.s32 $0xF, v14;
	[tilespmem:s0+$0x300] =	vst v11  }
0x21c: {  	s24 =	sadd.s32 $0x0, s21;
	v11 =	vld.idx.msk [tilespmem:v24+s16+$0x0], $0xffff;
	[tilespmem:$0x1FE50] =	vst v0;
	v0 =	vadd.s32 $0x10, v14  }
0x21d: {  	s2 =	sadd.s32 s28, s24;
	[tilespmem:$0x1FE60] =	vst v0  }
0x21e: {  	v19 =	vadd.s32 $0x10, v3;
	v0 =	vadd.s32 $0x12, v14;
	[tilespmem:s2+$0x0] =	vst v15  }
0x21f: {  	v15 =	vld.idx.msk [tilespmem:v18+s16+$0x0], $0xffff;
	[tilespmem:$0x1FE70] =	vst v0;
	v0 =	vadd.s32 $0x13, v14  }
0x220: {  	[tilespmem:$0x1FE80] =	vst v0;
	v0 =	vadd.s32 $0x14, v14  }
0x221: {  	[tilespmem:$0x1FE90] =	vst v0  }
0x222: {  	v21 =	vadd.s32 $0x1A, v38;
	v0 =	vadd.s32 $0x15, v14;
	[tilespmem:s12+$0x80] =	vst v12  }
0x223: {  	v12 =	vld.idx.msk [tilespmem:v19+s18+$0x0], $0xffff;
	[tilespmem:$0x1FEA0] =	vst v0;
	v0 =	vadd.s32 $0x16, v14  }
0x224: {  	[tilespmem:$0x1FEB0] =	vst v0;
	v0 =	vadd.s32 $0x17, v14  }
0x225: {  	v16 =	vadd.s32 $0x7, v14;
	[tilespmem:$0x1FEC0] =	vst v0  }
0x226: {  	[tilespmem:s20+$0x300] =	vst v17  }
0x227: {  	v0 =	vadd.s32 $0x1A, v14;
	v17 =	vld.idx.msk [tilespmem:v21+s16+$0x0], $0xffff;
	[tilespmem:s17+$0x300] =	vst v9  }
0x228: {  	s7 =	sadd.s32 s13, s31;
	v9 =	vld.idx.msk [tilespmem:v10+s18+$0x0], $0xffff;
	[tilespmem:$0x1FED0] =	vst v0  }
0x229: {  	v47 =	vadd.s32 $0x11, v14;
	v57 =	vadd.s32 $0x18, v14;
	s21 =	sadd.s32 s25, s24;
	[tilespmem:s7+$0x0] =	vst v20  }
0x22a: {  	v56 =	vadd.s32 $0x19, v14;
	v27 =	vadd.s32 $0x1B, v14;
	v25 =	vadd.s32 $0x1C, v14;
	s6 =	rddreg [dreg:$0xc];
	v16 =	vld.idx.msk [tilespmem:v16+s16+$0x0], $0xffff;
	[tilespmem:s21+$0x0] =	vst v11  }
0x22b: {  	v24 =	vadd.s32 $0x1D, v14;
	v18 =	vadd.s32 $0x7, v5;
	v0 =	vadd.s32 $0x8, v42;
	[tilespmem:s3+$0x380] =	vst v15;
	v11 =	vld.idx.msk [tilespmem:v13+s16+$0x0], $0xffff  }
0x22c: {  	v21 =	vadd.s32 $0x1E, v14;
	v20 =	vadd.s32 $0x1F, v14;
	v14 =	vld.idx.msk [tilespmem:v32+s18+$0x0], $0xffff;
	[tilespmem:$0x1FEE0] =	vst v0;
	v0 =	vadd.s32 $0x9, v42  }
0x22d: {  	s29 =	sadd.s32 $0x0, s6;
	[tilespmem:$0x1FEF0] =	vst v0;
	v0 =	vadd.s32 $0xA, v42  }
0x22e: {  	s3 =	sadd.s32 s28, s29;
	[tilespmem:$0x1FF00] =	vst v0  }
0x22f: {  	v10 =	vadd.s32 $0x11, v54;
	v0 =	vadd.s32 $0xB, v42;
	[tilespmem:s3+$0x0] =	vst v12  }
0x230: {  	v12 =	vld.idx.msk [tilespmem:v18+s18+$0x0], $0xffff;
	[tilespmem:$0x1FF10] =	vst v0;
	v0 =	vadd.s32 $0xC, v42  }
0x231: {  	[tilespmem:$0x1FF20] =	vst v0;
	v0 =	vadd.s32 $0xD, v42  }
0x232: {  	[tilespmem:$0x1FF30] =	vst v0  }
0x233: {  	v19 =	vadd.s32 $0x1A, v31;
	v0 =	vadd.s32 $0xE, v42;
	[tilespmem:s23+$0x100] =	vst v17  }
0x234: {  	v10 =	vld.idx.msk [tilespmem:v10+s16+$0x0], $0xffff;
	[tilespmem:$0x1FF40] =	vst v0;
	v0 =	vadd.s32 $0xF, v42  }
0x235: {  	[tilespmem:$0x1FF50] =	vst v0;
	v0 =	vadd.s32 $0x10, v42  }
0x236: {  	v6 =	vadd.s32 $0x1F, v6;
	[tilespmem:$0x1FF60] =	vst v0  }
0x237: {  	v0 =	vadd.s32 $0x11, v42;
	[tilespmem:s8+$0x300] =	vst v9  }
0x238: {  	v40 =	vld.idx.msk [tilespmem:v19+s18+$0x0], $0xffff;
	[tilespmem:$0x1FF70] =	vst v0;
	v0 =	vadd.s32 $0x12, v42  }
0x239: {  	[tilespmem:$0x1FF80] =	vst v0  }
0x23a: {  	v13 =	vadd.s32 $0x7, v42;
	v0 =	vadd.s32 $0x13, v42;
	[tilespmem:s1+$0x380] =	vst v16  }
0x23b: {  	v32 =	vmov v38;
	v38 =	vld.idx.msk [tilespmem:v6+s16+$0x0], $0xffff;
	[tilespmem:$0x1FF90] =	vst v0;
	v0 =	vadd.s32 $0x14, v42  }
0x23c: {  	[tilespmem:$0x1FFA0] =	vst v0;
	v0 =	vadd.s32 $0x15, v42  }
0x23d: {  	[tilespmem:$0x1FFB0] =	vst v0  }
0x23e: {  	v0 =	vadd.s32 $0x16, v42;
	[tilespmem:s4+$0x80] =	vst v11  }
0x23f: {  	v9 =	vld.idx.msk [tilespmem:v13+s18+$0x0], $0xffff;
	[tilespmem:$0x1FFC0] =	vst v0;
	v0 =	vadd.s32 $0x17, v42  }
0x240: {  	[tilespmem:$0x1FFD0] =	vst v0;
	v0 =	vadd.s32 $0x18, v42  }
0x241: {  	s1 =	sadd.s32 s25, s29;
	[tilespmem:$0x1FFE0] =	vst v0  }
0x242: {  	v15 =	vadd.s32 $0x8, v4;
	v0 =	vadd.s32 $0x1A, v42;
	[tilespmem:s1+$0x0] =	vst v14  }
0x243: {  	v41 =	vld.idx.msk [tilespmem:v7+s18+$0x0], $0xffff;
	[tilespmem:$0x1FFF0] =	vst v0  }
0x244: {  	s31 =	sadd.s32 $0x1E00, s15;
	[tilespmem:s0+$0x380] =	vst v12  }
0x245: {  	v18 =	vadd.s32 $0x1D, v42;
	v17 =	vadd.s32 $0x1E, v42;
	[dreg:$0x1b] =	wrdreg s31  }
0x246: {  	v19 =	vadd.s32 $0x1B, v42;
	v13 =	vadd.s32 $0x19, v42;
	v14 =	vadd.s32 $0x1F, v42;
	v6 =	vld.idx.msk [tilespmem:v8+s16+$0x0], $0xffff  }
0x247: {  	s11 =	simm.s32 $0x0;
	s13 =	simm.s32 $0x0;
	v7 =	vadd.s32 $0x11, v3;
	v0 =	vadd.s32 $0x1C, v42;
	v42 =	vadd.s32 $0x1B, v32;
	s5 =	rddreg [dreg:$0x9];
	[tilespmem:s2+$0x80] =	vst v10;
	v8 =	vld.idx.msk [tilespmem:v15+s16+$0x0], $0xffff  }
.LBB2_7:
0x248: {  	v15 =	vld [tilespmem:$0x1FD30];
	_ =	sdelay $0x3  }
0x249: {  	[tilespmem:$0x1FAB0] =	vst v58  }
0x24a: {  	[tilespmem:$0x1FCF0] =	vst v13;
	v13 =	vmov v15  }
0x24b: {  	v15 =	vmov v50;
	[tilespmem:$0x1FA40] =	vst v13;
	v13 =	vld [tilespmem:$0x1FDE0]  }
0x24c: {  	s26 =	sadd.s32 $0x20, s26;
	[tilespmem:$0x1FCC0] =	vst v15;
	v15 =	vld [tilespmem:$0x1FED0]  }
0x24d: {  	s0 =	rddreg [dreg:$0x6];
	v10 =	vadd.s32 $0x8, v5;
	[tilespmem:s20+$0x380] =	vst v38;
	s6 =	sshrl.u32 s26, $0x7  }
0x24e: {  	v7 =	vld.idx.msk [tilespmem:v7+s18+$0x0], $0xffff;
	s20 =	smov.u32 s4;
	s29 =	sand.u32 $0x60, s26;
	s10 =	sshll.u32 s6, $0x8;
	[tilespmem:s12+$0x100] =	vst v40  }
0x24f: {  	s5 =	sadd.s32 s13, s5;
	[tilespmem:s17+$0x380] =	vst v9;
	s4 =	sor.u32 s0, s10;
	s0 =	sor.u32 $0x10, s29;
	v11 =	vld.idx.msk [tilespmem:v42+s16+$0x0], $0xffff  }
0x250: {  	[tilespmem:$0x1FA60] =	vst v59;
	s31 =	sadd.s32 s14, s5;
	v12 =	vld.idx.msk [tilespmem:v34+s18+$0x0], $0xffff;
	s10 =	sor.u32 s29, s4;
	s4 =	sor.u32 s0, s4  }
0x251: {  	v16 =	vmov v15;
	v15 =	vld [tilespmem:s4+$0x0];
	[tilespmem:s31+$0x0] =	vst v8  }
0x252: {  	[tilespmem:$0x1FA50] =	vst v19;
	v9 =	vadd.s32 $0x12, v54;
	v8 =	vld.idx.msk [tilespmem:v10+s18+$0x0], $0xffff  }
0x253: {  	[tilespmem:$0x1FA90] =	vst v1;
	v1 =	vmov v14;
	v14 =	vadd.s32 $0x1B, v31;
	v10 =	vld [tilespmem:$0x1FEE0]  }
0x254: {  	v13 =	vld.idx.msk [tilespmem:v13+s16+$0x0], $0xffff;
	[tilespmem:s7+$0x80] =	vst v41  }
0x255: {  	[tilespmem:s21+$0x80] =	vst v6  }
0x256: {  	[tilespmem:s3+$0x80] =	vst v7;
	v6 =	vld.idx.msk [tilespmem:v48+s16+$0x0], $0xffff  }
0x257: {  	v7 =	vld.idx.msk [tilespmem:v9+s16+$0x0], $0xffff;
	[tilespmem:s23+$0x180] =	vst v11  }
0x258: {  	[tilespmem:$0x1FC30] =	vst v16;
	v9 =	vadd.s32 $0x9, v4;
	v11 =	vld.idx.msk [tilespmem:v14+s18+$0x0], $0xffff  }
0x259: {  	s15 =	rddreg [dreg:$0xa];
	s5 =	sadd.s32 s9, s5;
	v19 =	vld [tilespmem:s4+$0x200];
	[tilespmem:s8+$0x380] =	vst v12  }
0x25a: {  	s15 =	sadd.s32 s13, s15;
	v12 =	vld [tilespmem:s10+$0x0];
	[tilespmem:s5+$0x0] =	vst v13  }
0x25b: {  	v14 =	vld [tilespmem:s10+$0x200];
	s10 =	sadd.s32 s14, s15;
	[tilespmem:s20+$0x100] =	vst v6  }
0x25c: {  	[tilespmem:s10+$0x0] =	vst v8;
	v16 =	vld.idx.msk [tilespmem:v10+s18+$0x0], $0xffff  }
0x25d: {  	[tilespmem:$0x1FAE0] =	vst v60;
	v10 =	vmul.u32 $0x21, v15;
	v15 =	vld.idx.msk [tilespmem:v9+s16+$0x0], $0xffff  }
0x25e: {  	[tilespmem:$0x1FA30] =	vst v51;
	v9 =	vld [tilespmem:$0x1FD40]  }
0x25f: {  	[tilespmem:$0x1FA20] =	vst v1;
	v1 =	vld [tilespmem:$0x1FDF0]  }
0x260: {  	[tilespmem:$0x1FB90] =	vst v28  }
0x261: {  	[tilespmem:$0x1FAD0] =	vst v45  }
0x262: {  	[tilespmem:$0x1FB50] =	vst v57  }
0x263: {  	[tilespmem:$0x1FC90] =	vst v33  }
0x264: {  	[tilespmem:$0x1FB20] =	vst v44  }
0x265: {  	[tilespmem:$0x1FB30] =	vst v18;
	s19 =	sadd.s32 s9, s15;
	v18 =	vmul.u32 $0x21, v14  }
0x266: {  	v48 =	vmul.u32 $0x21, v12;
	v14 =	vld.idx.msk [tilespmem:v9+s18+$0x0], $0xffff;
	[tilespmem:s19+$0x0] =	vst v16  }
0x267: {  	[tilespmem:$0x1FBC0] =	vst v53;
	v58 =	vld.idx.msk [tilespmem:v1+s16+$0x0], $0xffff;
	v1 =	vadd.s32 $0x4, v18  }
0x268: {  	[tilespmem:$0x1FA70] =	vst v1;
	v1 =	vadd.s32 $0x5, v48  }
0x269: {  	[tilespmem:$0x1FAA0] =	vst v1;
	v1 =	vadd.s32 $0x5, v18  }
0x26a: {  	[tilespmem:$0x1FB00] =	vst v1;
	v1 =	vadd.s32 $0x6, v48  }
0x26b: {  	[tilespmem:$0x1FB40] =	vst v1;
	v1 =	vadd.s32 $0x6, v18  }
0x26c: {  	[tilespmem:$0x1FBB0] =	vst v1;
	v1 =	vadd.s32 $0x7, v48  }
0x26d: {  	[tilespmem:$0x1FC40] =	vst v1;
	v1 =	vadd.s32 $0x7, v18  }
0x26e: {  	[tilespmem:$0x1FCD0] =	vst v1;
	v1 =	vadd.s32 $0x8, v48  }
0x26f: {  	v13 =	vadd.s32 $0x12, v3;
	[tilespmem:$0x1FDE0] =	vst v1;
	v1 =	vadd.s32 $0x8, v18  }
0x270: {  	[tilespmem:$0x1FEE0] =	vst v1;
	v1 =	vadd.s32 $0x9, v48  }
0x271: {  	[tilespmem:$0x1FDF0] =	vst v1;
	v1 =	vld [tilespmem:$0x1FE70]  }
0x272: {  	[tilespmem:$0x1FB80] =	vst v43  }
0x273: {  	[tilespmem:s2+$0x100] =	vst v7  }
0x274: {  	[tilespmem:$0x1FA80] =	vst v37;
	v6 =	vadd.s32 $0x1C, v32;
	v7 =	vld.idx.msk [tilespmem:v13+s18+$0x0], $0xffff  }
0x275: {  	[tilespmem:$0x1FC50] =	vst v52;
	v16 =	vld.idx.msk [tilespmem:v49+s18+$0x0], $0xffff  }
0x276: {  	v12 =	vadd.s32 $0x9, v5;
	[tilespmem:s1+$0x80] =	vst v14;
	v14 =	vmov v1;
	v1 =	vld [tilespmem:$0x1FEF0]  }
0x277: {  	[tilespmem:$0x1FBA0] =	vst v21  }
0x278: {  	[tilespmem:s12+$0x180] =	vst v11;
	v11 =	vld [tilespmem:$0x1FF70]  }
0x279: {  	[tilespmem:$0x1FCB0] =	vst v20;
	v6 =	vld.idx.msk [tilespmem:v6+s16+$0x0], $0xffff  }
0x27a: {  	v60 =	vld.idx.msk [tilespmem:v10+s16+$0x0], $0xffff;
	[tilespmem:s31+$0x80] =	vst v15  }
0x27b: {  	s8 =	smov.u32 s7;
	v12 =	vld.idx.msk [tilespmem:v12+s18+$0x0], $0xffff;
	[tilespmem:s3+$0x100] =	vst v7  }
0x27c: {  	v44 =	vld.idx.msk [tilespmem:v48+s16+$0x0], $0xffff;
	[tilespmem:s8+$0x100] =	vst v16  }
0x27d: {  	v7 =	vadd.s32 $0x9, v18;
	v9 =	vmov v11;
	v11 =	vmov v39;
	[tilespmem:s5+$0x80] =	vst v58  }
0x27e: {  	[tilespmem:$0x1FBE0] =	vst v11;
	v41 =	vld.idx.msk [tilespmem:v1+s18+$0x0], $0xffff;
	v1 =	vmov v7  }
0x27f: {  	[tilespmem:$0x1FEF0] =	vst v1;
	v1 =	vadd.s32 $0xE, v18  }
0x280: {  	v11 =	vld [tilespmem:$0x1FFF0];
	[tilespmem:$0x1FAC0] =	vst v1;
	v1 =	vadd.s32 $0xF, v48  }
0x281: {  	[tilespmem:$0x1FB10] =	vst v1;
	v1 =	vadd.s32 $0xF, v18  }
0x282: {  	[tilespmem:$0x1FB70] =	vst v1;
	v1 =	vadd.s32 $0x10, v48  }
0x283: {  	[tilespmem:$0x1FBF0] =	vst v1;
	v1 =	vadd.s32 $0x10, v18  }
0x284: {  	v20 =	vadd.s32 $0x13, v54;
	[tilespmem:$0x1FC80] =	vst v1;
	v1 =	vadd.s32 $0x11, v48  }
0x285: {  	v21 =	vadd.s32 $0x1C, v31;
	v38 =	vmovc v11;
	v11 =	vmul.u32 $0x21, v19;
	[tilespmem:$0x1FD20] =	vst v1;
	v1 =	vadd.s32 $0x11, v18  }
0x286: {  	[tilespmem:$0x1FF70] =	vst v1;
	v1 =	vadd.s32 $0x12, v48  }
0x287: {  	s17 =	rddreg [dreg:$0x7];
	s7 =	sshll.u32 s6, $0xA;
	[tilespmem:$0x1FE70] =	vst v1;
	v1 =	vld [tilespmem:$0x1FD50]  }
0x288: {  	[tilespmem:$0x1FC20] =	vst v17;
	s4 =	sadd.s32 s7, s17;
	v16 =	vld.idx.msk [tilespmem:v62+s16+$0x0], $0xffff  }
0x289: {  	s15 =	sadd.s32 s0, s4;
	v15 =	vld.idx.msk [tilespmem:v20+s16+$0x0], $0xffff;
	[tilespmem:s23+$0x200] =	vst v6;
	v6 =	vadd.s32 $0xA, v4  }
0x28a: {  	v19 =	vld.idx.msk [tilespmem:v21+s18+$0x0], $0xffff;
	[tilespmem:s15+$0x0] =	vst v60  }
0x28b: {  	s6 =	sadd.s32 s29, s4;
	v52 =	vld.idx.msk [tilespmem:v11+s18+$0x0], $0xffff;
	[tilespmem:s10+$0x80] =	vst v12  }
0x28c: {  	v12 =	vld [tilespmem:$0x1FF80];
	[tilespmem:s6+$0x0] =	vst v44  }
0x28d: {  	v17 =	vmov v22;
	v22 =	vld.idx.msk [tilespmem:v18+s18+$0x0], $0xffff;
	[tilespmem:s21+$0x100] =	vst v16  }
0x28e: {  	v53 =	vld.idx.msk [tilespmem:v6+s16+$0x0], $0xffff;
	v6 =	vadd.s32 $0x12, v18;
	[tilespmem:s19+$0x80] =	vst v41  }
0x28f: {  	[tilespmem:$0x1FC60] =	vst v56;
	v41 =	vmov v24;
	v24 =	vld.idx.msk [tilespmem:v1+s18+$0x0], $0xffff;
	v1 =	vmov v6  }
0x290: {  	v33 =	vadd.s32 $0x13, v3;
	[tilespmem:$0x1FF80] =	vst v1;
	v1 =	vld [tilespmem:$0x1FE00]  }
0x291: {  	[tilespmem:$0x1FCE0] =	vst v35;
	v35 =	vadd.s32 $0x1D, v32  }
0x292: {  	[tilespmem:$0x1FCA0] =	vst v23;
	v51 =	vadd.s32 $0x1, v10  }
0x293: {  	[tilespmem:$0x1FD10] =	vst v47;
	s24 =	rddreg [dreg:$0x8]  }
0x294: {  	s4 =	sadd.s32 s7, s24;
	[tilespmem:s2+$0x180] =	vst v15  }
0x295: {  	s24 =	sadd.s32 s0, s4;
	v57 =	vld.idx.msk [tilespmem:v33+s18+$0x0], $0xffff;
	[tilespmem:s12+$0x200] =	vst v19  }
0x296: {  	v49 =	vld.idx.msk [tilespmem:v35+s16+$0x0], $0xffff;
	[tilespmem:s24+$0x0] =	vst v52  }
0x297: {  	[tilespmem:$0x1FC00] =	vst v36;
	v45 =	vadd.s32 $0xA, v48;
	v28 =	vld.idx.msk [tilespmem:v51+s16+$0x0], $0xffff;
	v44 =	vadd.s32 $0xA, v5  }
0x298: {  	v40 =	vmovc v55;
	v55 =	vmov v0;
	v0 =	vmov v27;
	[tilespmem:s31+$0x100] =	vst v53;
	v27 =	vld.idx.msk [tilespmem:v1+s16+$0x0], $0xffff;
	v1 =	vmov v45  }
0x299: {  	v16 =	vadd.s32 $0x14, v54;
	[tilespmem:$0x1FE00] =	vst v1;
	v1 =	vadd.s32 $0x18, v48  }
0x29a: {  	v8 =	vadd.s32 $0x1, v48;
	[tilespmem:$0x1FB60] =	vst v1;
	v1 =	vadd.s32 $0x18, v18  }
0x29b: {  	[tilespmem:$0x1FBD0] =	vst v1;
	v1 =	vadd.s32 $0x19, v48  }
0x29c: {  	s17 =	sadd.s32 s29, s4;
	v52 =	vmov v29;
	v29 =	vld.idx.msk [tilespmem:v44+s18+$0x0], $0xffff;
	[tilespmem:s3+$0x180] =	vst v57  }
0x29d: {  	[tilespmem:s17+$0x0] =	vst v22  }
0x29e: {  	v35 =	vmov v25;
	v25 =	vadd.s32 $0x1D, v31;
	[tilespmem:$0x1FC70] =	vst v1;
	v1 =	vmov v31;
	v31 =	vld.idx.msk [tilespmem:v16+s16+$0x0], $0xffff  }
0x29f: {  	[tilespmem:s23+$0x280] =	vst v49;
	v49 =	vmov v2;
	v2 =	vmov v32;
	v32 =	vld.idx.msk [tilespmem:v8+s16+$0x0], $0xffff;
	v8 =	vadd.s32 $0x1A, v18  }
0x2a0: {  	[tilespmem:$0x1FFF0] =	vst v8;
	v8 =	vld [tilespmem:$0x1FD60]  }
0x2a1: {  	[tilespmem:$0x1FD30] =	vst v17  }
0x2a2: {  	v34 =	vmov v30;
	[tilespmem:$0x1FD40] =	vst v9;
	v30 =	vadd.s32 $0x1, v11  }
0x2a3: {  	v47 =	vadd.s32 $0x13, v48;
	v16 =	vadd.s32 $0x19, v18;
	[tilespmem:s1+$0x100] =	vst v24  }
0x2a4: {  	v17 =	vadd.s32 $0x1, v18;
	v59 =	vadd.s32 $0x3, v18;
	v50 =	vadd.s32 $0xA, v18;
	[tilespmem:$0x1FD00] =	vst v16  }
0x2a5: {  	v36 =	vmovc v61;
	v43 =	vadd.s32 $0xC, v18;
	v61 =	vadd.s32 $0xD, v18;
	v22 =	vadd.s32 $0xB, v4;
	v25 =	vld.idx.msk [tilespmem:v25+s18+$0x0], $0xffff;
	[tilespmem:s5+$0x100] =	vst v27  }
0x2a6: {  	v23 =	vadd.s32 $0x13, v18;
	v24 =	vadd.s32 $0x14, v3;
	v16 =	vadd.s32 $0x1A, v48;
	[tilespmem:s15+$0x80] =	vst v28;
	v28 =	vld [tilespmem:$0x1FF00]  }
0x2a7: {  	v37 =	vmovc v46;
	v46 =	vadd.s32 $0x14, v18;
	v56 =	vadd.s32 $0x17, v18;
	v33 =	vadd.s32 $0x1E, v2;
	[tilespmem:$0x1FED0] =	vst v16;
	v30 =	vld.idx.msk [tilespmem:v30+s18+$0x0], $0xffff  }
0x2a8: {  	v20 =	vadd.s32 $0xB, v18;
	v9 =	vadd.s32 $0x2, v18;
	v15 =	vadd.s32 $0x15, v18;
	[tilespmem:s10+$0x100] =	vst v29;
	v27 =	vld.idx.msk [tilespmem:v8+s16+$0x0], $0xffff;
	v8 =	vmovc v47  }
0x2a9: {  	v62 =	vld [tilespmem:$0x1FE80];
	v53 =	vmovc v50;
	v50 =	vadd.s32 $0x1E, v18;
	v57 =	vadd.s32 $0x1D, v18;
	v6 =	vadd.s32 $0x16, v18;
	[tilespmem:$0x1FE80] =	vst v8  }
0x2aa: {  	v16 =	vadd.s32 $0x1B, v18;
	v47 =	vadd.s32 $0x1F, v18;
	v8 =	vadd.s32 $0x1C, v18;
	v18 =	vld.idx.msk [tilespmem:v22+s16+$0x0], $0xffff;
	[tilespmem:s2+$0x200] =	vst v31  }
0x2ab: {  	v24 =	vld.idx.msk [tilespmem:v24+s18+$0x0], $0xffff;
	[tilespmem:s12+$0x280] =	vst v25  }
0x2ac: {  	v29 =	vld.idx.msk [tilespmem:v33+s16+$0x0], $0xffff  }
0x2ad: {  	v33 =	vld [tilespmem:$0x1FF90];
	_ =	sdelay $0x1  }
0x2ae: {  	v51 =	vmov v62;
	v28 =	vld.idx.msk [tilespmem:v28+s18+$0x0], $0xffff;
	_ =	sdelay $0x1  }
0x2af: {  	[tilespmem:$0x1FD60] =	vst v51  }
0x2b0: {  	[tilespmem:s6+$0x80] =	vst v32;
	v51 =	vmov v33  }
0x2b1: {  	v17 =	vld.idx.msk [tilespmem:v17+s18+$0x0], $0xffff;
	[tilespmem:s21+$0x180] =	vst v27  }
0x2b2: {  	[tilespmem:s19+$0x100] =	vst v28;
	v28 =	vld [tilespmem:$0x1FD70]  }
0x2b3: {  	[tilespmem:$0x1FD70] =	vst v51;
	v51 =	vmov v23;
	v23 =	vld [tilespmem:$0x1FE10];
	_ =	sdelay $0x6  }
0x2b4: {  	v28 =	vld.idx.msk [tilespmem:v28+s18+$0x0], $0xffff  }
0x2b5: {  	v13 =	vadd.s32 $0x2, v48;
	v32 =	vmov v54;
	v23 =	vld.idx.msk [tilespmem:v23+s16+$0x0], $0xffff  }
0x2b6: {  	v22 =	vadd.s32 $0x2, v10;
	v27 =	vadd.s32 $0x15, v54;
	v54 =	vmovc v4;
	[tilespmem:s17+$0x80] =	vst v17;
	v17 =	vadd.s32 $0xC, v4;
	v4 =	vmovc v10;
	v10 =	vld [tilespmem:$0x1FE90];
	_ =	sdelay $0x3  }
0x2b7: {  	v13 =	vld.idx.msk [tilespmem:v13+s16+$0x0], $0xffff;
	[tilespmem:s1+$0x180] =	vst v28  }
0x2b8: {  	v28 =	vadd.s32 $0x1F, v2;
	[tilespmem:s5+$0x180] =	vst v23;
	v23 =	vld [tilespmem:$0x1FD80];
	v2 =	vmov v10  }
0x2b9: {  	[tilespmem:$0x1FD80] =	vst v2;
	v2 =	vld [tilespmem:$0x1FF10];
	_ =	sdelay $0x6  }
0x2ba: {  	[tilespmem:$0x1FC10] =	vst v26;
	v26 =	vadd.s32 $0x14, v48  }
0x2bb: {  	v25 =	vadd.s32 $0xB, v5;
	v10 =	vld.idx.msk [tilespmem:v2+s18+$0x0], $0xffff;
	v2 =	vmov v26  }
0x2bc: {  	[tilespmem:$0x1FE90] =	vst v2;
	v2 =	vld [tilespmem:$0x1FD90]  }
0x2bd: {  	v23 =	vld.idx.msk [tilespmem:v23+s16+$0x0], $0xffff  }
0x2be: {  	v21 =	vadd.s32 $0xB, v48;
	[tilespmem:s24+$0x80] =	vst v30  }
0x2bf: {  	v30 =	vmov v21;
	v21 =	vld.idx.msk [tilespmem:v22+s16+$0x0], $0xffff;
	[tilespmem:s31+$0x180] =	vst v18  }
0x2c0: {  	v18 =	vld.idx.msk [tilespmem:v25+s18+$0x0], $0xffff;
	[tilespmem:s3+$0x200] =	vst v24  }
0x2c1: {  	[tilespmem:s6+$0x100] =	vst v13  }
0x2c2: {  	v31 =	vadd.s32 $0x1E, v1;
	v9 =	vld.idx.msk [tilespmem:v9+s18+$0x0], $0xffff;
	[tilespmem:s21+$0x200] =	vst v23  }
0x2c3: {  	v24 =	vld.idx.msk [tilespmem:v27+s16+$0x0], $0xffff;
	[tilespmem:s19+$0x180] =	vst v10  }
0x2c4: {  	v22 =	vadd.s32 $0x2, v11;
	v10 =	vld.idx.msk [tilespmem:v2+s18+$0x0], $0xffff  }
0x2c5: {  	v2 =	vld [tilespmem:$0x1FFA0]  }
0x2c6: {  	[tilespmem:s23+$0x300] =	vst v29  }
0x2c7: {  	v20 =	vmov v20;
	v25 =	vld.idx.msk [tilespmem:v31+s18+$0x0], $0xffff;
	[tilespmem:s15+$0x100] =	vst v21  }
0x2c8: {  	[tilespmem:$0x1FF10] =	vst v20  }
0x2c9: {  	v20 =	vld.idx.msk [tilespmem:v22+s18+$0x0], $0xffff;
	[tilespmem:s10+$0x180] =	vst v18  }
0x2ca: {  	v17 =	vld.idx.msk [tilespmem:v17+s16+$0x0], $0xffff;
	[tilespmem:s2+$0x280] =	vst v24;
	v24 =	vadd.s32 $0x1F, v1;
	v1 =	vmov v2  }
0x2cb: {  	[tilespmem:$0x1FD90] =	vst v1;
	v1 =	vld [tilespmem:$0x1FE20];
	_ =	sdelay $0x1  }
0x2cc: {  	v27 =	vadd.s32 $0x15, v3;
	_ =	sdelay $0x3  }
0x2cd: {  	v18 =	vadd.s32 $0x3, v4  }
0x2ce: {  	[tilespmem:$0x1FAF0] =	vst v14;
	v21 =	vld.idx.msk [tilespmem:v27+s18+$0x0], $0xffff  }
0x2cf: {  	v31 =	vmovc v3;
	v3 =	vmovc v5;
	[tilespmem:s12+$0x300] =	vst v25;
	v13 =	vadd.s32 $0xC, v5;
	v5 =	vmov v11;
	v11 =	vld.idx.msk [tilespmem:v1+s16+$0x0], $0xffff;
	v1 =	vmov v46  }
0x2d0: {  	[tilespmem:$0x1FFA0] =	vst v1;
	v1 =	vld [tilespmem:$0x1FDA0]  }
0x2d1: {  	v39 =	vmov v63;
	v63 =	vadd.s32 $0x3, v48;
	v14 =	vadd.s32 $0xC, v48;
	v22 =	vld.idx.msk [tilespmem:v28+s16+$0x0], $0xffff;
	[tilespmem:s24+$0x100] =	vst v20  }
0x2d2: {  	v23 =	vadd.s32 $0x16, v32;
	v2 =	vmov v14;
	v14 =	vld.idx.msk [tilespmem:v18+s16+$0x0], $0xffff;
	[tilespmem:s31+$0x200] =	vst v17  }
0x2d3: {  	[tilespmem:$0x1FE20] =	vst v2  }
0x2d4: {  	v13 =	vld.idx.msk [tilespmem:v13+s18+$0x0], $0xffff;
	[tilespmem:s3+$0x280] =	vst v21  }
0x2d5: {  	v2 =	vld [tilespmem:$0x1FEA0];
	[tilespmem:s17+$0x100] =	vst v9  }
0x2d6: {  	v21 =	vld.idx.msk [tilespmem:v63+s16+$0x0], $0xffff;
	[tilespmem:s1+$0x200] =	vst v10  }
0x2d7: {  	v19 =	vadd.s32 $0x15, v48;
	v17 =	vadd.s32 $0x3, v5;
	v18 =	vld.idx.msk [tilespmem:v23+s16+$0x0], $0xffff;
	[tilespmem:s5+$0x200] =	vst v11  }
0x2d8: {  	[tilespmem:s23+$0x380] =	vst v22;
	v9 =	vadd.s32 $0xD, v54;
	v11 =	vld.idx.msk [tilespmem:v1+s16+$0x0], $0xffff;
	v1 =	vmov v19  }
0x2d9: {  	v10 =	vadd.s32 $0x16, v31;
	[tilespmem:$0x1FEA0] =	vst v1;
	v1 =	vld [tilespmem:$0x1FF20]  }
0x2da: {  	v20 =	vld.idx.msk [tilespmem:v24+s18+$0x0], $0xffff  }
0x2db: {  	[tilespmem:s15+$0x180] =	vst v14  }
0x2dc: {  	v17 =	vld.idx.msk [tilespmem:v17+s18+$0x0], $0xffff;
	[tilespmem:s10+$0x200] =	vst v13  }
0x2dd: {  	v9 =	vld.idx.msk [tilespmem:v9+s16+$0x0], $0xffff;
	[tilespmem:s2+$0x300] =	vst v18  }
0x2de: {  	v10 =	vld.idx.msk [tilespmem:v10+s18+$0x0], $0xffff  }
0x2df: {  	[tilespmem:s12+$0x380] =	vst v20;
	v20 =	vld [tilespmem:$0x1FDD0];
	_ =	sdelay $0x1  }
0x2e0: {  	v14 =	vld.idx.msk [tilespmem:v1+s18+$0x0], $0xffff;
	v1 =	vmov v43  }
0x2e1: {  	[tilespmem:$0x1FF20] =	vst v1;
	v1 =	vld [tilespmem:$0x1FA30];
	_ =	sdelay $0x1  }
0x2e2: {  	[tilespmem:$0x1FF90] =	vst v51;
	v51 =	vmov v20;
	v20 =	vmov v0;
	v0 =	vld [tilespmem:$0x1FDB0];
	_ =	sdelay $0x3  }
0x2e3: {  	[tilespmem:s6+$0x180] =	vst v21  }
0x2e4: {  	[tilespmem:$0x1FDD0] =	vst v20;
	v20 =	vld.idx.msk [tilespmem:v59+s18+$0x0], $0xffff  }
0x2e5: {  	v19 =	vld.idx.msk [tilespmem:v1+s16+$0x0], $0xffff;
	[tilespmem:s21+$0x280] =	vst v11  }
0x2e6: {  	v1 =	vld [tilespmem:$0x1FFB0];
	[tilespmem:s19+$0x200] =	vst v14  }
0x2e7: {  	v14 =	vld.idx.msk [tilespmem:v0+s18+$0x0], $0xffff;
	v0 =	vmov v15  }
0x2e8: {  	[tilespmem:$0x1FFB0] =	vst v0;
	v0 =	vld [tilespmem:$0x1FE30];
	_ =	sdelay $0x6  }
0x2e9: {  	v7 =	vadd.s32 $0xD, v48  }
0x2ea: {  	v15 =	vld.idx.msk [tilespmem:v0+s16+$0x0], $0xffff;
	v0 =	vmov v7  }
0x2eb: {  	[tilespmem:$0x1FE30] =	vst v0;
	v0 =	vld [tilespmem:$0x1FA50];
	_ =	sdelay $0x4  }
0x2ec: {  	v12 =	vmov v12;
	v63 =	vmov v0;
	v0 =	vld [tilespmem:$0x1FDC0]  }
0x2ed: {  	v42 =	vadd.s32 $0x4, v48;
	[tilespmem:$0x1FD50] =	vst v12  }
0x2ee: {  	[tilespmem:s24+$0x180] =	vst v17  }
0x2ef: {  	[tilespmem:s20+$0x180] =	vst v19  }
0x2f0: {  	v1 =	vmov v1;
	[tilespmem:s17+$0x180] =	vst v20  }
0x2f1: {  	[tilespmem:$0x1FDB0] =	vst v1;
	v17 =	vld.idx.msk [tilespmem:v34+s18+$0x0], $0xffff  }
0x2f2: {  	v19 =	vmov v16;
	v16 =	vld.idx.msk [tilespmem:v42+s16+$0x0], $0xffff;
	[tilespmem:s1+$0x280] =	vst v14  }
0x2f3: {  	v12 =	vadd.s32 $0x16, v48;
	v13 =	vadd.s32 $0x4, v4;
	v1 =	vld [tilespmem:$0x1FEB0];
	[tilespmem:s5+$0x280] =	vst v15  }
0x2f4: {  	v15 =	vld.idx.msk [tilespmem:v0+s16+$0x0], $0xffff;
	v0 =	vmov v12  }
0x2f5: {  	[tilespmem:$0x1FEB0] =	vst v0;
	v0 =	vld [tilespmem:$0x1FF30]  }
0x2f6: {  	v18 =	vadd.s32 $0xD, v3  }
0x2f7: {  	v11 =	vadd.s32 $0x17, v32  }
0x2f8: {  	v7 =	vld.idx.msk [tilespmem:v13+s16+$0x0], $0xffff;
	_ =	sdelay $0x1  }
0x2f9: {  	[tilespmem:s31+$0x280] =	vst v9  }
0x2fa: {  	v9 =	vld.idx.msk [tilespmem:v18+s18+$0x0], $0xffff;
	[tilespmem:s3+$0x300] =	vst v10  }
0x2fb: {  	v11 =	vld.idx.msk [tilespmem:v11+s16+$0x0], $0xffff  }
0x2fc: {  	[tilespmem:s15+$0x200] =	vst v7;
	v7 =	vld.idx.msk [tilespmem:v0+s18+$0x0], $0xffff;
	v0 =	vmov v61  }
0x2fd: {  	[tilespmem:$0x1FF30] =	vst v0;
	v0 =	vld [tilespmem:$0x1FA60];
	_ =	sdelay $0x4  }
0x2fe: {  	v46 =	vmov v0;
	v0 =	vld [tilespmem:$0x1FA70];
	_ =	sdelay $0x5  }
0x2ff: {  	[tilespmem:s8+$0x180] =	vst v17  }
0x300: {  	[tilespmem:s6+$0x200] =	vst v16  }
0x301: {  	v16 =	vld.idx.msk [tilespmem:v0+s18+$0x0], $0xffff  }
0x302: {  	v0 =	vld [tilespmem:$0x1FFC0];
	_ =	sdelay $0x3  }
0x303: {  	v10 =	vadd.s32 $0x4, v5  }
0x304: {  	v13 =	vadd.s32 $0xE, v54;
	v61 =	vmov v0;
	v0 =	vmov v6  }
0x305: {  	v14 =	vadd.s32 $0x17, v31;
	[tilespmem:$0x1FFC0] =	vst v0;
	v0 =	vld [tilespmem:$0x1FE40];
	_ =	sdelay $0x2  }
0x306: {  	v10 =	vld.idx.msk [tilespmem:v10+s18+$0x0], $0xffff;
	[tilespmem:s10+$0x280] =	vst v9  }
0x307: {  	v9 =	vld.idx.msk [tilespmem:v13+s16+$0x0], $0xffff;
	[tilespmem:s2+$0x380] =	vst v11  }
0x308: {  	v12 =	vld.idx.msk [tilespmem:v14+s18+$0x0], $0xffff  }
0x309: {  	v14 =	vld.idx.msk [tilespmem:v37+s16+$0x0], $0xffff;
	[tilespmem:s21+$0x300] =	vst v15  }
0x30a: {  	v58 =	vadd.s32 $0xE, v48;
	[tilespmem:s19+$0x280] =	vst v7  }
0x30b: {  	v6 =	vld.idx.msk [tilespmem:v0+s16+$0x0], $0xffff;
	v0 =	vmov v58  }
0x30c: {  	[tilespmem:$0x1FE40] =	vst v0;
	v0 =	vld [tilespmem:$0x1FA80];
	_ =	sdelay $0x3  }
0x30d: {  	v2 =	vmov v2  }
0x30e: {  	[tilespmem:$0x1FDA0] =	vst v2;
	v2 =	vld [tilespmem:$0x1FAA0]  }
0x30f: {  	v7 =	vld.idx.msk [tilespmem:v36+s18+$0x0], $0xffff;
	[tilespmem:s20+$0x200] =	vst v14  }
0x310: {  	[tilespmem:s17+$0x200] =	vst v16  }
0x311: {  	v14 =	vld.idx.msk [tilespmem:v0+s18+$0x0], $0xffff  }
0x312: {  	v0 =	vld [tilespmem:$0x1FA90];
	_ =	sdelay $0x4  }
0x313: {  	v37 =	vmov v0;
	v0 =	vmov v8;
	v8 =	vld.idx.msk [tilespmem:v2+s16+$0x0], $0xffff  }
0x314: {  	v2 =	vld [tilespmem:$0x1FAB0];
	_ =	sdelay $0x5  }
0x315: {  	[tilespmem:s1+$0x300] =	vst v7  }
0x316: {  	[tilespmem:s5+$0x300] =	vst v6  }
0x317: {  	v6 =	vld.idx.msk [tilespmem:v2+s16+$0x0], $0xffff  }
0x318: {  	v11 =	vadd.s32 $0x5, v4;
	v2 =	vld [tilespmem:$0x1FEC0];
	_ =	sdelay $0x1  }
0x319: {  	v13 =	vadd.s32 $0xE, v3  }
0x31a: {  	v15 =	vadd.s32 $0x18, v32  }
0x31b: {  	v60 =	vadd.s32 $0x17, v48;
	[tilespmem:s24+$0x200] =	vst v10  }
0x31c: {  	v10 =	vld.idx.msk [tilespmem:v11+s16+$0x0], $0xffff;
	[tilespmem:s31+$0x300] =	vst v9;
	v58 =	vmov v2;
	v2 =	vmov v60  }
0x31d: {  	[tilespmem:$0x1FEC0] =	vst v2;
	v2 =	vld [tilespmem:$0x1FF40]  }
0x31e: {  	v9 =	vld.idx.msk [tilespmem:v13+s18+$0x0], $0xffff;
	[tilespmem:s3+$0x380] =	vst v12  }
0x31f: {  	v12 =	vld.idx.msk [tilespmem:v15+s16+$0x0], $0xffff  }
0x320: {  	v15 =	vld [tilespmem:$0x1FAC0];
	_ =	sdelay $0x4  }
0x321: {  	[tilespmem:s15+$0x280] =	vst v10;
	v10 =	vld.idx.msk [tilespmem:v2+s18+$0x0], $0xffff;
	v2 =	vmov v15  }
0x322: {  	v11 =	vadd.s32 $0x5, v5;
	[tilespmem:$0x1FF40] =	vst v2;
	v2 =	vld [tilespmem:$0x1FAD0];
	_ =	sdelay $0x1  }
0x323: {  	v13 =	vadd.s32 $0xF, v54;
	_ =	sdelay $0x2  }
0x324: {  	v11 =	vld.idx.msk [tilespmem:v11+s18+$0x0], $0xffff;
	[tilespmem:s10+$0x300] =	vst v9  }
0x325: {  	[tilespmem:s8+$0x200] =	vst v14  }
0x326: {  	v9 =	vld.idx.msk [tilespmem:v13+s16+$0x0], $0xffff;
	[tilespmem:s6+$0x280] =	vst v8  }
0x327: {  	v13 =	vld.idx.msk [tilespmem:v2+s16+$0x0], $0xffff  }
0x328: {  	v2 =	vld [tilespmem:$0x1FAE0];
	_ =	sdelay $0x1  }
0x329: {  	v45 =	vadd.s32 $0x1B, v48;
	_ =	sdelay $0x2  }
0x32a: {  	v27 =	vmov v45;
	v45 =	vmov v2;
	v2 =	vld [tilespmem:$0x1FB00];
	_ =	sdelay $0x7  }
0x32b: {  	v14 =	vld.idx.msk [tilespmem:v2+s18+$0x0], $0xffff  }
0x32c: {  	v2 =	vld [tilespmem:$0x1FFD0];
	_ =	sdelay $0x1  }
0x32d: {  	v1 =	vmov v1;
	_ =	sdelay $0x2  }
0x32e: {  	[tilespmem:$0x1FDC0] =	vst v1;
	v1 =	vmov v55;
	v55 =	vmov v2;
	v2 =	vmov v56  }
0x32f: {  	[tilespmem:$0x1FFD0] =	vst v2;
	v2 =	vld [tilespmem:$0x1FE50];
	_ =	sdelay $0x1  }
0x330: {  	s12 =	rddreg [dreg:$0xd];
	v7 =	vadd.s32 $0x18, v31  }
0x331: {  	s2 =	sadd.s32 s11, s12;
	v15 =	vld [tilespmem:$0x1FB10]  }
0x332: {  	s23 =	sadd.s32 s28, s2  }
0x333: {  	[tilespmem:s23+$0x0] =	vst v12  }
0x334: {  	[tilespmem:s21+$0x380] =	vst v6  }
0x335: {  	v7 =	vld.idx.msk [tilespmem:v7+s18+$0x0], $0xffff;
	[tilespmem:s19+$0x300] =	vst v10  }
0x336: {  	[tilespmem:s24+$0x280] =	vst v11;
	v11 =	vld.idx.msk [tilespmem:v2+s16+$0x0], $0xffff;
	v2 =	vmov v15  }
0x337: {  	[tilespmem:$0x1FE50] =	vst v2;
	v2 =	vld [tilespmem:$0x1FB20];
	_ =	sdelay $0x5  }
0x338: {  	v10 =	vld.idx.msk [tilespmem:v40+s18+$0x0], $0xffff;
	[tilespmem:s20+$0x280] =	vst v13  }
0x339: {  	[tilespmem:s17+$0x280] =	vst v14  }
0x33a: {  	v12 =	vadd.s32 $0x6, v4;
	v13 =	vld.idx.msk [tilespmem:v2+s18+$0x0], $0xffff  }
0x33b: {  	v2 =	vld [tilespmem:$0x1FB30];
	_ =	sdelay $0x1  }
0x33c: {  	v8 =	vadd.s32 $0xF, v3  }
0x33d: {  	v6 =	vadd.s32 $0x19, v32  }
0x33e: {  	v12 =	vld.idx.msk [tilespmem:v12+s16+$0x0], $0xffff  }
0x33f: {  	s21 =	sadd.s32 s11, s30;
	v29 =	vmov v2;
	v2 =	vld [tilespmem:$0x1FB40]  }
0x340: {  	[tilespmem:s31+$0x380] =	vst v9;
	s12 =	sadd.s32 s28, s21  }
0x341: {  	v8 =	vld.idx.msk [tilespmem:v8+s18+$0x0], $0xffff;
	[tilespmem:s12+$0x0] =	vst v7  }
0x342: {  	v6 =	vld.idx.msk [tilespmem:v6+s16+$0x0], $0xffff  }
0x343: {  	[tilespmem:s15+$0x300] =	vst v12;
	v12 =	vld [tilespmem:$0x1FF50];
	_ =	sdelay $0x3  }
0x344: {  	v14 =	vld.idx.msk [tilespmem:v2+s16+$0x0], $0xffff  }
0x345: {  	[tilespmem:s1+$0x380] =	vst v10  }
0x346: {  	[tilespmem:s5+$0x380] =	vst v11  }
0x347: {  	v11 =	vld.idx.msk [tilespmem:v49+s16+$0x0], $0xffff  }
0x348: {  	v12 =	vld.idx.msk [tilespmem:v12+s18+$0x0], $0xffff;
	[tilespmem:s8+$0x280] =	vst v13  }
0x349: {  	[tilespmem:s6+$0x300] =	vst v14;
	v14 =	vld [tilespmem:$0x1FB90];
	_ =	sdelay $0x4  }
0x34a: {  	v43 =	vmov v14;
	v14 =	vld [tilespmem:$0x1FBA0]  }
0x34b: {  	v7 =	vadd.s32 $0x6, v5;
	_ =	sdelay $0x2  }
0x34c: {  	v9 =	vadd.s32 $0x10, v54;
	v13 =	vld [tilespmem:$0x1FB80]  }
0x34d: {  	v10 =	vadd.s32 $0x19, v31;
	v28 =	vmov v14;
	v14 =	vld [tilespmem:$0x1FBB0]  }
0x34e: {  	v7 =	vld.idx.msk [tilespmem:v7+s18+$0x0], $0xffff;
	_ =	sdelay $0x1  }
0x34f: {  	[tilespmem:s10+$0x380] =	vst v8  }
0x350: {  	v8 =	vld.idx.msk [tilespmem:v9+s16+$0x0], $0xffff;
	[tilespmem:s23+$0x80] =	vst v6  }
0x351: {  	v9 =	vld.idx.msk [tilespmem:v10+s18+$0x0], $0xffff  }
0x352: {  	[tilespmem:s24+$0x300] =	vst v7;
	v7 =	vld [tilespmem:$0x1FE60]  }
0x353: {  	s4 =	sadd.s32 s25, s2;
	v13 =	vld.idx.msk [tilespmem:v13+s16+$0x0], $0xffff  }
0x354: {  	v14 =	vld.idx.msk [tilespmem:v14+s18+$0x0], $0xffff;
	[tilespmem:s4+$0x0] =	vst v11  }
0x355: {  	[tilespmem:s19+$0x380] =	vst v12;
	v12 =	vld [tilespmem:$0x1FBC0];
	_ =	sdelay $0x6  }
0x356: {  	v7 =	vld.idx.msk [tilespmem:v7+s16+$0x0], $0xffff  }
0x357: {  	v12 =	vld.idx.msk [tilespmem:v12+s18+$0x0], $0xffff;
	[tilespmem:s20+$0x300] =	vst v13  }
0x358: {  	[tilespmem:s17+$0x300] =	vst v14;
	v14 =	vld [tilespmem:$0x1FC10];
	_ =	sdelay $0x4  }
0x359: {  	v36 =	vmov v14;
	v14 =	vld [tilespmem:$0x1FC20]  }
0x35a: {  	v15 =	vld [tilespmem:$0x1FB50];
	_ =	sdelay $0x1  }
0x35b: {  	v16 =	vld [tilespmem:$0x1FB70]  }
0x35c: {  	v13 =	vld [tilespmem:$0x1FC00]  }
0x35d: {  	v26 =	vmov v14;
	v14 =	vld [tilespmem:$0x1FC40]  }
0x35e: {  	v2 =	vmov v15;
	v15 =	vld [tilespmem:$0x1FB60];
	_ =	sdelay $0x3  }
0x35f: {  	s11 =	smov.u32 s13;
	s13 =	smov.u32 s7;
	s7 =	sadd.s32 s25, s21  }
0x360: {  	v18 =	vmov v57;
	s25 =	smov.u32 s9;
	s9 =	smov.u32 s29;
	s29 =	rddreg [dreg:$0xb];
	v57 =	vmov v15;
	v15 =	vmov v16;
	v16 =	vld [tilespmem:$0x1FBD0]  }
0x361: {  	s28 =	smov.u32 s14;
	s14 =	smov.u32 s0;
	s0 =	sadd.s32 s11, s29;
	v13 =	vld.idx.msk [tilespmem:v13+s18+$0x0], $0xffff  }
0x362: {  	s21 =	sadd.s32 s25, s0;
	v14 =	vld.idx.msk [tilespmem:v14+s16+$0x0], $0xffff;
	[tilespmem:s7+$0x0] =	vst v12  }
0x363: {  	[tilespmem:s21+$0x0] =	vst v7;
	v7 =	vld [tilespmem:$0x1FC50]  }
0x364: {  	[tilespmem:$0x1FF50] =	vst v15;
	v15 =	vld [tilespmem:$0x1FFE0]  }
0x365: {  	v17 =	vmov v16;
	v16 =	vld [tilespmem:$0x1FBF0];
	_ =	sdelay $0x1  }
0x366: {  	[tilespmem:$0x1FF00] =	vst v53;
	v53 =	vadd.s32 $0x1E, v48;
	_ =	sdelay $0x1  }
0x367: {  	v6 =	vadd.s32 $0x7, v4  }
0x368: {  	v21 =	vmovc v53;
	v10 =	vadd.s32 $0x10, v3;
	v53 =	vmov v15;
	v15 =	vmov v16  }
0x369: {  	[tilespmem:$0x1FE60] =	vst v15;
	v15 =	vld.idx.msk [tilespmem:v7+s16+$0x0], $0xffff  }
0x36a: {  	v7 =	vld [tilespmem:$0x1FC60]  }
0x36b: {  	s2 =	sadd.s32 s28, s0  }
0x36c: {  	v44 =	vadd.s32 $0x1C, v48;
	v6 =	vld.idx.msk [tilespmem:v6+s16+$0x0], $0xffff;
	[tilespmem:s2+$0x0] =	vst v8  }
0x36d: {  	v8 =	vld.idx.msk [tilespmem:v10+s18+$0x0], $0xffff;
	v11 =	vadd.s32 $0x1A, v32  }
0x36e: {  	v16 =	vld [tilespmem:$0x1FC80]  }
0x36f: {  	v25 =	vmovc v44;
	v44 =	vmov v52;
	[tilespmem:s12+$0x80] =	vst v9;
	v9 =	vadd.s32 $0x7, v5;
	v52 =	vmov v7;
	v7 =	vld [tilespmem:$0x1FC70];
	_ =	sdelay $0x2  }
0x370: {  	v10 =	vld.idx.msk [tilespmem:v11+s16+$0x0], $0xffff  }
0x371: {  	[tilespmem:s15+$0x380] =	vst v6;
	v6 =	vld [tilespmem:$0x1FF60]  }
0x372: {  	v56 =	vmov v7;
	v7 =	vmov v16;
	v16 =	vld.idx.msk [tilespmem:v9+s18+$0x0], $0xffff  }
0x373: {  	v9 =	vld [tilespmem:$0x1FC90];
	_ =	sdelay $0x5  }
0x374: {  	v6 =	vld.idx.msk [tilespmem:v6+s18+$0x0], $0xffff;
	[tilespmem:s8+$0x300] =	vst v13  }
0x375: {  	[tilespmem:s6+$0x380] =	vst v14  }
0x376: {  	[tilespmem:$0x1FE10] =	vst v30;
	v30 =	vmov v39;
	v39 =	vmov v38;
	v38 =	vld.idx.msk [tilespmem:v9+s16+$0x0], $0xffff  }
0x377: {  	v9 =	vld [tilespmem:$0x1FCA0];
	_ =	sdelay $0x4  }
0x378: {  	v33 =	vmov v9;
	v9 =	vld [tilespmem:$0x1FCB0];
	_ =	sdelay $0x4  }
0x379: {  	v23 =	vmov v9;
	v9 =	vld [tilespmem:$0x1FCD0];
	_ =	sdelay $0x5  }
0x37a: {  	s31 =	rddreg [dreg:$0xc]  }
0x37b: {  	s0 =	sadd.s32 s11, s31  }
0x37c: {  	s1 =	sadd.s32 s25, s0;
	v9 =	vld.idx.msk [tilespmem:v9+s18+$0x0], $0xffff;
	[tilespmem:s4+$0x80] =	vst v15  }
0x37d: {  	[tilespmem:s1+$0x0] =	vst v6;
	v6 =	vld [tilespmem:$0x1FCE0];
	_ =	sdelay $0x7  }
0x37e: {  	v60 =	vmov v41;
	v41 =	vld.idx.msk [tilespmem:v6+s18+$0x0], $0xffff  }
0x37f: {  	v6 =	vld [tilespmem:$0x1FCF0];
	_ =	sdelay $0x4  }
0x380: {  	v59 =	vmov v35;
	v35 =	vmov v6;
	v6 =	vld [tilespmem:$0x1FD00];
	_ =	sdelay $0x1  }
0x381: {  	v62 =	vadd.s32 $0x1D, v48;
	v22 =	vld [tilespmem:$0x1FA20];
	v11 =	vadd.s32 $0x11, v54  }
0x382: {  	v48 =	vadd.s32 $0x1F, v48;
	v24 =	vmov v62;
	v62 =	vld [tilespmem:$0x1FAF0]  }
0x383: {  	v20 =	vmov v48;
	v48 =	vld [tilespmem:$0x1FCC0]  }
0x384: {  	s3 =	sadd.s32 s28, s0;
	v13 =	vmov v6;
	v6 =	vld [tilespmem:$0x1FD10]  }
0x385: {  	v34 =	vld [tilespmem:$0x1FA40];
	v12 =	vadd.s32 $0x1A, v31;
	[tilespmem:s3+$0x0] =	vst v8  }
0x386: {  	v8 =	vadd.s32 $0x8, v4;
	v11 =	vld.idx.msk [tilespmem:v11+s16+$0x0], $0xffff  }
0x387: {  	p0 =	slt.u32 s26, $0xE0;
	[tilespmem:s23+$0x100] =	vst v10;
	v10 =	vld [tilespmem:$0x1FD20]  }
.Ltmp2:
0x388: {  	v49 =	vld [tilespmem:$0x1FBE0];
	(pc) =	sbr.rel @p0 .LBB2_7-.Ltmp2, $4  }
0x389: {  	[tilespmem:$0x1FFE0] =	vst v17;
	v17 =	vmov v50;
	v50 =	vld [tilespmem:$0x1FC30]  }
0x38a: {  	v40 =	vld.idx.msk [tilespmem:v12+s18+$0x0], $0xffff;
	[tilespmem:s24+$0x380] =	vst v16  }
0x38b: {  	[tilespmem:$0x1FF60] =	vst v7;
	v8 =	vld.idx.msk [tilespmem:v8+s16+$0x0], $0xffff  }
0x38c: {  	v42 =	vadd.s32 $0x1B, v32;
	s5 =	rddreg [dreg:$0x9];
	v14 =	vmovc v47;
	v7 =	vadd.s32 $0x11, v3;
	v47 =	vmov v10;
	[tilespmem:s2+$0x80] =	vst v11;
	v6 =	vld.idx.msk [tilespmem:v6+s16+$0x0], $0xffff  }
0x38d: {  	_ = 	snop  }
0x38e: {  	s5 =	sadd.s32 s13, s5  }
0x38f: {  	[tilespmem:s17+$0x380] =	vst v9;
	s0 =	sadd.s32 s14, s5  }
0x390: {  	[tilespmem:s0+$0x0] =	vst v8  }
0x391: {  	v8 =	vld [tilespmem:$0x1FDE0];
	_ =	sdelay $0x1  }
0x392: {  	v10 =	vadd.s32 $0x8, v5;
	_ =	sdelay $0x4  }
0x393: {  	v16 =	vld.idx.msk [tilespmem:v10+s18+$0x0], $0xffff  }
0x394: {  	v8 =	vld.idx.msk [tilespmem:v8+s16+$0x0], $0xffff  }
0x395: {  	s6 =	rddreg [dreg:$0xa]  }
0x396: {  	s6 =	sadd.s32 s13, s6  }
0x397: {  	s10 =	sadd.s32 s14, s6  }
0x398: {  	s5 =	sadd.s32 s9, s5;
	[tilespmem:s10+$0x0] =	vst v16  }
0x399: {  	[tilespmem:s5+$0x0] =	vst v8  }
0x39a: {  	v8 =	vld [tilespmem:$0x1FEE0];
	_ =	sdelay $0x1  }
0x39b: {  	v12 =	vadd.s32 $0x9, v4;
	_ =	sdelay $0x4  }
0x39c: {  	v9 =	vld.idx.msk [tilespmem:v12+s16+$0x0], $0xffff  }
0x39d: {  	v8 =	vld.idx.msk [tilespmem:v8+s18+$0x0], $0xffff;
	_ =	sdelay $0x3  }
0x39e: {  	s6 =	sadd.s32 s9, s6;
	[tilespmem:s0+$0x80] =	vst v9  }
0x39f: {  	[tilespmem:s6+$0x0] =	vst v8  }
0x3a0: {  	v8 =	vld [tilespmem:$0x1FDF0];
	_ =	sdelay $0x1  }
0x3a1: {  	v15 =	vadd.s32 $0x9, v5;
	_ =	sdelay $0x4  }
0x3a2: {  	v9 =	vld.idx.msk [tilespmem:v15+s18+$0x0], $0xffff  }
0x3a3: {  	v8 =	vld.idx.msk [tilespmem:v8+s16+$0x0], $0xffff;
	_ =	sdelay $0x3  }
0x3a4: {  	[tilespmem:s10+$0x80] =	vst v9  }
0x3a5: {  	[tilespmem:s5+$0x80] =	vst v8  }
0x3a6: {  	v8 =	vld [tilespmem:$0x1FEF0];
	_ =	sdelay $0x1  }
0x3a7: {  	v16 =	vadd.s32 $0xA, v4;
	_ =	sdelay $0x4  }
0x3a8: {  	v9 =	vld.idx.msk [tilespmem:v16+s16+$0x0], $0xffff  }
0x3a9: {  	v8 =	vld.idx.msk [tilespmem:v8+s18+$0x0], $0xffff;
	_ =	sdelay $0x3  }
0x3aa: {  	[tilespmem:s0+$0x100] =	vst v9  }
0x3ab: {  	[tilespmem:s6+$0x80] =	vst v8  }
0x3ac: {  	v8 =	vld [tilespmem:$0x1FE00];
	_ =	sdelay $0x1  }
0x3ad: {  	v12 =	vadd.s32 $0xA, v5;
	_ =	sdelay $0x4  }
0x3ae: {  	v9 =	vld.idx.msk [tilespmem:v12+s18+$0x0], $0xffff  }
0x3af: {  	v8 =	vld.idx.msk [tilespmem:v8+s16+$0x0], $0xffff;
	_ =	sdelay $0x3  }
0x3b0: {  	[tilespmem:s10+$0x100] =	vst v9  }
0x3b1: {  	[tilespmem:s5+$0x100] =	vst v8  }
0x3b2: {  	v8 =	vld [tilespmem:$0x1FF00];
	_ =	sdelay $0x1  }
0x3b3: {  	v15 =	vadd.s32 $0xB, v4;
	_ =	sdelay $0x4  }
0x3b4: {  	v9 =	vld.idx.msk [tilespmem:v15+s16+$0x0], $0xffff  }
0x3b5: {  	v8 =	vld.idx.msk [tilespmem:v8+s18+$0x0], $0xffff;
	_ =	sdelay $0x3  }
0x3b6: {  	[tilespmem:s0+$0x180] =	vst v9  }
0x3b7: {  	[tilespmem:s6+$0x100] =	vst v8  }
0x3b8: {  	v8 =	vld [tilespmem:$0x1FE10];
	_ =	sdelay $0x1  }
0x3b9: {  	v16 =	vadd.s32 $0xB, v5;
	_ =	sdelay $0x4  }
0x3ba: {  	v9 =	vld.idx.msk [tilespmem:v16+s18+$0x0], $0xffff  }
0x3bb: {  	v8 =	vld.idx.msk [tilespmem:v8+s16+$0x0], $0xffff;
	_ =	sdelay $0x3  }
0x3bc: {  	[tilespmem:s10+$0x180] =	vst v9  }
0x3bd: {  	[tilespmem:s5+$0x180] =	vst v8  }
0x3be: {  	v8 =	vld [tilespmem:$0x1FF10];
	_ =	sdelay $0x1  }
0x3bf: {  	v12 =	vadd.s32 $0xC, v4;
	_ =	sdelay $0x4  }
0x3c0: {  	v9 =	vld.idx.msk [tilespmem:v12+s16+$0x0], $0xffff  }
0x3c1: {  	v8 =	vld.idx.msk [tilespmem:v8+s18+$0x0], $0xffff;
	_ =	sdelay $0x3  }
0x3c2: {  	[tilespmem:s0+$0x200] =	vst v9  }
0x3c3: {  	[tilespmem:s6+$0x180] =	vst v8  }
0x3c4: {  	v8 =	vld [tilespmem:$0x1FE20];
	_ =	sdelay $0x1  }
0x3c5: {  	v15 =	vadd.s32 $0xC, v5;
	_ =	sdelay $0x4  }
0x3c6: {  	v9 =	vld.idx.msk [tilespmem:v15+s18+$0x0], $0xffff  }
0x3c7: {  	v8 =	vld.idx.msk [tilespmem:v8+s16+$0x0], $0xffff;
	_ =	sdelay $0x3  }
0x3c8: {  	[tilespmem:s10+$0x200] =	vst v9  }
0x3c9: {  	[tilespmem:s5+$0x200] =	vst v8  }
0x3ca: {  	v8 =	vld [tilespmem:$0x1FF20];
	_ =	sdelay $0x1  }
0x3cb: {  	v16 =	vadd.s32 $0xD, v4;
	_ =	sdelay $0x4  }
0x3cc: {  	v9 =	vld.idx.msk [tilespmem:v16+s16+$0x0], $0xffff  }
0x3cd: {  	v8 =	vld.idx.msk [tilespmem:v8+s18+$0x0], $0xffff;
	_ =	sdelay $0x3  }
0x3ce: {  	[tilespmem:s0+$0x280] =	vst v9  }
0x3cf: {  	[tilespmem:s6+$0x200] =	vst v8  }
0x3d0: {  	v8 =	vld [tilespmem:$0x1FE30];
	_ =	sdelay $0x1  }
0x3d1: {  	v12 =	vadd.s32 $0xD, v5;
	_ =	sdelay $0x4  }
0x3d2: {  	v9 =	vld.idx.msk [tilespmem:v12+s18+$0x0], $0xffff  }
0x3d3: {  	v8 =	vld.idx.msk [tilespmem:v8+s16+$0x0], $0xffff;
	_ =	sdelay $0x3  }
0x3d4: {  	[tilespmem:s10+$0x280] =	vst v9  }
0x3d5: {  	[tilespmem:s5+$0x280] =	vst v8  }
0x3d6: {  	v8 =	vld [tilespmem:$0x1FF30];
	_ =	sdelay $0x1  }
0x3d7: {  	v15 =	vadd.s32 $0xE, v4;
	_ =	sdelay $0x4  }
0x3d8: {  	v9 =	vld.idx.msk [tilespmem:v15+s16+$0x0], $0xffff  }
0x3d9: {  	v8 =	vld.idx.msk [tilespmem:v8+s18+$0x0], $0xffff;
	_ =	sdelay $0x3  }
0x3da: {  	[tilespmem:s0+$0x300] =	vst v9  }
0x3db: {  	[tilespmem:s6+$0x280] =	vst v8  }
0x3dc: {  	v8 =	vld [tilespmem:$0x1FE40];
	_ =	sdelay $0x1  }
0x3dd: {  	v16 =	vadd.s32 $0xE, v5;
	_ =	sdelay $0x4  }
0x3de: {  	v9 =	vld.idx.msk [tilespmem:v16+s18+$0x0], $0xffff  }
0x3df: {  	v8 =	vld.idx.msk [tilespmem:v8+s16+$0x0], $0xffff;
	_ =	sdelay $0x3  }
0x3e0: {  	[tilespmem:s10+$0x300] =	vst v9  }
0x3e1: {  	[tilespmem:s5+$0x300] =	vst v8  }
0x3e2: {  	v8 =	vld [tilespmem:$0x1FF40];
	_ =	sdelay $0x1  }
0x3e3: {  	v12 =	vadd.s32 $0xF, v4;
	_ =	sdelay $0x4  }
0x3e4: {  	v9 =	vld.idx.msk [tilespmem:v12+s16+$0x0], $0xffff  }
0x3e5: {  	v8 =	vld.idx.msk [tilespmem:v8+s18+$0x0], $0xffff;
	_ =	sdelay $0x3  }
0x3e6: {  	[tilespmem:s0+$0x380] =	vst v9  }
0x3e7: {  	[tilespmem:s6+$0x300] =	vst v8  }
0x3e8: {  	v8 =	vld [tilespmem:$0x1FE50];
	_ =	sdelay $0x1  }
0x3e9: {  	v15 =	vadd.s32 $0xF, v5;
	_ =	sdelay $0x4  }
0x3ea: {  	v9 =	vld.idx.msk [tilespmem:v15+s18+$0x0], $0xffff  }
0x3eb: {  	v8 =	vld.idx.msk [tilespmem:v8+s16+$0x0], $0xffff;
	_ =	sdelay $0x3  }
0x3ec: {  	[tilespmem:s10+$0x380] =	vst v9  }
0x3ed: {  	[tilespmem:s5+$0x380] =	vst v8  }
0x3ee: {  	v8 =	vld [tilespmem:$0x1FF50]  }
0x3ef: {  	v16 =	vadd.s32 $0x10, v4;
	_ =	sdelay $0x4  }
0x3f0: {  	v9 =	vld.idx.msk [tilespmem:v16+s16+$0x0], $0xffff  }
0x3f1: {  	v12 =	vadd.s32 $0x10, v5  }
0x3f2: {  	s0 =	rddreg [dreg:$0xb];
	v8 =	vld.idx.msk [tilespmem:v8+s18+$0x0], $0xffff  }
0x3f3: {  	s0 =	sadd.s32 s13, s0  }
0x3f4: {  	s26 =	sadd.s32 s14, s0  }
0x3f5: {  	[tilespmem:s26+$0x0] =	vst v9  }
0x3f6: {  	v15 =	vld.idx.msk [tilespmem:v12+s18+$0x0], $0xffff  }
0x3f7: {  	[tilespmem:s6+$0x380] =	vst v8  }
0x3f8: {  	s5 =	rddreg [dreg:$0xc]  }
0x3f9: {  	s29 =	sadd.s32 s13, s5  }
0x3fa: {  	s5 =	sadd.s32 s14, s29  }
0x3fb: {  	[tilespmem:s5+$0x0] =	vst v15  }
0x3fc: {  	v15 =	vld [tilespmem:$0x1FE60];
	_ =	sdelay $0x1  }
0x3fd: {  	v16 =	vadd.s32 $0x11, v4;
	_ =	sdelay $0x3  }
0x3fe: {  	v7 =	vld.idx.msk [tilespmem:v7+s18+$0x0], $0xffff  }
0x3ff: {  	v8 =	vld.idx.msk [tilespmem:v16+s16+$0x0], $0xffff  }
0x400: {  	v10 =	vld.idx.msk [tilespmem:v15+s16+$0x0], $0xffff;
	_ =	sdelay $0x2  }
0x401: {  	[tilespmem:s3+$0x80] =	vst v7  }
0x402: {  	s0 =	sadd.s32 s9, s0;
	v12 =	vadd.s32 $0x11, v5;
	[tilespmem:s26+$0x80] =	vst v8  }
0x403: {  	[tilespmem:s0+$0x0] =	vst v10  }
0x404: {  	v7 =	vld [tilespmem:$0x1FF60]  }
0x405: {  	v11 =	vadd.s32 $0x12, v54;
	_ =	sdelay $0x1  }
0x406: {  	v8 =	vld.idx.msk [tilespmem:v12+s18+$0x0], $0xffff  }
0x407: {  	v16 =	vadd.s32 $0x12, v4;
	_ =	sdelay $0x1  }
0x408: {  	v12 =	vld.idx.msk [tilespmem:v11+s16+$0x0], $0xffff;
	_ =	sdelay $0x1  }
0x409: {  	v15 =	vadd.s32 $0x12, v3;
	[tilespmem:s5+$0x80] =	vst v8;
	v7 =	vld.idx.msk [tilespmem:v7+s18+$0x0], $0xffff  }
0x40a: {  	v8 =	vld.idx.msk [tilespmem:v16+s16+$0x0], $0xffff;
	_ =	sdelay $0x1  }
0x40b: {  	[tilespmem:s2+$0x100] =	vst v12  }
0x40c: {  	s6 =	sadd.s32 s9, s29;
	[tilespmem:s21+$0x80] =	vst v6  }
0x40d: {  	v10 =	vld.idx.msk [tilespmem:v15+s18+$0x0], $0xffff;
	[tilespmem:s6+$0x0] =	vst v7  }
0x40e: {  	[tilespmem:s26+$0x100] =	vst v8;
	v12 =	vld.idx.msk [tilespmem:v47+s16+$0x0], $0xffff  }
0x40f: {  	v8 =	vld [tilespmem:$0x1FD40];
	_ =	sdelay $0x2  }
0x410: {  	[tilespmem:s3+$0x100] =	vst v10  }
0x411: {  	v16 =	vadd.s32 $0x12, v5;
	[tilespmem:s0+$0x80] =	vst v12  }
0x412: {  	v10 =	vld [tilespmem:$0x1FF70];
	_ =	sdelay $0x1  }
0x413: {  	v15 =	vadd.s32 $0x13, v54  }
0x414: {  	v8 =	vld.idx.msk [tilespmem:v8+s18+$0x0], $0xffff  }
0x415: {  	v7 =	vld.idx.msk [tilespmem:v16+s18+$0x0], $0xffff  }
0x416: {  	v16 =	vadd.s32 $0x13, v4;
	_ =	sdelay $0x1  }
0x417: {  	v6 =	vld.idx.msk [tilespmem:v15+s16+$0x0], $0xffff  }
0x418: {  	[tilespmem:s1+$0x80] =	vst v8;
	v10 =	vld.idx.msk [tilespmem:v10+s18+$0x0], $0xffff  }
0x419: {  	[tilespmem:s5+$0x100] =	vst v7;
	v12 =	vld.idx.msk [tilespmem:v62+s16+$0x0], $0xffff  }
0x41a: {  	v9 =	vld.idx.msk [tilespmem:v16+s16+$0x0], $0xffff;
	_ =	sdelay $0x1  }
0x41b: {  	[tilespmem:s2+$0x180] =	vst v6  }
0x41c: {  	[tilespmem:s6+$0x80] =	vst v10  }
0x41d: {  	v6 =	vld [tilespmem:$0x1FE70];
	[tilespmem:s21+$0x100] =	vst v12  }
0x41e: {  	[tilespmem:s26+$0x180] =	vst v9  }
0x41f: {  	v47 =	vadd.s32 $0x13, v3;
	v9 =	vld [tilespmem:$0x1FD50];
	_ =	sdelay $0x3  }
0x420: {  	v15 =	vadd.s32 $0x13, v5  }
0x421: {  	v8 =	vld.idx.msk [tilespmem:v47+s18+$0x0], $0xffff  }
0x422: {  	v6 =	vld.idx.msk [tilespmem:v6+s16+$0x0], $0xffff;
	_ =	sdelay $0x1  }
0x423: {  	v9 =	vld.idx.msk [tilespmem:v9+s18+$0x0], $0xffff  }
0x424: {  	v10 =	vld.idx.msk [tilespmem:v15+s18+$0x0], $0xffff  }
0x425: {  	[tilespmem:s3+$0x180] =	vst v8  }
0x426: {  	[tilespmem:s0+$0x100] =	vst v6  }
0x427: {  	v8 =	vld [tilespmem:$0x1FF80]  }
0x428: {  	[tilespmem:s1+$0x100] =	vst v9  }
0x429: {  	v16 =	vadd.s32 $0x14, v54;
	[tilespmem:s5+$0x180] =	vst v10  }
0x42a: {  	v10 =	vld [tilespmem:$0x1FD60];
	_ =	sdelay $0x3  }
0x42b: {  	v47 =	vadd.s32 $0x14, v4;
	v7 =	vld.idx.msk [tilespmem:v16+s16+$0x0], $0xffff  }
0x42c: {  	v8 =	vld.idx.msk [tilespmem:v8+s18+$0x0], $0xffff;
	_ =	sdelay $0x2  }
0x42d: {  	v10 =	vld.idx.msk [tilespmem:v10+s16+$0x0], $0xffff  }
0x42e: {  	v6 =	vld.idx.msk [tilespmem:v47+s16+$0x0], $0xffff;
	[tilespmem:s2+$0x200] =	vst v7  }
0x42f: {  	[tilespmem:s6+$0x100] =	vst v8  }
0x430: {  	v7 =	vld [tilespmem:$0x1FE80];
	_ =	sdelay $0x1  }
0x431: {  	v62 =	vadd.s32 $0x14, v3;
	[tilespmem:s21+$0x180] =	vst v10  }
0x432: {  	[tilespmem:s26+$0x200] =	vst v6  }
0x433: {  	v6 =	vld [tilespmem:$0x1FD70];
	_ =	sdelay $0x2  }
0x434: {  	v9 =	vld.idx.msk [tilespmem:v62+s18+$0x0], $0xffff  }
0x435: {  	v12 =	vadd.s32 $0x14, v5;
	v7 =	vld.idx.msk [tilespmem:v7+s16+$0x0], $0xffff;
	_ =	sdelay $0x3  }
0x436: {  	[tilespmem:s3+$0x200] =	vst v9;
	v6 =	vld.idx.msk [tilespmem:v6+s18+$0x0], $0xffff  }
0x437: {  	v8 =	vld.idx.msk [tilespmem:v12+s18+$0x0], $0xffff;
	[tilespmem:s0+$0x180] =	vst v7  }
0x438: {  	v9 =	vld [tilespmem:$0x1FF90];
	_ =	sdelay $0x1  }
0x439: {  	v15 =	vadd.s32 $0x15, v54  }
0x43a: {  	[tilespmem:s1+$0x180] =	vst v6  }
0x43b: {  	[tilespmem:s5+$0x200] =	vst v8  }
0x43c: {  	v8 =	vld [tilespmem:$0x1FD80];
	_ =	sdelay $0x1  }
0x43d: {  	v10 =	vld.idx.msk [tilespmem:v15+s16+$0x0], $0xffff  }
0x43e: {  	v9 =	vld.idx.msk [tilespmem:v9+s18+$0x0], $0xffff;
	_ =	sdelay $0x1  }
0x43f: {  	v16 =	vadd.s32 $0x15, v4;
	_ =	sdelay $0x1  }
0x440: {  	[tilespmem:s2+$0x280] =	vst v10  }
0x441: {  	v8 =	vld.idx.msk [tilespmem:v8+s16+$0x0], $0xffff;
	[tilespmem:s6+$0x180] =	vst v9  }
0x442: {  	v10 =	vld [tilespmem:$0x1FE90]  }
0x443: {  	v47 =	vadd.s32 $0x15, v3;
	v7 =	vld.idx.msk [tilespmem:v16+s16+$0x0], $0xffff;
	_ =	sdelay $0x3  }
0x444: {  	[tilespmem:s21+$0x200] =	vst v8  }
0x445: {  	v6 =	vld.idx.msk [tilespmem:v47+s18+$0x0], $0xffff;
	[tilespmem:s26+$0x280] =	vst v7  }
0x446: {  	v7 =	vld [tilespmem:$0x1FD90]  }
0x447: {  	v10 =	vld.idx.msk [tilespmem:v10+s16+$0x0], $0xffff;
	_ =	sdelay $0x3  }
0x448: {  	v62 =	vadd.s32 $0x15, v5;
	[tilespmem:s3+$0x280] =	vst v6  }
0x449: {  	[tilespmem:s0+$0x200] =	vst v10  }
0x44a: {  	v6 =	vld [tilespmem:$0x1FFA0];
	_ =	sdelay $0x1  }
0x44b: {  	v12 =	vadd.s32 $0x16, v54;
	v7 =	vld.idx.msk [tilespmem:v7+s18+$0x0], $0xffff  }
0x44c: {  	v9 =	vld.idx.msk [tilespmem:v62+s18+$0x0], $0xffff;
	_ =	sdelay $0x3  }
0x44d: {  	v8 =	vld.idx.msk [tilespmem:v12+s16+$0x0], $0xffff;
	[tilespmem:s1+$0x200] =	vst v7  }
0x44e: {  	[tilespmem:s5+$0x280] =	vst v9;
	v6 =	vld.idx.msk [tilespmem:v6+s18+$0x0], $0xffff  }
0x44f: {  	v9 =	vld [tilespmem:$0x1FDA0];
	_ =	sdelay $0x2  }
0x450: {  	[tilespmem:s2+$0x300] =	vst v8  }
0x451: {  	v15 =	vadd.s32 $0x16, v4;
	[tilespmem:s6+$0x200] =	vst v6  }
0x452: {  	v8 =	vld [tilespmem:$0x1FEA0];
	_ =	sdelay $0x1  }
0x453: {  	v16 =	vadd.s32 $0x16, v3  }
0x454: {  	v9 =	vld.idx.msk [tilespmem:v9+s16+$0x0], $0xffff  }
0x455: {  	v10 =	vld.idx.msk [tilespmem:v15+s16+$0x0], $0xffff;
	_ =	sdelay $0x2  }
0x456: {  	v7 =	vld.idx.msk [tilespmem:v16+s18+$0x0], $0xffff  }
0x457: {  	[tilespmem:s21+$0x280] =	vst v9;
	v8 =	vld.idx.msk [tilespmem:v8+s16+$0x0], $0xffff  }
0x458: {  	[tilespmem:s26+$0x300] =	vst v10  }
0x459: {  	v10 =	vld [tilespmem:$0x1FDB0];
	_ =	sdelay $0x1  }
0x45a: {  	[tilespmem:s3+$0x300] =	vst v7  }
0x45b: {  	[tilespmem:s0+$0x280] =	vst v8  }
0x45c: {  	v47 =	vadd.s32 $0x16, v5;
	v7 =	vld [tilespmem:$0x1FFB0];
	_ =	sdelay $0x1  }
0x45d: {  	v62 =	vadd.s32 $0x17, v54;
	_ =	sdelay $0x1  }
0x45e: {  	v10 =	vld.idx.msk [tilespmem:v10+s18+$0x0], $0xffff  }
0x45f: {  	v6 =	vld.idx.msk [tilespmem:v47+s18+$0x0], $0xffff;
	_ =	sdelay $0x1  }
0x460: {  	v9 =	vld.idx.msk [tilespmem:v62+s16+$0x0], $0xffff  }
0x461: {  	v7 =	vld.idx.msk [tilespmem:v7+s18+$0x0], $0xffff  }
0x462: {  	[tilespmem:s1+$0x280] =	vst v10  }
0x463: {  	[tilespmem:s5+$0x300] =	vst v6  }
0x464: {  	v6 =	vld [tilespmem:$0x1FDC0]  }
0x465: {  	[tilespmem:s2+$0x380] =	vst v9  }
0x466: {  	[tilespmem:s6+$0x280] =	vst v7  }
0x467: {  	v9 =	vld [tilespmem:$0x1FEB0]  }
0x468: {  	v12 =	vadd.s32 $0x17, v4  }
0x469: {  	v15 =	vadd.s32 $0x17, v3;
	_ =	sdelay $0x2  }
0x46a: {  	v6 =	vld.idx.msk [tilespmem:v6+s16+$0x0], $0xffff  }
0x46b: {  	v8 =	vld.idx.msk [tilespmem:v12+s16+$0x0], $0xffff  }
0x46c: {  	v10 =	vld.idx.msk [tilespmem:v15+s18+$0x0], $0xffff  }
0x46d: {  	v9 =	vld.idx.msk [tilespmem:v9+s16+$0x0], $0xffff;
	_ =	sdelay $0x1  }
0x46e: {  	[tilespmem:s21+$0x300] =	vst v6  }
0x46f: {  	[tilespmem:s26+$0x380] =	vst v8  }
0x470: {  	[tilespmem:s3+$0x380] =	vst v10  }
0x471: {  	[tilespmem:s0+$0x300] =	vst v9  }
0x472: {  	v8 =	vld [tilespmem:$0x1FFC0];
	_ =	sdelay $0x1  }
0x473: {  	v16 =	vadd.s32 $0x17, v5;
	_ =	sdelay $0x3  }
0x474: {  	v6 =	vld.idx.msk [tilespmem:v61+s18+$0x0], $0xffff  }
0x475: {  	v7 =	vld.idx.msk [tilespmem:v16+s18+$0x0], $0xffff  }
0x476: {  	v8 =	vld.idx.msk [tilespmem:v8+s18+$0x0], $0xffff;
	_ =	sdelay $0x2  }
0x477: {  	s2 =	rddreg [dreg:$0xd];
	[tilespmem:s1+$0x300] =	vst v6  }
0x478: {  	[tilespmem:s5+$0x380] =	vst v7  }
0x479: {  	s31 =	rddreg [dreg:$0xd];
	[tilespmem:s6+$0x300] =	vst v8  }
0x47a: {  	v7 =	vld [tilespmem:$0x1FEC0];
	_ =	sdelay $0x6  }
0x47b: {  	v6 =	vld.idx.msk [tilespmem:v58+s16+$0x0], $0xffff  }
0x47c: {  	v7 =	vld.idx.msk [tilespmem:v7+s16+$0x0], $0xffff;
	_ =	sdelay $0x3  }
0x47d: {  	[tilespmem:s21+$0x380] =	vst v6  }
0x47e: {  	[tilespmem:s0+$0x380] =	vst v7  }
0x47f: {  	v9 =	vld [tilespmem:$0x1FFD0];
	_ =	sdelay $0x5  }
0x480: {  	v61 =	vadd.s32 $0x18, v4;
	v58 =	vld.idx.msk [tilespmem:v55+s18+$0x0], $0xffff;
	_ =	sdelay $0x1  }
0x481: {  	v47 =	vadd.s32 $0x18, v54;
	v9 =	vld.idx.msk [tilespmem:v9+s18+$0x0], $0xffff;
	_ =	sdelay $0x2  }
0x482: {  	v7 =	vld.idx.msk [tilespmem:v61+s16+$0x0], $0xffff;
	[tilespmem:s1+$0x380] =	vst v58  }
0x483: {  	v12 =	vld.idx.msk [tilespmem:v2+s16+$0x0], $0xffff  }
0x484: {  	v6 =	vld.idx.msk [tilespmem:v47+s16+$0x0], $0xffff;
	[tilespmem:s6+$0x380] =	vst v9  }
0x485: {  	s3 =	sadd.s32 s13, s31;
	v16 =	vld.idx.msk [tilespmem:v57+s16+$0x0], $0xffff  }
0x486: {  	s5 =	sadd.s32 s11, s2;
	s10 =	sadd.s32 s14, s3  }
0x487: {  	s0 =	sadd.s32 s25, s5;
	[tilespmem:s10+$0x0] =	vst v7  }
0x488: {  	[tilespmem:s0+$0x0] =	vst v12;
	s6 =	sadd.s32 s28, s5  }
0x489: {  	s15 =	sadd.s32 s9, s3;
	[tilespmem:s6+$0x0] =	vst v6  }
0x48a: {  	[tilespmem:s15+$0x0] =	vst v16  }
0x48b: {  	v62 =	vadd.s32 $0x18, v3;
	v58 =	vld [tilespmem:$0x1FFE0];
	_ =	sdelay $0x1  }
0x48c: {  	v15 =	vadd.s32 $0x18, v5;
	_ =	sdelay $0x2  }
0x48d: {  	v6 =	vld.idx.msk [tilespmem:v62+s18+$0x0], $0xffff  }
0x48e: {  	v47 =	vadd.s32 $0x19, v54;
	v55 =	vld.idx.msk [tilespmem:v53+s18+$0x0], $0xffff  }
0x48f: {  	v9 =	vld.idx.msk [tilespmem:v15+s18+$0x0], $0xffff  }
0x490: {  	s17 =	sadd.s32 s11, s30;
	v57 =	vadd.s32 $0x19, v4;
	v11 =	vld.idx.msk [tilespmem:v58+s18+$0x0], $0xffff  }
0x491: {  	s19 =	sadd.s32 s28, s17  }
0x492: {  	s3 =	sadd.s32 s25, s17;
	s21 =	sadd.s32 s13, s30;
	[tilespmem:s19+$0x0] =	vst v6  }
0x493: {  	s24 =	sadd.s32 s14, s21;
	[tilespmem:s3+$0x0] =	vst v55;
	v6 =	vld.idx.msk [tilespmem:v47+s16+$0x0], $0xffff  }
0x494: {  	s25 =	sadd.s32 s9, s21;
	v61 =	vadd.s32 $0x19, v3;
	[tilespmem:s24+$0x0] =	vst v9;
	v8 =	vld.idx.msk [tilespmem:v52+s16+$0x0], $0xffff  }
0x495: {  	v9 =	vld.idx.msk [tilespmem:v57+s16+$0x0], $0xffff;
	[tilespmem:s25+$0x0] =	vst v11  }
0x496: {  	v62 =	vadd.s32 $0x19, v5;
	v11 =	vld.idx.msk [tilespmem:v56+s16+$0x0], $0xffff  }
0x497: {  	[tilespmem:s20+$0x380] =	vst v38  }
0x498: {  	v12 =	vld.idx.msk [tilespmem:v34+s18+$0x0], $0xffff;
	[tilespmem:s6+$0x80] =	vst v6  }
0x499: {  	[tilespmem:s0+$0x80] =	vst v8;
	v6 =	vld.idx.msk [tilespmem:v61+s18+$0x0], $0xffff  }
0x49a: {  	[tilespmem:s10+$0x80] =	vst v9;
	v8 =	vld.idx.msk [tilespmem:v35+s18+$0x0], $0xffff  }
0x49b: {  	v9 =	vld.idx.msk [tilespmem:v62+s18+$0x0], $0xffff;
	[tilespmem:s15+$0x80] =	vst v11  }
0x49c: {  	[tilespmem:s7+$0x80] =	vst v41;
	v11 =	vld.idx.msk [tilespmem:v13+s18+$0x0], $0xffff  }
0x49d: {  	[tilespmem:s8+$0x380] =	vst v12  }
0x49e: {  	[tilespmem:s19+$0x80] =	vst v6  }
0x49f: {  	[tilespmem:s3+$0x80] =	vst v8  }
0x4a0: {  	[tilespmem:s24+$0x80] =	vst v9  }
0x4a1: {  	v2 =	vadd.s32 $0x1A, v54;
	[tilespmem:s25+$0x80] =	vst v11  }
0x4a2: {  	v47 =	vld [tilespmem:$0x1FED0]  }
0x4a3: {  	v16 =	vadd.s32 $0x1A, v4;
	_ =	sdelay $0x1  }
0x4a4: {  	v34 =	vld.idx.msk [tilespmem:v48+s16+$0x0], $0xffff  }
0x4a5: {  	v7 =	vld.idx.msk [tilespmem:v2+s16+$0x0], $0xffff  }
0x4a6: {  	v38 =	vld.idx.msk [tilespmem:v50+s16+$0x0], $0xffff  }
0x4a7: {  	v35 =	vadd.s32 $0x1A, v3;
	v10 =	vld.idx.msk [tilespmem:v16+s16+$0x0], $0xffff;
	_ =	sdelay $0x1  }
0x4a8: {  	v41 =	vadd.s32 $0x1A, v5;
	[tilespmem:s4+$0x100] =	vst v34;
	v48 =	vld.idx.msk [tilespmem:v47+s16+$0x0], $0xffff  }
0x4a9: {  	[tilespmem:s6+$0x100] =	vst v7  }
0x4aa: {  	[tilespmem:s0+$0x100] =	vst v38;
	v6 =	vld.idx.msk [tilespmem:v49+s18+$0x0], $0xffff  }
0x4ab: {  	[tilespmem:s10+$0x100] =	vst v10;
	v7 =	vld.idx.msk [tilespmem:v35+s18+$0x0], $0xffff  }
0x4ac: {  	[tilespmem:s12+$0x100] =	vst v40;
	v9 =	vld.idx.msk [tilespmem:v39+s18+$0x0], $0xffff  }
0x4ad: {  	v10 =	vld.idx.msk [tilespmem:v41+s18+$0x0], $0xffff;
	[tilespmem:s15+$0x100] =	vst v48  }
0x4ae: {  	v53 =	vld [tilespmem:$0x1FFF0]  }
0x4af: {  	v50 =	vadd.s32 $0x1B, v54;
	[tilespmem:s7+$0x100] =	vst v6  }
0x4b0: {  	[tilespmem:s19+$0x100] =	vst v7  }
0x4b1: {  	v55 =	vld.idx.msk [tilespmem:v42+s16+$0x0], $0xffff;
	[tilespmem:s3+$0x100] =	vst v9  }
0x4b2: {  	v56 =	vadd.s32 $0x1B, v31;
	[tilespmem:s24+$0x100] =	vst v10;
	v57 =	vld.idx.msk [tilespmem:v51+s16+$0x0], $0xffff  }
0x4b3: {  	v52 =	vadd.s32 $0x1B, v4;
	v10 =	vld [tilespmem:$0x1FDD0]  }
0x4b4: {  	v8 =	vld.idx.msk [tilespmem:v50+s16+$0x0], $0xffff  }
0x4b5: {  	v58 =	vadd.s32 $0x1B, v3  }
0x4b6: {  	[tilespmem:s23+$0x180] =	vst v55;
	v12 =	vld.idx.msk [tilespmem:v53+s18+$0x0], $0xffff  }
0x4b7: {  	v7 =	vld.idx.msk [tilespmem:v56+s18+$0x0], $0xffff  }
0x4b8: {  	v62 =	vadd.s32 $0x1C, v32;
	v11 =	vld.idx.msk [tilespmem:v52+s16+$0x0], $0xffff;
	[tilespmem:s4+$0x180] =	vst v57  }
0x4b9: {  	v61 =	vadd.s32 $0x1B, v5;
	[tilespmem:s6+$0x180] =	vst v8;
	v13 =	vld.idx.msk [tilespmem:v30+s18+$0x0], $0xffff  }
0x4ba: {  	v9 =	vld.idx.msk [tilespmem:v58+s18+$0x0], $0xffff  }
0x4bb: {  	v2 =	vadd.s32 $0x1C, v54;
	v10 =	vld.idx.msk [tilespmem:v10+s16+$0x0], $0xffff;
	[tilespmem:s25+$0x100] =	vst v12  }
0x4bc: {  	[tilespmem:s12+$0x180] =	vst v7;
	v12 =	vld.idx.msk [tilespmem:v27+s16+$0x0], $0xffff  }
0x4bd: {  	[tilespmem:s10+$0x180] =	vst v11;
	v8 =	vld.idx.msk [tilespmem:v62+s16+$0x0], $0xffff  }
0x4be: {  	v6 =	vld.idx.msk [tilespmem:v61+s18+$0x0], $0xffff;
	v30 =	vadd.s32 $0x1C, v31;
	[tilespmem:s7+$0x180] =	vst v13  }
0x4bf: {  	[tilespmem:s19+$0x180] =	vst v9;
	v13 =	vld.idx.msk [tilespmem:v46+s16+$0x0], $0xffff;
	v27 =	vadd.s32 $0x1C, v4  }
0x4c0: {  	[tilespmem:s0+$0x180] =	vst v10;
	v10 =	vld.idx.msk [tilespmem:v2+s16+$0x0], $0xffff  }
0x4c1: {  	v34 =	vadd.s32 $0x1C, v3;
	v16 =	vld.idx.msk [tilespmem:v63+s18+$0x0], $0xffff;
	[tilespmem:s15+$0x180] =	vst v12  }
0x4c2: {  	[tilespmem:s23+$0x200] =	vst v8;
	v12 =	vld.idx.msk [tilespmem:v19+s18+$0x0], $0xffff  }
0x4c3: {  	[tilespmem:s24+$0x180] =	vst v6;
	v9 =	vld.idx.msk [tilespmem:v30+s18+$0x0], $0xffff  }
0x4c4: {  	v38 =	vadd.s32 $0x1D, v32;
	[tilespmem:s4+$0x200] =	vst v13;
	v7 =	vld.idx.msk [tilespmem:v27+s16+$0x0], $0xffff  }
0x4c5: {  	v35 =	vadd.s32 $0x1C, v5;
	[tilespmem:s6+$0x200] =	vst v10;
	v13 =	vld.idx.msk [tilespmem:v37+s18+$0x0], $0xffff  }
0x4c6: {  	[tilespmem:s3+$0x180] =	vst v16;
	v6 =	vld.idx.msk [tilespmem:v34+s18+$0x0], $0xffff  }
0x4c7: {  	v39 =	vadd.s32 $0x1D, v54;
	v11 =	vld.idx.msk [tilespmem:v59+s16+$0x0], $0xffff;
	[tilespmem:s25+$0x180] =	vst v12  }
0x4c8: {  	[tilespmem:s12+$0x200] =	vst v9;
	v12 =	vld.idx.msk [tilespmem:v25+s16+$0x0], $0xffff  }
0x4c9: {  	v10 =	vld.idx.msk [tilespmem:v38+s16+$0x0], $0xffff;
	[tilespmem:s10+$0x200] =	vst v7  }
0x4ca: {  	v41 =	vadd.s32 $0x1D, v31;
	[tilespmem:s7+$0x200] =	vst v13;
	v8 =	vld.idx.msk [tilespmem:v35+s18+$0x0], $0xffff  }
0x4cb: {  	v40 =	vadd.s32 $0x1D, v4;
	[tilespmem:s19+$0x200] =	vst v6;
	v13 =	vld.idx.msk [tilespmem:v45+s16+$0x0], $0xffff  }
0x4cc: {  	[tilespmem:s0+$0x200] =	vst v11;
	v7 =	vld.idx.msk [tilespmem:v39+s16+$0x0], $0xffff  }
0x4cd: {  	v42 =	vadd.s32 $0x1D, v3;
	v11 =	vld.idx.msk [tilespmem:v1+s18+$0x0], $0xffff;
	[tilespmem:s15+$0x200] =	vst v12  }
0x4ce: {  	[tilespmem:s23+$0x280] =	vst v10;
	v12 =	vld.idx.msk [tilespmem:v0+s18+$0x0], $0xffff  }
0x4cf: {  	v6 =	vld.idx.msk [tilespmem:v41+s18+$0x0], $0xffff;
	[tilespmem:s24+$0x200] =	vst v8  }
0x4d0: {  	v46 =	vadd.s32 $0x1E, v32;
	[tilespmem:s4+$0x280] =	vst v13;
	v9 =	vld.idx.msk [tilespmem:v40+s16+$0x0], $0xffff  }
0x4d1: {  	v45 =	vadd.s32 $0x1D, v5;
	[tilespmem:s6+$0x280] =	vst v7;
	v13 =	vld.idx.msk [tilespmem:v44+s18+$0x0], $0xffff  }
0x4d2: {  	[tilespmem:s3+$0x200] =	vst v11;
	v8 =	vld.idx.msk [tilespmem:v42+s18+$0x0], $0xffff  }
0x4d3: {  	v47 =	vadd.s32 $0x1E, v54;
	v11 =	vld.idx.msk [tilespmem:v60+s16+$0x0], $0xffff;
	[tilespmem:s25+$0x200] =	vst v12  }
0x4d4: {  	[tilespmem:s12+$0x280] =	vst v6;
	v12 =	vld.idx.msk [tilespmem:v24+s16+$0x0], $0xffff  }
0x4d5: {  	v7 =	vld.idx.msk [tilespmem:v46+s16+$0x0], $0xffff;
	[tilespmem:s10+$0x280] =	vst v9  }
0x4d6: {  	v49 =	vadd.s32 $0x1E, v31;
	[tilespmem:s7+$0x280] =	vst v13;
	v10 =	vld.idx.msk [tilespmem:v45+s18+$0x0], $0xffff  }
0x4d7: {  	v48 =	vadd.s32 $0x1E, v4;
	[tilespmem:s19+$0x280] =	vst v8;
	v13 =	vld.idx.msk [tilespmem:v43+s16+$0x0], $0xffff  }
0x4d8: {  	[tilespmem:s0+$0x280] =	vst v11;
	v9 =	vld.idx.msk [tilespmem:v47+s16+$0x0], $0xffff  }
0x4d9: {  	v50 =	vadd.s32 $0x1E, v3;
	v11 =	vld.idx.msk [tilespmem:v29+s18+$0x0], $0xffff;
	[tilespmem:s15+$0x280] =	vst v12  }
0x4da: {  	[tilespmem:s23+$0x300] =	vst v7;
	v12 =	vld.idx.msk [tilespmem:v18+s18+$0x0], $0xffff  }
0x4db: {  	v8 =	vld.idx.msk [tilespmem:v49+s18+$0x0], $0xffff;
	[tilespmem:s24+$0x280] =	vst v10  }
0x4dc: {  	v52 =	vadd.s32 $0x1F, v32;
	[tilespmem:s4+$0x300] =	vst v13;
	v6 =	vld.idx.msk [tilespmem:v48+s16+$0x0], $0xffff  }
0x4dd: {  	v51 =	vadd.s32 $0x1E, v5;
	[tilespmem:s6+$0x300] =	vst v9;
	v53 =	vld.idx.msk [tilespmem:v36+s18+$0x0], $0xffff  }
0x4de: {  	[tilespmem:s3+$0x280] =	vst v11;
	v10 =	vld.idx.msk [tilespmem:v50+s18+$0x0], $0xffff  }
0x4df: {  	v54 =	vadd.s32 $0x1F, v54;
	v11 =	vld.idx.msk [tilespmem:v28+s16+$0x0], $0xffff;
	[tilespmem:s25+$0x280] =	vst v12  }
0x4e0: {  	[tilespmem:s12+$0x300] =	vst v8;
	v12 =	vld.idx.msk [tilespmem:v21+s16+$0x0], $0xffff  }
0x4e1: {  	v1 =	vld.idx.msk [tilespmem:v52+s16+$0x0], $0xffff;
	[tilespmem:s10+$0x300] =	vst v6  }
0x4e2: {  	[tilespmem:s7+$0x300] =	vst v53;
	v7 =	vld.idx.msk [tilespmem:v51+s18+$0x0], $0xffff  }
0x4e3: {  	[tilespmem:s19+$0x300] =	vst v10;
	v9 =	vld.idx.msk [tilespmem:v33+s16+$0x0], $0xffff  }
0x4e4: {  	[tilespmem:s0+$0x300] =	vst v11;
	v2 =	vld.idx.msk [tilespmem:v54+s16+$0x0], $0xffff  }
0x4e5: {  	v55 =	vld.idx.msk [tilespmem:v26+s18+$0x0], $0xffff;
	[tilespmem:s15+$0x300] =	vst v12  }
0x4e6: {  	[tilespmem:s23+$0x380] =	vst v1;
	v57 =	vld.idx.msk [tilespmem:v17+s18+$0x0], $0xffff  }
0x4e7: {  	[tilespmem:s24+$0x300] =	vst v7  }
0x4e8: {  	[tilespmem:s4+$0x380] =	vst v9  }
0x4e9: {  	[tilespmem:s6+$0x380] =	vst v2  }
0x4ea: {  	v56 =	vadd.s32 $0x1F, v4;
	[tilespmem:s3+$0x300] =	vst v55  }
0x4eb: {  	[tilespmem:s25+$0x300] =	vst v57  }
0x4ec: {  	v58 =	vadd.s32 $0x1F, v31;
	v2 =	vld [tilespmem:$0x1FD30]  }
0x4ed: {  	v59 =	vadd.s32 $0x1F, v3;
	v6 =	vld.idx.msk [tilespmem:v23+s16+$0x0], $0xffff;
	_ =	sdelay $0x1  }
0x4ee: {  	v4 =	vld.idx.msk [tilespmem:v56+s16+$0x0], $0xffff  }
0x4ef: {  	v60 =	vadd.s32 $0x1F, v5;
	v61 =	vld.idx.msk [tilespmem:v20+s16+$0x0], $0xffff  }
0x4f0: {  	v0 =	vld.idx.msk [tilespmem:v58+s18+$0x0], $0xffff  }
0x4f1: {  	v3 =	vld.idx.msk [tilespmem:v59+s18+$0x0], $0xffff;
	[tilespmem:s0+$0x380] =	vst v6  }
0x4f2: {  	v62 =	vld.idx.msk [tilespmem:v22+s18+$0x0], $0xffff  }
0x4f3: {  	[tilespmem:s10+$0x380] =	vst v4;
	v2 =	vld.idx.msk [tilespmem:v2+s18+$0x0], $0xffff  }
0x4f4: {  	v1 =	vld.idx.msk [tilespmem:v60+s18+$0x0], $0xffff;
	[tilespmem:s15+$0x380] =	vst v61  }
0x4f5: {  	[tilespmem:s12+$0x380] =	vst v0;
	v63 =	vld.idx.msk [tilespmem:v14+s18+$0x0], $0xffff  }
0x4f6: {  	s1 =	rddreg [dreg:$0xe];
	[tilespmem:s19+$0x380] =	vst v3  }
0x4f7: {  	[tilespmem:s3+$0x380] =	vst v62  }
0x4f8: {  	[tilespmem:s7+$0x380] =	vst v2  }
0x4f9: {  	s28 =	rddreg [dreg:$0x11];
	[tilespmem:s24+$0x380] =	vst v1  }
0x4fa: {  	s26 =	sshll.u32 s22, $0x1;
	[tilespmem:s25+$0x380] =	vst v63  }
0x4fb: {  	s0 =	sor.u32 s1, s26;
	s22 =	rddreg [dreg:$0x1a]  }
0x4fc: {  	s0 =	smul.u32 $0x70000, s0;
	p0 =	sne.s32 s22, $0x64  }
.Ltmp3:
0x4fd: {  	_ = 	snop;
	(pc) =	sbr.rel @p0 .LBB2_2-.Ltmp3, $4  }
0x4fe: {  	s0 =	sor.u32 s28, s0  }
0x4ff: {  	s29 =	rddreg [dreg:$0x4];
	s31 =	simm.s32 $0x8000;
	s0 =	sshrl.u32 s0, $0x3  }
0x500: {  	s30 =	simm.s32 $0x800;
	s3 =	rddreg [dreg:$0x1b];
	s0 =	sadd.s32 s29, s0  }
0x501: {  	[hbm4b:s0+s30] =	stream.strided.scatter [tilespmem:s3], [sflag:$0x3], $0x7000, s31, s30, $0x38;
	[tilespmem:$0xFE00] =	vst v63  }
0x502: {  	s1 =	simm.s32 $0x3  }
0x503: {  	_ =	swait.ge [sflag:s1], $0x7000  }
0x504: {  	s2 =	rddreg [dreg:$0x19]  }
0x505: {  	s0 =	rddreg [dreg:$0x16];
	s2 =	sadd.s32 $0x1, s2  }
0x506: {  	p0 =	sne.s32 s2, s0  }
.Ltmp4:
0x507: {  	_ = 	snop;
	(pc) =	sbr.rel @p0 .LBB2_1-.Ltmp4, $3  }
0x508: {  	_ =	sdelay $0x1  }
0x509: {  	[sflag:s1] =	ssyncset.done $0x0  }
0x50a: {  	[sflag:s1] =	ssyncadd.s32 $0xFFFF9000  }
0x50b: {  	_ =	sfence.sel $0x180000  }
0x50c: {  	[bflag:$0x0] =	sbarrier.arrive $0xFFFF  }
0x50d: {  	_ =	strace $0x90000047  }
0x50e: {  	s0 =	stileid.u32;
	[bflag:$0x2] =	sbarrier.arrive $0xFFFF  }
0x50f: {  	p0 =	sne.s32 s0, $0x0;
	s0 =	rddreg [dreg:$0x5]  }
0x510: {  	s0 =	sadd.s32 @!p0 $0x100000, s0  }
0x511: {  	[sflag:s0] =	ssyncadd.tile.s32 @!p0 $0x1;
	_ =	shalt  }
.Lfunc_end2:
_tile_overlayer_lowered:
.L_overlay_start_2:
0x512: {  	(tag) =	ssettag $0x2  }
0x513: {  	s0 =	rddreg [dreg:$0x0];
	s2 =	stileid.u32  }
0x514: {  	s1 =	rddreg [dreg:$0x1];
	p0 =	sne.s32 s2, $0x0  }
0x515: {  	s3 =	rddreg [dreg:$0x2];
	[bflag:$0x3] =	sbarrier.arrive $0xFFFF;
	s2 =	simm.s32 @!p0 $0x1C04  }
0x516: {  	[timem:s3], [sflag:s2] =	dma.local @!p0 [hbm:s0], s1  }
0x517: {  	s0 =	simm.s32 @!p0 $0x4  }
0x518: {  	_ =	swait.ge @!p0 [sflag:s0], s1  }
0x519: {  	s1 =	ssub.s32 @!p0 $0x0, s1;
	[sflag:s0] =	ssyncset.done @!p0 $0x0  }
0x51a: {  	[sflag:s0] =	ssyncadd.s32 @!p0 s1  }
0x51b: {  	[bflag:$0x3] =	sbarrier.arrive $0xFFFF  }
0x51c: {  	_ =	shalt  }

</sc_bundles>
